<compile_context>
chip_gen: v7x
topology: tpu7x:2x2x1
jax: 0.10.2.dev20260603
libtpu: 0.0.44.dev20260713+nightly
codegen_flags: <defaults>
</compile_context>

<pallas_src>
import jax
import jax.numpy as jnp
from jax import lax
from jax.experimental import pallas as pl
from jax.experimental.pallas import tpu as pltpu
from jax.experimental.pallas import tpu_sc as plsc

B = 1024
NUMX_PAD = 1000000
L = 200
D = 64
LP = 208
NW = 32
SPW = B // NW
SPLIT = 104
NGRP = LP // 16
NDC = D // 16


def _body(embs_hbm, sl_hbm, w_hbm, bias_hbm, out_hbm,
          sl_v, emb_v, rows_v, tbuf_v, bias_v, out_v,
          pidx_v0, pidx_v1, gsem0, gsem1, osem):
    pidx_bufs = (pidx_v0, pidx_v1)
    wid = lax.axis_index("s") * 2 + lax.axis_index("c")
    base = wid * SPW

    pltpu.sync_copy(sl_hbm.at[pl.ds(base, SPW)], sl_v)
    pltpu.sync_copy(embs_hbm.at[pl.ds(base, SPW)], emb_v)

    gsems = (gsem0, gsem1)

    def gather_cps(j, buf, sem):
        pv = pidx_bufs[buf]
        return [
            pltpu.make_async_copy(w_hbm.at[pv.at[pl.ds(0, SPLIT)]],
                                  rows_v.at[buf, pl.ds(0, SPLIT)], sem),
            pltpu.make_async_copy(w_hbm.at[pv.at[pl.ds(SPLIT, L - SPLIT)]],
                                  rows_v.at[buf, pl.ds(SPLIT, L - SPLIT)], sem),
            pltpu.make_async_copy(bias_hbm.at[sl_v.at[j, pl.ds(0, SPLIT)]],
                                  bias_v.at[buf, pl.ds(0, SPLIT)], sem),
            pltpu.make_async_copy(bias_hbm.at[sl_v.at[j, pl.ds(SPLIT, L - SPLIT)]],
                                  bias_v.at[buf, pl.ds(SPLIT, L - SPLIT)], sem),
        ]

    def fire(j, buf, sem):
        pv = pidx_bufs[buf]
        for off in list(range(0, L - 16, 16)) + [L - 16]:
            iv = sl_v[j, pl.ds(off, 16)]
            pv[pl.ds(off, 16)] = lax.shift_left(iv, 1)
        for cp in gather_cps(j, buf, sem):
            cp.start()

    def drain(j, buf, sem):
        for cp in gather_cps(j, buf, sem):
            cp.wait()

    fire(0, 0, gsems[0])
    fire(1, 1, gsems[1])

    @pl.loop(0, SPW, step=2)
    def step(i0):
        for buf in range(2):
            i = i0 + buf
            sem = gsems[buf]
            drain(i, buf, sem)

            ecs = [emb_v[i, pl.ds(dc * 16, 16)] for dc in range(NDC)]

            def per_group(g, gcarry):
                row0 = pl.multiple_of(g * 16, 16)
                for j in range(16):
                    p = rows_v[buf, row0 + j, pl.ds(0, 16)] * ecs[0]
                    for dc in range(1, NDC):
                        p = p + rows_v[buf, row0 + j, pl.ds(dc * 16, 16)] * ecs[dc]
                    tbuf_v[pl.ds(j * 16, 16)] = p
                tbase = lax.iota(jnp.int32, 16) * 16
                acc = plsc.load_gather(tbuf_v, [tbase])
                for k in range(1, 16):
                    acc = acc + plsc.load_gather(tbuf_v, [tbase + k])
                out_v[i, pl.ds(row0, 16)] = acc + bias_v[buf, pl.ds(row0, 16)]
                return gcarry

            lax.fori_loop(0, NGRP, per_group, None)

            @pl.when(i + 2 < SPW)
            def _prefetch():
                fire(i + 2, buf, sem)

            pltpu.make_async_copy(out_v.at[i, pl.ds(0, L)],
                                  out_hbm.at[base + i], osem).start()

    @pl.loop(0, SPW)
    def drain_out(j):
        pltpu.make_async_copy(out_v.at[j, pl.ds(0, L)],
                              out_hbm.at[base + j], osem).wait()


@jax.jit
def kernel(embs, shortlist, weight, bias):
    shortlist = shortlist.astype(jnp.int32)
    weight = jnp.pad(weight, ((0, 0), (0, D))).reshape(2 * NUMX_PAD, D)
    mesh = plsc.VectorSubcoreMesh(core_axis_name="c", subcore_axis_name="s")
    run = pl.kernel(
        _body,
        out_type=jax.ShapeDtypeStruct((B, L), jnp.float32),
        mesh=mesh,
        compiler_params=pltpu.CompilerParams(
            needs_layout_passes=False, use_tc_tiling_on_sc=False),
        scratch_types=[
            pltpu.VMEM((SPW, L), jnp.int32),
            pltpu.VMEM((SPW, D), jnp.float32),
            pltpu.VMEM((2, LP, D), jnp.float32),
            pltpu.VMEM((256,), jnp.float32),
            pltpu.VMEM((2, LP), jnp.float32),
            pltpu.VMEM((SPW, LP), jnp.float32),
            pltpu.VMEM((LP,), jnp.int32),
            pltpu.VMEM((LP,), jnp.int32),
            pltpu.SemaphoreType.DMA,
            pltpu.SemaphoreType.DMA,
            pltpu.SemaphoreType.DMA,
        ],
    )
    return run(embs, shortlist, weight, bias)

# --- scband reference (transcript-rebuilt; emitter-appended) ---
"""Pipeline reference for scband-sparse-linear-19713899889439 (READ-ONLY COPY).

The authoritative reference and input builder live on the scoring server;
editing this copy changes nothing except your own understanding.
"""

import jax, jax.numpy as jnp
import numpy as np

NUMX = 1000000
NUMY = 64
B = 1024
L = 200

def setup_inputs(seed: int = 0) -> dict:
    key = jax.random.key(seed)
    k1, k2, k3, k4 = jax.random.split(key, 4)
    embs = jax.random.normal(k1, (B, NUMY), dtype=jnp.float32)
    shortlist = jax.random.randint(k2, (B, L), 0, NUMX, dtype=jnp.int64 if jax.config.read('jax_enable_x64') else jnp.int32)
    # kaiming_uniform_ on weight (fan_in = NUMY), bias ~ U[0,1) as in torch.rand
    bound = np.sqrt(6.0 / NUMY)
    weight = jax.random.uniform(k3, (NUMX, NUMY), dtype=jnp.float32, minval=-bound, maxval=bound)
    bias = jax.random.uniform(k4, (NUMX,), dtype=jnp.float32)
    return {"embs": embs, "shortlist": shortlist, "weight": weight, "bias": bias}

def reference(embs, shortlist, weight, bias):
    # weight_reshaped = weight[shortlist.reshape(-1)].reshape(B, L, d).permute(0, 2, 1)
    gathered = jnp.take(weight, shortlist.reshape(-1), axis=0)  # [B*L, d]
    weight_reshaped = gathered.reshape(embs.shape[0], -1, embs.shape[1]).transpose(0, 2, 1)  # [B, d, L]
    bias_reshaped = jnp.take(bias, shortlist, axis=0)  # [B, L]
    out = jnp.matmul(embs[:, None, :], weight_reshaped).squeeze(1) + bias_reshaped  # [B, L]
    return out

if __name__ == "__main__":
    import jax
    _d = setup_inputs()
    print(jax.jit(kernel)(*tuple(_d.values())))

</pallas_src>

<mosaic_0001>
#map = affine_map<(d0, d1) -> (0, 0)>
#map1 = affine_map<(d0, d1) -> (0)>
module attributes {stable_mosaic.version = 14 : i64} {
  func.func @_body(%arg0: i32, %arg1: i32, %arg2: memref<1024x64xf32, #tpu.memory_space<hbm>>, %arg3: memref<1024x200xi32, #tpu.memory_space<hbm>>, %arg4: memref<2000000x64xf32, #tpu.memory_space<hbm>>, %arg5: memref<1000000xf32, #tpu.memory_space<hbm>>, %arg6: memref<1024x200xf32, #tpu.memory_space<hbm>>, %arg7: memref<32x200xi32, #tpu.memory_space<vmem>>, %arg8: memref<32x64xf32, #tpu.memory_space<vmem>>, %arg9: memref<2x208x64xf32, #tpu.memory_space<vmem>>, %arg10: memref<256xf32, #tpu.memory_space<vmem>>, %arg11: memref<2x208xf32, #tpu.memory_space<vmem>>, %arg12: memref<32x208xf32, #tpu.memory_space<vmem>>, %arg13: memref<208xi32, #tpu.memory_space<vmem>>, %arg14: memref<208xi32, #tpu.memory_space<vmem>>, %arg15: memref<!tpu.dma_semaphore, #tpu.memory_space<semaphore_mem>>, %arg16: memref<!tpu.dma_semaphore, #tpu.memory_space<semaphore_mem>>, %arg17: memref<!tpu.dma_semaphore, #tpu.memory_space<semaphore_mem>>) attributes {dimension_semantics = [#tpu.dimension_semantics<core_parallel>, #tpu.dimension_semantics<subcore_parallel>], iteration_bounds = array<i64: 2, 16>, scalar_prefetch = 0 : i64, scratch_operands = 11 : i64, tpu.core_type = #tpu.core_type<sc_vector_subcore>, window_params = [{transform_indices = #map}, {transform_indices = #map}, {transform_indices = #map}, {transform_indices = #map1}, {transform_indices = #map}]} {
    %mul3A = arith.constant 2 : i32
    %mul3A_0 = arith.muli %arg1, %mul3A : i32
    %add3A = arith.addi %mul3A_0, %arg0 : i32
    %mul3A_1 = arith.constant 32 : i32
    %mul3A_2 = arith.muli %add3A, %mul3A_1 : i32
    "tpu.region"() ({
      %run_scoped3A = tpu.sem_alloc : memref<!tpu.dma_semaphore, #tpu.memory_space<semaphore_mem>>
      %dma_start3A_322 = arith.constant 0 : i32
      %dma_start3A_323 = tpu.memref_slice %arg3[%mul3A_2, %dma_start3A_322] : memref<1024x200xi32, #tpu.memory_space<hbm>> -> memref<32x200xi32, #tpu.memory_space<hbm>>
      %dma_start3A_324 = arith.constant 0 : i32
      %dma_start3A_325 = tpu.memref_slice %arg3[%mul3A_2, %dma_start3A_324] : memref<1024x200xi32, #tpu.memory_space<hbm>> -> memref<32x200xi32, #tpu.memory_space<hbm>>
      tpu.enqueue_dma source(%dma_start3A_325 : memref<32x200xi32, #tpu.memory_space<hbm>>) target(%arg7 : memref<32x200xi32, #tpu.memory_space<vmem>>) target_semaphore(%run_scoped3A : memref<!tpu.dma_semaphore, #tpu.memory_space<semaphore_mem>>)
      %dma_wait3A = arith.constant 0 : i32
      %dma_wait3A_326 = tpu.memref_slice %arg3[%mul3A_2, %dma_wait3A] : memref<1024x200xi32, #tpu.memory_space<hbm>> -> memref<32x200xi32, #tpu.memory_space<hbm>>
      %dma_wait3A_327 = arith.constant 0 : i32
      %dma_wait3A_328 = tpu.memref_slice %arg3[%mul3A_2, %dma_wait3A_327] : memref<1024x200xi32, #tpu.memory_space<hbm>> -> memref<32x200xi32, #tpu.memory_space<hbm>>
      tpu.wait_dma2 semaphore(%run_scoped3A : memref<!tpu.dma_semaphore, #tpu.memory_space<semaphore_mem>>) src(%dma_wait3A_328 : memref<32x200xi32, #tpu.memory_space<hbm>>) dst(%arg7 : memref<32x200xi32, #tpu.memory_space<vmem>>)
      tpu.yield
    }) : () -> ()
    "tpu.region"() ({
      %run_scoped3A = tpu.sem_alloc : memref<!tpu.dma_semaphore, #tpu.memory_space<semaphore_mem>>
      %dma_start3A_322 = arith.constant 0 : i32
      %dma_start3A_323 = tpu.memref_slice %arg2[%mul3A_2, %dma_start3A_322] : memref<1024x64xf32, #tpu.memory_space<hbm>> -> memref<32x64xf32, #tpu.memory_space<hbm>>
      %dma_start3A_324 = arith.constant 0 : i32
      %dma_start3A_325 = tpu.memref_slice %arg2[%mul3A_2, %dma_start3A_324] : memref<1024x64xf32, #tpu.memory_space<hbm>> -> memref<32x64xf32, #tpu.memory_space<hbm>>
      tpu.enqueue_dma source(%dma_start3A_325 : memref<32x64xf32, #tpu.memory_space<hbm>>) target(%arg8 : memref<32x64xf32, #tpu.memory_space<vmem>>) target_semaphore(%run_scoped3A : memref<!tpu.dma_semaphore, #tpu.memory_space<semaphore_mem>>)
      %dma_wait3A = arith.constant 0 : i32
      %dma_wait3A_326 = tpu.memref_slice %arg2[%mul3A_2, %dma_wait3A] : memref<1024x64xf32, #tpu.memory_space<hbm>> -> memref<32x64xf32, #tpu.memory_space<hbm>>
      %dma_wait3A_327 = arith.constant 0 : i32
      %dma_wait3A_328 = tpu.memref_slice %arg2[%mul3A_2, %dma_wait3A_327] : memref<1024x64xf32, #tpu.memory_space<hbm>> -> memref<32x64xf32, #tpu.memory_space<hbm>>
      tpu.wait_dma2 semaphore(%run_scoped3A : memref<!tpu.dma_semaphore, #tpu.memory_space<semaphore_mem>>) src(%dma_wait3A_328 : memref<32x64xf32, #tpu.memory_space<hbm>>) dst(%arg8 : memref<32x64xf32, #tpu.memory_space<vmem>>)
      tpu.yield
    }) : () -> ()
    %get3A = arith.constant 0 : i32
    %get3A_3 = arith.index_cast %get3A : i32 to index
    %get3A_4 = arith.constant 0 : index
    %get3A_5 = tpu.vector_load %arg7[%get3A_3, %get3A_4] {strides = array<i32>} : memref<32x200xi32, #tpu.memory_space<vmem>>, vector<16xi32>,
    %shift_left3A = arith.constant 1 : i32
    %shift_left3A_6 = vector.broadcast %shift_left3A : i32 to vector<16xi32>
    %shift_left3A_7 = arith.shli %get3A_5, %shift_left3A_6 : vector<16xi32>
    %swap3A = arith.constant 0 : index
    %swap3A_8 = tpu.vector_load %arg13[%swap3A] {strides = array<i32>} : memref<208xi32, #tpu.memory_space<vmem>>, vector<16xi32>,
    tpu.vector_store %arg13[%swap3A], %shift_left3A_7 {strides = array<i32>} : memref<208xi32, #tpu.memory_space<vmem>>, vector<16xi32>,
    %get3A_9 = arith.constant 0 : i32
    %get3A_10 = arith.index_cast %get3A_9 : i32 to index
    %get3A_11 = arith.constant 16 : index
    %get3A_12 = tpu.vector_load %arg7[%get3A_10, %get3A_11] {strides = array<i32>} : memref<32x200xi32, #tpu.memory_space<vmem>>, vector<16xi32>,
    %shift_left3A_13 = arith.constant 1 : i32
    %shift_left3A_14 = vector.broadcast %shift_left3A_13 : i32 to vector<16xi32>
    %shift_left3A_15 = arith.shli %get3A_12, %shift_left3A_14 : vector<16xi32>
    %swap3A_16 = arith.constant 16 : index
    %swap3A_17 = tpu.vector_load %arg13[%swap3A_16] {strides = array<i32>} : memref<208xi32, #tpu.memory_space<vmem>>, vector<16xi32>,
    tpu.vector_store %arg13[%swap3A_16], %shift_left3A_15 {strides = array<i32>} : memref<208xi32, #tpu.memory_space<vmem>>, vector<16xi32>,
    %get3A_18 = arith.constant 0 : i32
    %get3A_19 = arith.index_cast %get3A_18 : i32 to index
    %get3A_20 = arith.constant 32 : index
    %get3A_21 = tpu.vector_load %arg7[%get3A_19, %get3A_20] {strides = array<i32>} : memref<32x200xi32, #tpu.memory_space<vmem>>, vector<16xi32>,
    %shift_left3A_22 = arith.constant 1 : i32
    %shift_left3A_23 = vector.broadcast %shift_left3A_22 : i32 to vector<16xi32>
    %shift_left3A_24 = arith.shli %get3A_21, %shift_left3A_23 : vector<16xi32>
    %swap3A_25 = arith.constant 32 : index
    %swap3A_26 = tpu.vector_load %arg13[%swap3A_25] {strides = array<i32>} : memref<208xi32, #tpu.memory_space<vmem>>, vector<16xi32>,
    tpu.vector_store %arg13[%swap3A_25], %shift_left3A_24 {strides = array<i32>} : memref<208xi32, #tpu.memory_space<vmem>>, vector<16xi32>,
    %get3A_27 = arith.constant 0 : i32
    %get3A_28 = arith.index_cast %get3A_27 : i32 to index
    %get3A_29 = arith.constant 48 : index
    %get3A_30 = tpu.vector_load %arg7[%get3A_28, %get3A_29] {strides = array<i32>} : memref<32x200xi32, #tpu.memory_space<vmem>>, vector<16xi32>,
    %shift_left3A_31 = arith.constant 1 : i32
    %shift_left3A_32 = vector.broadcast %shift_left3A_31 : i32 to vector<16xi32>
    %shift_left3A_33 = arith.shli %get3A_30, %shift_left3A_32 : vector<16xi32>
    %swap3A_34 = arith.constant 48 : index
    %swap3A_35 = tpu.vector_load %arg13[%swap3A_34] {strides = array<i32>} : memref<208xi32, #tpu.memory_space<vmem>>, vector<16xi32>,
    tpu.vector_store %arg13[%swap3A_34], %shift_left3A_33 {strides = array<i32>} : memref<208xi32, #tpu.memory_space<vmem>>, vector<16xi32>,
    %get3A_36 = arith.constant 0 : i32
    %get3A_37 = arith.index_cast %get3A_36 : i32 to index
    %get3A_38 = arith.constant 64 : index
    %get3A_39 = tpu.vector_load %arg7[%get3A_37, %get3A_38] {strides = array<i32>} : memref<32x200xi32, #tpu.memory_space<vmem>>, vector<16xi32>,
    %shift_left3A_40 = arith.constant 1 : i32
    %shift_left3A_41 = vector.broadcast %shift_left3A_40 : i32 to vector<16xi32>
    %shift_left3A_42 = arith.shli %get3A_39, %shift_left3A_41 : vector<16xi32>
    %swap3A_43 = arith.constant 64 : index
    %swap3A_44 = tpu.vector_load %arg13[%swap3A_43] {strides = array<i32>} : memref<208xi32, #tpu.memory_space<vmem>>, vector<16xi32>,
    tpu.vector_store %arg13[%swap3A_43], %shift_left3A_42 {strides = array<i32>} : memref<208xi32, #tpu.memory_space<vmem>>, vector<16xi32>,
    %get3A_45 = arith.constant 0 : i32
    %get3A_46 = arith.index_cast %get3A_45 : i32 to index
    %get3A_47 = arith.constant 80 : index
    %get3A_48 = tpu.vector_load %arg7[%get3A_46, %get3A_47] {strides = array<i32>} : memref<32x200xi32, #tpu.memory_space<vmem>>, vector<16xi32>,
    %shift_left3A_49 = arith.constant 1 : i32
    %shift_left3A_50 = vector.broadcast %shift_left3A_49 : i32 to vector<16xi32>
    %shift_left3A_51 = arith.shli %get3A_48, %shift_left3A_50 : vector<16xi32>
    %swap3A_52 = arith.constant 80 : index
    %swap3A_53 = tpu.vector_load %arg13[%swap3A_52] {strides = array<i32>} : memref<208xi32, #tpu.memory_space<vmem>>, vector<16xi32>,
    tpu.vector_store %arg13[%swap3A_52], %shift_left3A_51 {strides = array<i32>} : memref<208xi32, #tpu.memory_space<vmem>>, vector<16xi32>,
    %get3A_54 = arith.constant 0 : i32
    %get3A_55 = arith.index_cast %get3A_54 : i32 to index
    %get3A_56 = arith.constant 96 : index
    %get3A_57 = tpu.vector_load %arg7[%get3A_55, %get3A_56] {strides = array<i32>} : memref<32x200xi32, #tpu.memory_space<vmem>>, vector<16xi32>,
    %shift_left3A_58 = arith.constant 1 : i32
    %shift_left3A_59 = vector.broadcast %shift_left3A_58 : i32 to vector<16xi32>
    %shift_left3A_60 = arith.shli %get3A_57, %shift_left3A_59 : vector<16xi32>
    %swap3A_61 = arith.constant 96 : index
    %swap3A_62 = tpu.vector_load %arg13[%swap3A_61] {strides = array<i32>} : memref<208xi32, #tpu.memory_space<vmem>>, vector<16xi32>,
    tpu.vector_store %arg13[%swap3A_61], %shift_left3A_60 {strides = array<i32>} : memref<208xi32, #tpu.memory_space<vmem>>, vector<16xi32>,
    %get3A_63 = arith.constant 0 : i32
    %get3A_64 = arith.index_cast %get3A_63 : i32 to index
    %get3A_65 = arith.constant 112 : index
    %get3A_66 = tpu.vector_load %arg7[%get3A_64, %get3A_65] {strides = array<i32>} : memref<32x200xi32, #tpu.memory_space<vmem>>, vector<16xi32>,
    %shift_left3A_67 = arith.constant 1 : i32
    %shift_left3A_68 = vector.broadcast %shift_left3A_67 : i32 to vector<16xi32>
    %shift_left3A_69 = arith.shli %get3A_66, %shift_left3A_68 : vector<16xi32>
    %swap3A_70 = arith.constant 112 : index
    %swap3A_71 = tpu.vector_load %arg13[%swap3A_70] {strides = array<i32>} : memref<208xi32, #tpu.memory_space<vmem>>, vector<16xi32>,
    tpu.vector_store %arg13[%swap3A_70], %shift_left3A_69 {strides = array<i32>} : memref<208xi32, #tpu.memory_space<vmem>>, vector<16xi32>,
    %get3A_72 = arith.constant 0 : i32
    %get3A_73 = arith.index_cast %get3A_72 : i32 to index
    %get3A_74 = arith.constant 128 : index
    %get3A_75 = tpu.vector_load %arg7[%get3A_73, %get3A_74] {strides = array<i32>} : memref<32x200xi32, #tpu.memory_space<vmem>>, vector<16xi32>,
    %shift_left3A_76 = arith.constant 1 : i32
    %shift_left3A_77 = vector.broadcast %shift_left3A_76 : i32 to vector<16xi32>
    %shift_left3A_78 = arith.shli %get3A_75, %shift_left3A_77 : vector<16xi32>
    %swap3A_79 = arith.constant 128 : index
    %swap3A_80 = tpu.vector_load %arg13[%swap3A_79] {strides = array<i32>} : memref<208xi32, #tpu.memory_space<vmem>>, vector<16xi32>,
    tpu.vector_store %arg13[%swap3A_79], %shift_left3A_78 {strides = array<i32>} : memref<208xi32, #tpu.memory_space<vmem>>, vector<16xi32>,
    %get3A_81 = arith.constant 0 : i32
    %get3A_82 = arith.index_cast %get3A_81 : i32 to index
    %get3A_83 = arith.constant 144 : index
    %get3A_84 = tpu.vector_load %arg7[%get3A_82, %get3A_83] {strides = array<i32>} : memref<32x200xi32, #tpu.memory_space<vmem>>, vector<16xi32>,
    %shift_left3A_85 = arith.constant 1 : i32
    %shift_left3A_86 = vector.broadcast %shift_left3A_85 : i32 to vector<16xi32>
    %shift_left3A_87 = arith.shli %get3A_84, %shift_left3A_86 : vector<16xi32>
    %swap3A_88 = arith.constant 144 : index
    %swap3A_89 = tpu.vector_load %arg13[%swap3A_88] {strides = array<i32>} : memref<208xi32, #tpu.memory_space<vmem>>, vector<16xi32>,
    tpu.vector_store %arg13[%swap3A_88], %shift_left3A_87 {strides = array<i32>} : memref<208xi32, #tpu.memory_space<vmem>>, vector<16xi32>,
    %get3A_90 = arith.constant 0 : i32
    %get3A_91 = arith.index_cast %get3A_90 : i32 to index
    %get3A_92 = arith.constant 160 : index
    %get3A_93 = tpu.vector_load %arg7[%get3A_91, %get3A_92] {strides = array<i32>} : memref<32x200xi32, #tpu.memory_space<vmem>>, vector<16xi32>,
    %shift_left3A_94 = arith.constant 1 : i32
    %shift_left3A_95 = vector.broadcast %shift_left3A_94 : i32 to vector<16xi32>
    %shift_left3A_96 = arith.shli %get3A_93, %shift_left3A_95 : vector<16xi32>
    %swap3A_97 = arith.constant 160 : index
    %swap3A_98 = tpu.vector_load %arg13[%swap3A_97] {strides = array<i32>} : memref<208xi32, #tpu.memory_space<vmem>>, vector<16xi32>,
    tpu.vector_store %arg13[%swap3A_97], %shift_left3A_96 {strides = array<i32>} : memref<208xi32, #tpu.memory_space<vmem>>, vector<16xi32>,
    %get3A_99 = arith.constant 0 : i32
    %get3A_100 = arith.index_cast %get3A_99 : i32 to index
    %get3A_101 = arith.constant 176 : index
    %get3A_102 = tpu.vector_load %arg7[%get3A_100, %get3A_101] {strides = array<i32>} : memref<32x200xi32, #tpu.memory_space<vmem>>, vector<16xi32>,
    %shift_left3A_103 = arith.constant 1 : i32
    %shift_left3A_104 = vector.broadcast %shift_left3A_103 : i32 to vector<16xi32>
    %shift_left3A_105 = arith.shli %get3A_102, %shift_left3A_104 : vector<16xi32>
    %swap3A_106 = arith.constant 176 : index
    %swap3A_107 = tpu.vector_load %arg13[%swap3A_106] {strides = array<i32>} : memref<208xi32, #tpu.memory_space<vmem>>, vector<16xi32>,
    tpu.vector_store %arg13[%swap3A_106], %shift_left3A_105 {strides = array<i32>} : memref<208xi32, #tpu.memory_space<vmem>>, vector<16xi32>,
    %get3A_108 = arith.constant 0 : i32
    %get3A_109 = arith.index_cast %get3A_108 : i32 to index
    %get3A_110 = arith.constant 184 : index
    %get3A_111 = tpu.vector_load %arg7[%get3A_109, %get3A_110] {strides = array<i32>} : memref<32x200xi32, #tpu.memory_space<vmem>>, vector<16xi32>,
    %shift_left3A_112 = arith.constant 1 : i32
    %shift_left3A_113 = vector.broadcast %shift_left3A_112 : i32 to vector<16xi32>
    %shift_left3A_114 = arith.shli %get3A_111, %shift_left3A_113 : vector<16xi32>
    %swap3A_115 = arith.constant 184 : index
    %swap3A_116 = tpu.vector_load %arg13[%swap3A_115] {strides = array<i32>} : memref<208xi32, #tpu.memory_space<vmem>>, vector<16xi32>,
    tpu.vector_store %arg13[%swap3A_115], %shift_left3A_114 {strides = array<i32>} : memref<208xi32, #tpu.memory_space<vmem>>, vector<16xi32>,
    %dma_start3A = arith.constant 0 : i32
    %dma_start3A_117 = arith.constant 0 : i32
    %dma_start3A_118 = arith.constant 0 : i32
    %dma_start3A_119 = tpu.memref_slice %arg9[%dma_start3A, %dma_start3A_117, %dma_start3A_118] : memref<2x208x64xf32, #tpu.memory_space<vmem>> -> memref<1x104x64xf32, #tpu.memory_space<vmem>>
    %dma_start3A_120 = tpu.memref_squeeze %dma_start3A_119 : memref<1x104x64xf32, #tpu.memory_space<vmem>> -> memref<104x64xf32, #tpu.memory_space<vmem>>
    %dma_start3A_121 = arith.constant 0 : i32
    %dma_start3A_122 = tpu.memref_slice %arg13[%dma_start3A_121] : memref<208xi32, #tpu.memory_space<vmem>> -> memref<104xi32, #tpu.memory_space<vmem>>
    %dma_start3A_123 = arith.constant 0 : i32
    %dma_start3A_124 = arith.constant 0 : i32
    %dma_start3A_125 = tpu.memref_slice %arg4[%dma_start3A_123, %dma_start3A_124] : memref<2000000x64xf32, #tpu.memory_space<hbm>> -> memref<2000000x64xf32, #tpu.memory_space<hbm>>
    tpu.enqueue_indirect_dma source(%dma_start3A_125 : memref<2000000x64xf32, #tpu.memory_space<hbm>>) target(%dma_start3A_120 : memref<104x64xf32, #tpu.memory_space<vmem>>) offsets(%dma_start3A_122 : memref<104xi32, #tpu.memory_space<vmem>>) semaphore(%arg15 : memref<!tpu.dma_semaphore, #tpu.memory_space<semaphore_mem>>)
    %dma_start3A_126 = arith.constant 0 : i32
    %dma_start3A_127 = arith.constant 104 : i32
    %dma_start3A_128 = arith.constant 0 : i32
    %dma_start3A_129 = tpu.memref_slice %arg9[%dma_start3A_126, %dma_start3A_127, %dma_start3A_128] : memref<2x208x64xf32, #tpu.memory_space<vmem>> -> memref<1x96x64xf32, #tpu.memory_space<vmem>>
    %dma_start3A_130 = tpu.memref_squeeze %dma_start3A_129 : memref<1x96x64xf32, #tpu.memory_space<vmem>> -> memref<96x64xf32, #tpu.memory_space<vmem>>
    %dma_start3A_131 = arith.constant 104 : i32
    %dma_start3A_132 = tpu.memref_slice %arg13[%dma_start3A_131] : memref<208xi32, #tpu.memory_space<vmem>> -> memref<96xi32, #tpu.memory_space<vmem>>
    %dma_start3A_133 = arith.constant 0 : i32
    %dma_start3A_134 = arith.constant 0 : i32
    %dma_start3A_135 = tpu.memref_slice %arg4[%dma_start3A_133, %dma_start3A_134] : memref<2000000x64xf32, #tpu.memory_space<hbm>> -> memref<2000000x64xf32, #tpu.memory_space<hbm>>
    tpu.enqueue_indirect_dma source(%dma_start3A_135 : memref<2000000x64xf32, #tpu.memory_space<hbm>>) target(%dma_start3A_130 : memref<96x64xf32, #tpu.memory_space<vmem>>) offsets(%dma_start3A_132 : memref<96xi32, #tpu.memory_space<vmem>>) semaphore(%arg15 : memref<!tpu.dma_semaphore, #tpu.memory_space<semaphore_mem>>)
    %dma_start3A_136 = arith.constant 0 : i32
    %dma_start3A_137 = arith.constant 0 : i32
    %dma_start3A_138 = arith.constant 0 : i32
    %dma_start3A_139 = tpu.memref_slice %arg11[%dma_start3A_137, %dma_start3A_138] : memref<2x208xf32, #tpu.memory_space<vmem>> -> memref<1x104xf32, #tpu.memory_space<vmem>>
    %dma_start3A_140 = tpu.memref_squeeze %dma_start3A_139 : memref<1x104xf32, #tpu.memory_space<vmem>> -> memref<104xf32, #tpu.memory_space<vmem>>
    %dma_start3A_141 = arith.constant 0 : i32
    %dma_start3A_142 = tpu.memref_slice %arg7[%dma_start3A_136, %dma_start3A_141] : memref<32x200xi32, #tpu.memory_space<vmem>> -> memref<1x104xi32, #tpu.memory_space<vmem>>
    %dma_start3A_143 = tpu.memref_squeeze %dma_start3A_142 : memref<1x104xi32, #tpu.memory_space<vmem>> -> memref<104xi32, #tpu.memory_space<vmem>>
    %dma_start3A_144 = arith.constant 0 : i32
    %dma_start3A_145 = tpu.memref_slice %arg5[%dma_start3A_144] : memref<1000000xf32, #tpu.memory_space<hbm>> -> memref<1000000xf32, #tpu.memory_space<hbm>>
    tpu.enqueue_indirect_dma source(%dma_start3A_145 : memref<1000000xf32, #tpu.memory_space<hbm>>) target(%dma_start3A_140 : memref<104xf32, #tpu.memory_space<vmem>>) offsets(%dma_start3A_143 : memref<104xi32, #tpu.memory_space<vmem>>) semaphore(%arg15 : memref<!tpu.dma_semaphore, #tpu.memory_space<semaphore_mem>>)
    %dma_start3A_146 = arith.constant 0 : i32
    %dma_start3A_147 = arith.constant 0 : i32
    %dma_start3A_148 = arith.constant 104 : i32
    %dma_start3A_149 = tpu.memref_slice %arg11[%dma_start3A_147, %dma_start3A_148] : memref<2x208xf32, #tpu.memory_space<vmem>> -> memref<1x96xf32, #tpu.memory_space<vmem>>
    %dma_start3A_150 = tpu.memref_squeeze %dma_start3A_149 : memref<1x96xf32, #tpu.memory_space<vmem>> -> memref<96xf32, #tpu.memory_space<vmem>>
    %dma_start3A_151 = arith.constant 104 : i32
    %dma_start3A_152 = tpu.memref_slice %arg7[%dma_start3A_146, %dma_start3A_151] : memref<32x200xi32, #tpu.memory_space<vmem>> -> memref<1x96xi32, #tpu.memory_space<vmem>>
    %dma_start3A_153 = tpu.memref_squeeze %dma_start3A_152 : memref<1x96xi32, #tpu.memory_space<vmem>> -> memref<96xi32, #tpu.memory_space<vmem>>
    %dma_start3A_154 = arith.constant 0 : i32
    %dma_start3A_155 = tpu.memref_slice %arg5[%dma_start3A_154] : memref<1000000xf32, #tpu.memory_space<hbm>> -> memref<1000000xf32, #tpu.memory_space<hbm>>
    tpu.enqueue_indirect_dma source(%dma_start3A_155 : memref<1000000xf32, #tpu.memory_space<hbm>>) target(%dma_start3A_150 : memref<96xf32, #tpu.memory_space<vmem>>) offsets(%dma_start3A_153 : memref<96xi32, #tpu.memory_space<vmem>>) semaphore(%arg15 : memref<!tpu.dma_semaphore, #tpu.memory_space<semaphore_mem>>)
    %get3A_156 = arith.constant 1 : i32
    %get3A_157 = arith.index_cast %get3A_156 : i32 to index
    %get3A_158 = arith.constant 0 : index
    %get3A_159 = tpu.vector_load %arg7[%get3A_157, %get3A_158] {strides = array<i32>} : memref<32x200xi32, #tpu.memory_space<vmem>>, vector<16xi32>,
    %shift_left3A_160 = arith.constant 1 : i32
    %shift_left3A_161 = vector.broadcast %shift_left3A_160 : i32 to vector<16xi32>
    %shift_left3A_162 = arith.shli %get3A_159, %shift_left3A_161 : vector<16xi32>
    %swap3A_163 = arith.constant 0 : index
    %swap3A_164 = tpu.vector_load %arg14[%swap3A_163] {strides = array<i32>} : memref<208xi32, #tpu.memory_space<vmem>>, vector<16xi32>,
    tpu.vector_store %arg14[%swap3A_163], %shift_left3A_162 {strides = array<i32>} : memref<208xi32, #tpu.memory_space<vmem>>, vector<16xi32>,
    %get3A_165 = arith.constant 1 : i32
    %get3A_166 = arith.index_cast %get3A_165 : i32 to index
    %get3A_167 = arith.constant 16 : index
    %get3A_168 = tpu.vector_load %arg7[%get3A_166, %get3A_167] {strides = array<i32>} : memref<32x200xi32, #tpu.memory_space<vmem>>, vector<16xi32>,
    %shift_left3A_169 = arith.constant 1 : i32
    %shift_left3A_170 = vector.broadcast %shift_left3A_169 : i32 to vector<16xi32>
    %shift_left3A_171 = arith.shli %get3A_168, %shift_left3A_170 : vector<16xi32>
    %swap3A_172 = arith.constant 16 : index
    %swap3A_173 = tpu.vector_load %arg14[%swap3A_172] {strides = array<i32>} : memref<208xi32, #tpu.memory_space<vmem>>, vector<16xi32>,
    tpu.vector_store %arg14[%swap3A_172], %shift_left3A_171 {strides = array<i32>} : memref<208xi32, #tpu.memory_space<vmem>>, vector<16xi32>,
    %get3A_174 = arith.constant 1 : i32
    %get3A_175 = arith.index_cast %get3A_174 : i32 to index
    %get3A_176 = arith.constant 32 : index
    %get3A_177 = tpu.vector_load %arg7[%get3A_175, %get3A_176] {strides = array<i32>} : memref<32x200xi32, #tpu.memory_space<vmem>>, vector<16xi32>,
    %shift_left3A_178 = arith.constant 1 : i32
    %shift_left3A_179 = vector.broadcast %shift_left3A_178 : i32 to vector<16xi32>
    %shift_left3A_180 = arith.shli %get3A_177, %shift_left3A_179 : vector<16xi32>
    %swap3A_181 = arith.constant 32 : index
    %swap3A_182 = tpu.vector_load %arg14[%swap3A_181] {strides = array<i32>} : memref<208xi32, #tpu.memory_space<vmem>>, vector<16xi32>,
    tpu.vector_store %arg14[%swap3A_181], %shift_left3A_180 {strides = array<i32>} : memref<208xi32, #tpu.memory_space<vmem>>, vector<16xi32>,
    %get3A_183 = arith.constant 1 : i32
    %get3A_184 = arith.index_cast %get3A_183 : i32 to index
    %get3A_185 = arith.constant 48 : index
    %get3A_186 = tpu.vector_load %arg7[%get3A_184, %get3A_185] {strides = array<i32>} : memref<32x200xi32, #tpu.memory_space<vmem>>, vector<16xi32>,
    %shift_left3A_187 = arith.constant 1 : i32
    %shift_left3A_188 = vector.broadcast %shift_left3A_187 : i32 to vector<16xi32>
    %shift_left3A_189 = arith.shli %get3A_186, %shift_left3A_188 : vector<16xi32>
    %swap3A_190 = arith.constant 48 : index
    %swap3A_191 = tpu.vector_load %arg14[%swap3A_190] {strides = array<i32>} : memref<208xi32, #tpu.memory_space<vmem>>, vector<16xi32>,
    tpu.vector_store %arg14[%swap3A_190], %shift_left3A_189 {strides = array<i32>} : memref<208xi32, #tpu.memory_space<vmem>>, vector<16xi32>,
    %get3A_192 = arith.constant 1 : i32
    %get3A_193 = arith.index_cast %get3A_192 : i32 to index
    %get3A_194 = arith.constant 64 : index
    %get3A_195 = tpu.vector_load %arg7[%get3A_193, %get3A_194] {strides = array<i32>} : memref<32x200xi32, #tpu.memory_space<vmem>>, vector<16xi32>,
    %shift_left3A_196 = arith.constant 1 : i32
    %shift_left3A_197 = vector.broadcast %shift_left3A_196 : i32 to vector<16xi32>
    %shift_left3A_198 = arith.shli %get3A_195, %shift_left3A_197 : vector<16xi32>
    %swap3A_199 = arith.constant 64 : index
    %swap3A_200 = tpu.vector_load %arg14[%swap3A_199] {strides = array<i32>} : memref<208xi32, #tpu.memory_space<vmem>>, vector<16xi32>,
    tpu.vector_store %arg14[%swap3A_199], %shift_left3A_198 {strides = array<i32>} : memref<208xi32, #tpu.memory_space<vmem>>, vector<16xi32>,
    %get3A_201 = arith.constant 1 : i32
    %get3A_202 = arith.index_cast %get3A_201 : i32 to index
    %get3A_203 = arith.constant 80 : index
    %get3A_204 = tpu.vector_load %arg7[%get3A_202, %get3A_203] {strides = array<i32>} : memref<32x200xi32, #tpu.memory_space<vmem>>, vector<16xi32>,
    %shift_left3A_205 = arith.constant 1 : i32
    %shift_left3A_206 = vector.broadcast %shift_left3A_205 : i32 to vector<16xi32>
    %shift_left3A_207 = arith.shli %get3A_204, %shift_left3A_206 : vector<16xi32>
    %swap3A_208 = arith.constant 80 : index
    %swap3A_209 = tpu.vector_load %arg14[%swap3A_208] {strides = array<i32>} : memref<208xi32, #tpu.memory_space<vmem>>, vector<16xi32>,
    tpu.vector_store %arg14[%swap3A_208], %shift_left3A_207 {strides = array<i32>} : memref<208xi32, #tpu.memory_space<vmem>>, vector<16xi32>,
    %get3A_210 = arith.constant 1 : i32
    %get3A_211 = arith.index_cast %get3A_210 : i32 to index
    %get3A_212 = arith.constant 96 : index
    %get3A_213 = tpu.vector_load %arg7[%get3A_211, %get3A_212] {strides = array<i32>} : memref<32x200xi32, #tpu.memory_space<vmem>>, vector<16xi32>,
    %shift_left3A_214 = arith.constant 1 : i32
    %shift_left3A_215 = vector.broadcast %shift_left3A_214 : i32 to vector<16xi32>
    %shift_left3A_216 = arith.shli %get3A_213, %shift_left3A_215 : vector<16xi32>
    %swap3A_217 = arith.constant 96 : index
    %swap3A_218 = tpu.vector_load %arg14[%swap3A_217] {strides = array<i32>} : memref<208xi32, #tpu.memory_space<vmem>>, vector<16xi32>,
    tpu.vector_store %arg14[%swap3A_217], %shift_left3A_216 {strides = array<i32>} : memref<208xi32, #tpu.memory_space<vmem>>, vector<16xi32>,
    %get3A_219 = arith.constant 1 : i32
    %get3A_220 = arith.index_cast %get3A_219 : i32 to index
    %get3A_221 = arith.constant 112 : index
    %get3A_222 = tpu.vector_load %arg7[%get3A_220, %get3A_221] {strides = array<i32>} : memref<32x200xi32, #tpu.memory_space<vmem>>, vector<16xi32>,
    %shift_left3A_223 = arith.constant 1 : i32
    %shift_left3A_224 = vector.broadcast %shift_left3A_223 : i32 to vector<16xi32>
    %shift_left3A_225 = arith.shli %get3A_222, %shift_left3A_224 : vector<16xi32>
    %swap3A_226 = arith.constant 112 : index
    %swap3A_227 = tpu.vector_load %arg14[%swap3A_226] {strides = array<i32>} : memref<208xi32, #tpu.memory_space<vmem>>, vector<16xi32>,
    tpu.vector_store %arg14[%swap3A_226], %shift_left3A_225 {strides = array<i32>} : memref<208xi32, #tpu.memory_space<vmem>>, vector<16xi32>,
    %get3A_228 = arith.constant 1 : i32
    %get3A_229 = arith.index_cast %get3A_228 : i32 to index
    %get3A_230 = arith.constant 128 : index
    %get3A_231 = tpu.vector_load %arg7[%get3A_229, %get3A_230] {strides = array<i32>} : memref<32x200xi32, #tpu.memory_space<vmem>>, vector<16xi32>,
    %shift_left3A_232 = arith.constant 1 : i32
    %shift_left3A_233 = vector.broadcast %shift_left3A_232 : i32 to vector<16xi32>
    %shift_left3A_234 = arith.shli %get3A_231, %shift_left3A_233 : vector<16xi32>
    %swap3A_235 = arith.constant 128 : index
    %swap3A_236 = tpu.vector_load %arg14[%swap3A_235] {strides = array<i32>} : memref<208xi32, #tpu.memory_space<vmem>>, vector<16xi32>,
    tpu.vector_store %arg14[%swap3A_235], %shift_left3A_234 {strides = array<i32>} : memref<208xi32, #tpu.memory_space<vmem>>, vector<16xi32>,
    %get3A_237 = arith.constant 1 : i32
    %get3A_238 = arith.index_cast %get3A_237 : i32 to index
    %get3A_239 = arith.constant 144 : index
    %get3A_240 = tpu.vector_load %arg7[%get3A_238, %get3A_239] {strides = array<i32>} : memref<32x200xi32, #tpu.memory_space<vmem>>, vector<16xi32>,
    %shift_left3A_241 = arith.constant 1 : i32
    %shift_left3A_242 = vector.broadcast %shift_left3A_241 : i32 to vector<16xi32>
    %shift_left3A_243 = arith.shli %get3A_240, %shift_left3A_242 : vector<16xi32>
    %swap3A_244 = arith.constant 144 : index
    %swap3A_245 = tpu.vector_load %arg14[%swap3A_244] {strides = array<i32>} : memref<208xi32, #tpu.memory_space<vmem>>, vector<16xi32>,
    tpu.vector_store %arg14[%swap3A_244], %shift_left3A_243 {strides = array<i32>} : memref<208xi32, #tpu.memory_space<vmem>>, vector<16xi32>,
    %get3A_246 = arith.constant 1 : i32
    %get3A_247 = arith.index_cast %get3A_246 : i32 to index
    %get3A_248 = arith.constant 160 : index
    %get3A_249 = tpu.vector_load %arg7[%get3A_247, %get3A_248] {strides = array<i32>} : memref<32x200xi32, #tpu.memory_space<vmem>>, vector<16xi32>,
    %shift_left3A_250 = arith.constant 1 : i32
    %shift_left3A_251 = vector.broadcast %shift_left3A_250 : i32 to vector<16xi32>
    %shift_left3A_252 = arith.shli %get3A_249, %shift_left3A_251 : vector<16xi32>
    %swap3A_253 = arith.constant 160 : index
    %swap3A_254 = tpu.vector_load %arg14[%swap3A_253] {strides = array<i32>} : memref<208xi32, #tpu.memory_space<vmem>>, vector<16xi32>,
    tpu.vector_store %arg14[%swap3A_253], %shift_left3A_252 {strides = array<i32>} : memref<208xi32, #tpu.memory_space<vmem>>, vector<16xi32>,
    %get3A_255 = arith.constant 1 : i32
    %get3A_256 = arith.index_cast %get3A_255 : i32 to index
    %get3A_257 = arith.constant 176 : index
    %get3A_258 = tpu.vector_load %arg7[%get3A_256, %get3A_257] {strides = array<i32>} : memref<32x200xi32, #tpu.memory_space<vmem>>, vector<16xi32>,
    %shift_left3A_259 = arith.constant 1 : i32
    %shift_left3A_260 = vector.broadcast %shift_left3A_259 : i32 to vector<16xi32>
    %shift_left3A_261 = arith.shli %get3A_258, %shift_left3A_260 : vector<16xi32>
    %swap3A_262 = arith.constant 176 : index
    %swap3A_263 = tpu.vector_load %arg14[%swap3A_262] {strides = array<i32>} : memref<208xi32, #tpu.memory_space<vmem>>, vector<16xi32>,
    tpu.vector_store %arg14[%swap3A_262], %shift_left3A_261 {strides = array<i32>} : memref<208xi32, #tpu.memory_space<vmem>>, vector<16xi32>,
    %get3A_264 = arith.constant 1 : i32
    %get3A_265 = arith.index_cast %get3A_264 : i32 to index
    %get3A_266 = arith.constant 184 : index
    %get3A_267 = tpu.vector_load %arg7[%get3A_265, %get3A_266] {strides = array<i32>} : memref<32x200xi32, #tpu.memory_space<vmem>>, vector<16xi32>,
    %shift_left3A_268 = arith.constant 1 : i32
    %shift_left3A_269 = vector.broadcast %shift_left3A_268 : i32 to vector<16xi32>
    %shift_left3A_270 = arith.shli %get3A_267, %shift_left3A_269 : vector<16xi32>
    %swap3A_271 = arith.constant 184 : index
    %swap3A_272 = tpu.vector_load %arg14[%swap3A_271] {strides = array<i32>} : memref<208xi32, #tpu.memory_space<vmem>>, vector<16xi32>,
    tpu.vector_store %arg14[%swap3A_271], %shift_left3A_270 {strides = array<i32>} : memref<208xi32, #tpu.memory_space<vmem>>, vector<16xi32>,
    %dma_start3A_273 = arith.constant 1 : i32
    %dma_start3A_274 = arith.constant 0 : i32
    %dma_start3A_275 = arith.constant 0 : i32
    %dma_start3A_276 = tpu.memref_slice %arg9[%dma_start3A_273, %dma_start3A_274, %dma_start3A_275] : memref<2x208x64xf32, #tpu.memory_space<vmem>> -> memref<1x104x64xf32, #tpu.memory_space<vmem>>
    %dma_start3A_277 = tpu.memref_squeeze %dma_start3A_276 : memref<1x104x64xf32, #tpu.memory_space<vmem>> -> memref<104x64xf32, #tpu.memory_space<vmem>>
    %dma_start3A_278 = arith.constant 0 : i32
    %dma_start3A_279 = tpu.memref_slice %arg14[%dma_start3A_278] : memref<208xi32, #tpu.memory_space<vmem>> -> memref<104xi32, #tpu.memory_space<vmem>>
    %dma_start3A_280 = arith.constant 0 : i32
    %dma_start3A_281 = arith.constant 0 : i32
    %dma_start3A_282 = tpu.memref_slice %arg4[%dma_start3A_280, %dma_start3A_281] : memref<2000000x64xf32, #tpu.memory_space<hbm>> -> memref<2000000x64xf32, #tpu.memory_space<hbm>>
    tpu.enqueue_indirect_dma source(%dma_start3A_282 : memref<2000000x64xf32, #tpu.memory_space<hbm>>) target(%dma_start3A_277 : memref<104x64xf32, #tpu.memory_space<vmem>>) offsets(%dma_start3A_279 : memref<104xi32, #tpu.memory_space<vmem>>) semaphore(%arg16 : memref<!tpu.dma_semaphore, #tpu.memory_space<semaphore_mem>>)
    %dma_start3A_283 = arith.constant 1 : i32
    %dma_start3A_284 = arith.constant 104 : i32
    %dma_start3A_285 = arith.constant 0 : i32
    %dma_start3A_286 = tpu.memref_slice %arg9[%dma_start3A_283, %dma_start3A_284, %dma_start3A_285] : memref<2x208x64xf32, #tpu.memory_space<vmem>> -> memref<1x96x64xf32, #tpu.memory_space<vmem>>
    %dma_start3A_287 = tpu.memref_squeeze %dma_start3A_286 : memref<1x96x64xf32, #tpu.memory_space<vmem>> -> memref<96x64xf32, #tpu.memory_space<vmem>>
    %dma_start3A_288 = arith.constant 104 : i32
    %dma_start3A_289 = tpu.memref_slice %arg14[%dma_start3A_288] : memref<208xi32, #tpu.memory_space<vmem>> -> memref<96xi32, #tpu.memory_space<vmem>>
    %dma_start3A_290 = arith.constant 0 : i32
    %dma_start3A_291 = arith.constant 0 : i32
    %dma_start3A_292 = tpu.memref_slice %arg4[%dma_start3A_290, %dma_start3A_291] : memref<2000000x64xf32, #tpu.memory_space<hbm>> -> memref<2000000x64xf32, #tpu.memory_space<hbm>>
    tpu.enqueue_indirect_dma source(%dma_start3A_292 : memref<2000000x64xf32, #tpu.memory_space<hbm>>) target(%dma_start3A_287 : memref<96x64xf32, #tpu.memory_space<vmem>>) offsets(%dma_start3A_289 : memref<96xi32, #tpu.memory_space<vmem>>) semaphore(%arg16 : memref<!tpu.dma_semaphore, #tpu.memory_space<semaphore_mem>>)
    %dma_start3A_293 = arith.constant 1 : i32
    %dma_start3A_294 = arith.constant 1 : i32
    %dma_start3A_295 = arith.constant 0 : i32
    %dma_start3A_296 = tpu.memref_slice %arg11[%dma_start3A_294, %dma_start3A_295] : memref<2x208xf32, #tpu.memory_space<vmem>> -> memref<1x104xf32, #tpu.memory_space<vmem>>
    %dma_start3A_297 = tpu.memref_squeeze %dma_start3A_296 : memref<1x104xf32, #tpu.memory_space<vmem>> -> memref<104xf32, #tpu.memory_space<vmem>>
    %dma_start3A_298 = arith.constant 0 : i32
    %dma_start3A_299 = tpu.memref_slice %arg7[%dma_start3A_293, %dma_start3A_298] : memref<32x200xi32, #tpu.memory_space<vmem>> -> memref<1x104xi32, #tpu.memory_space<vmem>>
    %dma_start3A_300 = tpu.memref_squeeze %dma_start3A_299 : memref<1x104xi32, #tpu.memory_space<vmem>> -> memref<104xi32, #tpu.memory_space<vmem>>
    %dma_start3A_301 = arith.constant 0 : i32
    %dma_start3A_302 = tpu.memref_slice %arg5[%dma_start3A_301] : memref<1000000xf32, #tpu.memory_space<hbm>> -> memref<1000000xf32, #tpu.memory_space<hbm>>
    tpu.enqueue_indirect_dma source(%dma_start3A_302 : memref<1000000xf32, #tpu.memory_space<hbm>>) target(%dma_start3A_297 : memref<104xf32, #tpu.memory_space<vmem>>) offsets(%dma_start3A_300 : memref<104xi32, #tpu.memory_space<vmem>>) semaphore(%arg16 : memref<!tpu.dma_semaphore, #tpu.memory_space<semaphore_mem>>)
    %dma_start3A_303 = arith.constant 1 : i32
    %dma_start3A_304 = arith.constant 1 : i32
    %dma_start3A_305 = arith.constant 104 : i32
    %dma_start3A_306 = tpu.memref_slice %arg11[%dma_start3A_304, %dma_start3A_305] : memref<2x208xf32, #tpu.memory_space<vmem>> -> memref<1x96xf32, #tpu.memory_space<vmem>>
    %dma_start3A_307 = tpu.memref_squeeze %dma_start3A_306 : memref<1x96xf32, #tpu.memory_space<vmem>> -> memref<96xf32, #tpu.memory_space<vmem>>
    %dma_start3A_308 = arith.constant 104 : i32
    %dma_start3A_309 = tpu.memref_slice %arg7[%dma_start3A_303, %dma_start3A_308] : memref<32x200xi32, #tpu.memory_space<vmem>> -> memref<1x96xi32, #tpu.memory_space<vmem>>
    %dma_start3A_310 = tpu.memref_squeeze %dma_start3A_309 : memref<1x96xi32, #tpu.memory_space<vmem>> -> memref<96xi32, #tpu.memory_space<vmem>>
    %dma_start3A_311 = arith.constant 0 : i32
    %dma_start3A_312 = tpu.memref_slice %arg5[%dma_start3A_311] : memref<1000000xf32, #tpu.memory_space<hbm>> -> memref<1000000xf32, #tpu.memory_space<hbm>>
    tpu.enqueue_indirect_dma source(%dma_start3A_312 : memref<1000000xf32, #tpu.memory_space<hbm>>) target(%dma_start3A_307 : memref<96xf32, #tpu.memory_space<vmem>>) offsets(%dma_start3A_310 : memref<96xi32, #tpu.memory_space<vmem>>) semaphore(%arg16 : memref<!tpu.dma_semaphore, #tpu.memory_space<semaphore_mem>>)
    %scan3A = arith.constant 0 : i32
    %scan3A_313 = arith.constant 16 : i32
    %scan3A_314 = arith.addi %scan3A, %scan3A_313 : i32
    %scan3A_315 = arith.constant 1 : i32
    scf.for %scan3A_322 = %scan3A to %scan3A_314 step %scan3A_315  : i32 {
      %mul3A_323 = arith.constant 2 : i32
      %mul3A_324 = arith.muli %scan3A_322, %mul3A_323 : i32
      %add3A_325 = arith.constant 0 : i32
      %add3A_326 = arith.addi %add3A_325, %mul3A_324 : i32
      %add3A_327 = arith.constant 0 : i32
      %add3A_328 = arith.addi %add3A_326, %add3A_327 : i32
      %dma_wait3A = arith.constant 0 : i32
      %dma_wait3A_329 = arith.constant 0 : i32
      %dma_wait3A_330 = arith.constant 0 : i32
      %dma_wait3A_331 = tpu.memref_slice %arg9[%dma_wait3A, %dma_wait3A_329, %dma_wait3A_330] : memref<2x208x64xf32, #tpu.memory_space<vmem>> -> memref<1x104x64xf32, #tpu.memory_space<vmem>>
      %dma_wait3A_332 = tpu.memref_squeeze %dma_wait3A_331 : memref<1x104x64xf32, #tpu.memory_space<vmem>> -> memref<104x64xf32, #tpu.memory_space<vmem>>
      %dma_wait3A_333 = arith.constant 0 : i32
      %dma_wait3A_334 = tpu.memref_slice %arg13[%dma_wait3A_333] : memref<208xi32, #tpu.memory_space<vmem>> -> memref<104xi32, #tpu.memory_space<vmem>>
      %dma_wait3A_335 = arith.constant 0 : i32
      %dma_wait3A_336 = arith.constant 0 : i32
      %dma_wait3A_337 = tpu.memref_slice %arg4[%dma_wait3A_335, %dma_wait3A_336] : memref<2000000x64xf32, #tpu.memory_space<hbm>> -> memref<2000000x64xf32, #tpu.memory_space<hbm>>
      tpu.wait_indirect_dma semaphore(%arg15 : memref<!tpu.dma_semaphore, #tpu.memory_space<semaphore_mem>>) src(%dma_wait3A_337 : memref<2000000x64xf32, #tpu.memory_space<hbm>>) dst(%dma_wait3A_332 : memref<104x64xf32, #tpu.memory_space<vmem>>)
      %dma_wait3A_338 = arith.constant 0 : i32
      %dma_wait3A_339 = arith.constant 104 : i32
      %dma_wait3A_340 = arith.constant 0 : i32
      %dma_wait3A_341 = tpu.memref_slice %arg9[%dma_wait3A_338, %dma_wait3A_339, %dma_wait3A_340] : memref<2x208x64xf32, #tpu.memory_space<vmem>> -> memref<1x96x64xf32, #tpu.memory_space<vmem>>
      %dma_wait3A_342 = tpu.memref_squeeze %dma_wait3A_341 : memref<1x96x64xf32, #tpu.memory_space<vmem>> -> memref<96x64xf32, #tpu.memory_space<vmem>>
      %dma_wait3A_343 = arith.constant 104 : i32
      %dma_wait3A_344 = tpu.memref_slice %arg13[%dma_wait3A_343] : memref<208xi32, #tpu.memory_space<vmem>> -> memref<96xi32, #tpu.memory_space<vmem>>
      %dma_wait3A_345 = arith.constant 0 : i32
      %dma_wait3A_346 = arith.constant 0 : i32
      %dma_wait3A_347 = tpu.memref_slice %arg4[%dma_wait3A_345, %dma_wait3A_346] : memref<2000000x64xf32, #tpu.memory_space<hbm>> -> memref<2000000x64xf32, #tpu.memory_space<hbm>>
      tpu.wait_indirect_dma semaphore(%arg15 : memref<!tpu.dma_semaphore, #tpu.memory_space<semaphore_mem>>) src(%dma_wait3A_347 : memref<2000000x64xf32, #tpu.memory_space<hbm>>) dst(%dma_wait3A_342 : memref<96x64xf32, #tpu.memory_space<vmem>>)
      %dma_wait3A_348 = arith.constant 0 : i32
      %dma_wait3A_349 = arith.constant 0 : i32
      %dma_wait3A_350 = tpu.memref_slice %arg11[%dma_wait3A_348, %dma_wait3A_349] : memref<2x208xf32, #tpu.memory_space<vmem>> -> memref<1x104xf32, #tpu.memory_space<vmem>>
      %dma_wait3A_351 = tpu.memref_squeeze %dma_wait3A_350 : memref<1x104xf32, #tpu.memory_space<vmem>> -> memref<104xf32, #tpu.memory_space<vmem>>
      %dma_wait3A_352 = arith.constant 0 : i32
      %dma_wait3A_353 = tpu.memref_slice %arg7[%add3A_328, %dma_wait3A_352] : memref<32x200xi32, #tpu.memory_space<vmem>> -> memref<1x104xi32, #tpu.memory_space<vmem>>
      %dma_wait3A_354 = tpu.memref_squeeze %dma_wait3A_353 : memref<1x104xi32, #tpu.memory_space<vmem>> -> memref<104xi32, #tpu.memory_space<vmem>>
      %dma_wait3A_355 = arith.constant 0 : i32
      %dma_wait3A_356 = tpu.memref_slice %arg5[%dma_wait3A_355] : memref<1000000xf32, #tpu.memory_space<hbm>> -> memref<1000000xf32, #tpu.memory_space<hbm>>
      tpu.wait_indirect_dma semaphore(%arg15 : memref<!tpu.dma_semaphore, #tpu.memory_space<semaphore_mem>>) src(%dma_wait3A_356 : memref<1000000xf32, #tpu.memory_space<hbm>>) dst(%dma_wait3A_351 : memref<104xf32, #tpu.memory_space<vmem>>)
      %dma_wait3A_357 = arith.constant 0 : i32
      %dma_wait3A_358 = arith.constant 104 : i32
      %dma_wait3A_359 = tpu.memref_slice %arg11[%dma_wait3A_357, %dma_wait3A_358] : memref<2x208xf32, #tpu.memory_space<vmem>> -> memref<1x96xf32, #tpu.memory_space<vmem>>
      %dma_wait3A_360 = tpu.memref_squeeze %dma_wait3A_359 : memref<1x96xf32, #tpu.memory_space<vmem>> -> memref<96xf32, #tpu.memory_space<vmem>>
      %dma_wait3A_361 = arith.constant 104 : i32
      %dma_wait3A_362 = tpu.memref_slice %arg7[%add3A_328, %dma_wait3A_361] : memref<32x200xi32, #tpu.memory_space<vmem>> -> memref<1x96xi32, #tpu.memory_space<vmem>>
      %dma_wait3A_363 = tpu.memref_squeeze %dma_wait3A_362 : memref<1x96xi32, #tpu.memory_space<vmem>> -> memref<96xi32, #tpu.memory_space<vmem>>
      %dma_wait3A_364 = arith.constant 0 : i32
      %dma_wait3A_365 = tpu.memref_slice %arg5[%dma_wait3A_364] : memref<1000000xf32, #tpu.memory_space<hbm>> -> memref<1000000xf32, #tpu.memory_space<hbm>>
      tpu.wait_indirect_dma semaphore(%arg15 : memref<!tpu.dma_semaphore, #tpu.memory_space<semaphore_mem>>) src(%dma_wait3A_365 : memref<1000000xf32, #tpu.memory_space<hbm>>) dst(%dma_wait3A_360 : memref<96xf32, #tpu.memory_space<vmem>>)
      %get3A_366 = arith.index_cast %add3A_328 : i32 to index
      %get3A_367 = arith.constant 0 : index
      %get3A_368 = tpu.vector_load %arg8[%get3A_366, %get3A_367] {strides = array<i32>} : memref<32x64xf32, #tpu.memory_space<vmem>>, vector<16xf32>,
      %get3A_369 = arith.index_cast %add3A_328 : i32 to index
      %get3A_370 = arith.constant 16 : index
      %get3A_371 = tpu.vector_load %arg8[%get3A_369, %get3A_370] {strides = array<i32>} : memref<32x64xf32, #tpu.memory_space<vmem>>, vector<16xf32>,
      %get3A_372 = arith.index_cast %add3A_328 : i32 to index
      %get3A_373 = arith.constant 32 : index
      %get3A_374 = tpu.vector_load %arg8[%get3A_372, %get3A_373] {strides = array<i32>} : memref<32x64xf32, #tpu.memory_space<vmem>>, vector<16xf32>,
      %get3A_375 = arith.index_cast %add3A_328 : i32 to index
      %get3A_376 = arith.constant 48 : index
      %get3A_377 = tpu.vector_load %arg8[%get3A_375, %get3A_376] {strides = array<i32>} : memref<32x64xf32, #tpu.memory_space<vmem>>, vector<16xf32>,
      %scan3A_378 = arith.constant 0 : i32
      %scan3A_379 = arith.constant 13 : i32
      %scan3A_380 = arith.addi %scan3A_378, %scan3A_379 : i32
      %scan3A_381 = arith.constant 1 : i32
      scf.for %scan3A_477 = %scan3A_378 to %scan3A_380 step %scan3A_381  : i32 {
        %mul3A_478 = arith.constant 16 : i32
        %mul3A_479 = arith.muli %scan3A_477, %mul3A_478 : i32
        %multiple_of3A = tpu.assume_multiple %mul3A_479, 16 : i32
        %add3A_480 = arith.constant 0 : i32
        %add3A_481 = arith.addi %multiple_of3A, %add3A_480 : i32
        %get3A_482 = arith.constant 0 : i32
        %get3A_483 = arith.index_cast %get3A_482 : i32 to index
        %get3A_484 = arith.index_cast %add3A_481 : i32 to index
        %get3A_485 = arith.constant 0 : index
        %get3A_486 = tpu.vector_load %arg9[%get3A_483, %get3A_484, %get3A_485] {strides = array<i32>} : memref<2x208x64xf32, #tpu.memory_space<vmem>>, vector<16xf32>,
        %mul3A_487 = arith.mulf %get3A_486, %get3A_368 : vector<16xf32>
        %add3A_488 = arith.constant 0 : i32
        %add3A_489 = arith.addi %multiple_of3A, %add3A_488 : i32
        %get3A_490 = arith.constant 0 : i32
        %get3A_491 = arith.index_cast %get3A_490 : i32 to index
        %get3A_492 = arith.index_cast %add3A_489 : i32 to index
        %get3A_493 = arith.constant 16 : index
        %get3A_494 = tpu.vector_load %arg9[%get3A_491, %get3A_492, %get3A_493] {strides = array<i32>} : memref<2x208x64xf32, #tpu.memory_space<vmem>>, vector<16xf32>,
        %mul3A_495 = arith.mulf %get3A_494, %get3A_371 : vector<16xf32>
        %add3A_496 = arith.addf %mul3A_487, %mul3A_495 : vector<16xf32>
        %add3A_497 = arith.constant 0 : i32
        %add3A_498 = arith.addi %multiple_of3A, %add3A_497 : i32
        %get3A_499 = arith.constant 0 : i32
        %get3A_500 = arith.index_cast %get3A_499 : i32 to index
        %get3A_501 = arith.index_cast %add3A_498 : i32 to index
        %get3A_502 = arith.constant 32 : index
        %get3A_503 = tpu.vector_load %arg9[%get3A_500, %get3A_501, %get3A_502] {strides = array<i32>} : memref<2x208x64xf32, #tpu.memory_space<vmem>>, vector<16xf32>,
        %mul3A_504 = arith.mulf %get3A_503, %get3A_374 : vector<16xf32>
        %add3A_505 = arith.addf %add3A_496, %mul3A_504 : vector<16xf32>
        %add3A_506 = arith.constant 0 : i32
        %add3A_507 = arith.addi %multiple_of3A, %add3A_506 : i32
        %get3A_508 = arith.constant 0 : i32
        %get3A_509 = arith.index_cast %get3A_508 : i32 to index
        %get3A_510 = arith.index_cast %add3A_507 : i32 to index
        %get3A_511 = arith.constant 48 : index
        %get3A_512 = tpu.vector_load %arg9[%get3A_509, %get3A_510, %get3A_511] {strides = array<i32>} : memref<2x208x64xf32, #tpu.memory_space<vmem>>, vector<16xf32>,
        %mul3A_513 = arith.mulf %get3A_512, %get3A_377 : vector<16xf32>
        %add3A_514 = arith.addf %add3A_505, %mul3A_513 : vector<16xf32>
        %swap3A_515 = arith.constant 0 : index
        %swap3A_516 = tpu.vector_load %arg10[%swap3A_515] {strides = array<i32>} : memref<256xf32, #tpu.memory_space<vmem>>, vector<16xf32>,
        tpu.vector_store %arg10[%swap3A_515], %add3A_514 {strides = array<i32>} : memref<256xf32, #tpu.memory_space<vmem>>, vector<16xf32>,
        %add3A_517 = arith.constant 1 : i32
        %add3A_518 = arith.addi %multiple_of3A, %add3A_517 : i32
        %get3A_519 = arith.constant 0 : i32
        %get3A_520 = arith.index_cast %get3A_519 : i32 to index
        %get3A_521 = arith.index_cast %add3A_518 : i32 to index
        %get3A_522 = arith.constant 0 : index
        %get3A_523 = tpu.vector_load %arg9[%get3A_520, %get3A_521, %get3A_522] {strides = array<i32>} : memref<2x208x64xf32, #tpu.memory_space<vmem>>, vector<16xf32>,
        %mul3A_524 = arith.mulf %get3A_523, %get3A_368 : vector<16xf32>
        %add3A_525 = arith.constant 1 : i32
        %add3A_526 = arith.addi %multiple_of3A, %add3A_525 : i32
        %get3A_527 = arith.constant 0 : i32
        %get3A_528 = arith.index_cast %get3A_527 : i32 to index
        %get3A_529 = arith.index_cast %add3A_526 : i32 to index
        %get3A_530 = arith.constant 16 : index
        %get3A_531 = tpu.vector_load %arg9[%get3A_528, %get3A_529, %get3A_530] {strides = array<i32>} : memref<2x208x64xf32, #tpu.memory_space<vmem>>, vector<16xf32>,
        %mul3A_532 = arith.mulf %get3A_531, %get3A_371 : vector<16xf32>
        %add3A_533 = arith.addf %mul3A_524, %mul3A_532 : vector<16xf32>
        %add3A_534 = arith.constant 1 : i32
        %add3A_535 = arith.addi %multiple_of3A, %add3A_534 : i32
        %get3A_536 = arith.constant 0 : i32
        %get3A_537 = arith.index_cast %get3A_536 : i32 to index
        %get3A_538 = arith.index_cast %add3A_535 : i32 to index
        %get3A_539 = arith.constant 32 : index
        %get3A_540 = tpu.vector_load %arg9[%get3A_537, %get3A_538, %get3A_539] {strides = array<i32>} : memref<2x208x64xf32, #tpu.memory_space<vmem>>, vector<16xf32>,
        %mul3A_541 = arith.mulf %get3A_540, %get3A_374 : vector<16xf32>
        %add3A_542 = arith.addf %add3A_533, %mul3A_541 : vector<16xf32>
        %add3A_543 = arith.constant 1 : i32
        %add3A_544 = arith.addi %multiple_of3A, %add3A_543 : i32
        %get3A_545 = arith.constant 0 : i32
        %get3A_546 = arith.index_cast %get3A_545 : i32 to index
        %get3A_547 = arith.index_cast %add3A_544 : i32 to index
        %get3A_548 = arith.constant 48 : index
        %get3A_549 = tpu.vector_load %arg9[%get3A_546, %get3A_547, %get3A_548] {strides = array<i32>} : memref<2x208x64xf32, #tpu.memory_space<vmem>>, vector<16xf32>,
        %mul3A_550 = arith.mulf %get3A_549, %get3A_377 : vector<16xf32>
        %add3A_551 = arith.addf %add3A_542, %mul3A_550 : vector<16xf32>
        %swap3A_552 = arith.constant 16 : index
        %swap3A_553 = tpu.vector_load %arg10[%swap3A_552] {strides = array<i32>} : memref<256xf32, #tpu.memory_space<vmem>>, vector<16xf32>,
        tpu.vector_store %arg10[%swap3A_552], %add3A_551 {strides = array<i32>} : memref<256xf32, #tpu.memory_space<vmem>>, vector<16xf32>,
        %add3A_554 = arith.constant 2 : i32
        %add3A_555 = arith.addi %multiple_of3A, %add3A_554 : i32
        %get3A_556 = arith.constant 0 : i32
        %get3A_557 = arith.index_cast %get3A_556 : i32 to index
        %get3A_558 = arith.index_cast %add3A_555 : i32 to index
        %get3A_559 = arith.constant 0 : index
        %get3A_560 = tpu.vector_load %arg9[%get3A_557, %get3A_558, %get3A_559] {strides = array<i32>} : memref<2x208x64xf32, #tpu.memory_space<vmem>>, vector<16xf32>,
        %mul3A_561 = arith.mulf %get3A_560, %get3A_368 : vector<16xf32>
        %add3A_562 = arith.constant 2 : i32
        %add3A_563 = arith.addi %multiple_of3A, %add3A_562 : i32
        %get3A_564 = arith.constant 0 : i32
        %get3A_565 = arith.index_cast %get3A_564 : i32 to index
        %get3A_566 = arith.index_cast %add3A_563 : i32 to index
        %get3A_567 = arith.constant 16 : index
        %get3A_568 = tpu.vector_load %arg9[%get3A_565, %get3A_566, %get3A_567] {strides = array<i32>} : memref<2x208x64xf32, #tpu.memory_space<vmem>>, vector<16xf32>,
        %mul3A_569 = arith.mulf %get3A_568, %get3A_371 : vector<16xf32>
        %add3A_570 = arith.addf %mul3A_561, %mul3A_569 : vector<16xf32>
        %add3A_571 = arith.constant 2 : i32
        %add3A_572 = arith.addi %multiple_of3A, %add3A_571 : i32
        %get3A_573 = arith.constant 0 : i32
        %get3A_574 = arith.index_cast %get3A_573 : i32 to index
        %get3A_575 = arith.index_cast %add3A_572 : i32 to index
        %get3A_576 = arith.constant 32 : index
        %get3A_577 = tpu.vector_load %arg9[%get3A_574, %get3A_575, %get3A_576] {strides = array<i32>} : memref<2x208x64xf32, #tpu.memory_space<vmem>>, vector<16xf32>,
        %mul3A_578 = arith.mulf %get3A_577, %get3A_374 : vector<16xf32>
        %add3A_579 = arith.addf %add3A_570, %mul3A_578 : vector<16xf32>
        %add3A_580 = arith.constant 2 : i32
        %add3A_581 = arith.addi %multiple_of3A, %add3A_580 : i32
        %get3A_582 = arith.constant 0 : i32
        %get3A_583 = arith.index_cast %get3A_582 : i32 to index
        %get3A_584 = arith.index_cast %add3A_581 : i32 to index
        %get3A_585 = arith.constant 48 : index
        %get3A_586 = tpu.vector_load %arg9[%get3A_583, %get3A_584, %get3A_585] {strides = array<i32>} : memref<2x208x64xf32, #tpu.memory_space<vmem>>, vector<16xf32>,
        %mul3A_587 = arith.mulf %get3A_586, %get3A_377 : vector<16xf32>
        %add3A_588 = arith.addf %add3A_579, %mul3A_587 : vector<16xf32>
        %swap3A_589 = arith.constant 32 : index
        %swap3A_590 = tpu.vector_load %arg10[%swap3A_589] {strides = array<i32>} : memref<256xf32, #tpu.memory_space<vmem>>, vector<16xf32>,
        tpu.vector_store %arg10[%swap3A_589], %add3A_588 {strides = array<i32>} : memref<256xf32, #tpu.memory_space<vmem>>, vector<16xf32>,
        %add3A_591 = arith.constant 3 : i32
        %add3A_592 = arith.addi %multiple_of3A, %add3A_591 : i32
        %get3A_593 = arith.constant 0 : i32
        %get3A_594 = arith.index_cast %get3A_593 : i32 to index
        %get3A_595 = arith.index_cast %add3A_592 : i32 to index
        %get3A_596 = arith.constant 0 : index
        %get3A_597 = tpu.vector_load %arg9[%get3A_594, %get3A_595, %get3A_596] {strides = array<i32>} : memref<2x208x64xf32, #tpu.memory_space<vmem>>, vector<16xf32>,
        %mul3A_598 = arith.mulf %get3A_597, %get3A_368 : vector<16xf32>
        %add3A_599 = arith.constant 3 : i32
        %add3A_600 = arith.addi %multiple_of3A, %add3A_599 : i32
        %get3A_601 = arith.constant 0 : i32
        %get3A_602 = arith.index_cast %get3A_601 : i32 to index
        %get3A_603 = arith.index_cast %add3A_600 : i32 to index
        %get3A_604 = arith.constant 16 : index
        %get3A_605 = tpu.vector_load %arg9[%get3A_602, %get3A_603, %get3A_604] {strides = array<i32>} : memref<2x208x64xf32, #tpu.memory_space<vmem>>, vector<16xf32>,
        %mul3A_606 = arith.mulf %get3A_605, %get3A_371 : vector<16xf32>
        %add3A_607 = arith.addf %mul3A_598, %mul3A_606 : vector<16xf32>
        %add3A_608 = arith.constant 3 : i32
        %add3A_609 = arith.addi %multiple_of3A, %add3A_608 : i32
        %get3A_610 = arith.constant 0 : i32
        %get3A_611 = arith.index_cast %get3A_610 : i32 to index
        %get3A_612 = arith.index_cast %add3A_609 : i32 to index
        %get3A_613 = arith.constant 32 : index
        %get3A_614 = tpu.vector_load %arg9[%get3A_611, %get3A_612, %get3A_613] {strides = array<i32>} : memref<2x208x64xf32, #tpu.memory_space<vmem>>, vector<16xf32>,
        %mul3A_615 = arith.mulf %get3A_614, %get3A_374 : vector<16xf32>
        %add3A_616 = arith.addf %add3A_607, %mul3A_615 : vector<16xf32>
        %add3A_617 = arith.constant 3 : i32
        %add3A_618 = arith.addi %multiple_of3A, %add3A_617 : i32
        %get3A_619 = arith.constant 0 : i32
        %get3A_620 = arith.index_cast %get3A_619 : i32 to index
        %get3A_621 = arith.index_cast %add3A_618 : i32 to index
        %get3A_622 = arith.constant 48 : index
        %get3A_623 = tpu.vector_load %arg9[%get3A_620, %get3A_621, %get3A_622] {strides = array<i32>} : memref<2x208x64xf32, #tpu.memory_space<vmem>>, vector<16xf32>,
        %mul3A_624 = arith.mulf %get3A_623, %get3A_377 : vector<16xf32>
        %add3A_625 = arith.addf %add3A_616, %mul3A_624 : vector<16xf32>
        %swap3A_626 = arith.constant 48 : index
        %swap3A_627 = tpu.vector_load %arg10[%swap3A_626] {strides = array<i32>} : memref<256xf32, #tpu.memory_space<vmem>>, vector<16xf32>,
        tpu.vector_store %arg10[%swap3A_626], %add3A_625 {strides = array<i32>} : memref<256xf32, #tpu.memory_space<vmem>>, vector<16xf32>,
        %add3A_628 = arith.constant 4 : i32
        %add3A_629 = arith.addi %multiple_of3A, %add3A_628 : i32
        %get3A_630 = arith.constant 0 : i32
        %get3A_631 = arith.index_cast %get3A_630 : i32 to index
        %get3A_632 = arith.index_cast %add3A_629 : i32 to index
        %get3A_633 = arith.constant 0 : index
        %get3A_634 = tpu.vector_load %arg9[%get3A_631, %get3A_632, %get3A_633] {strides = array<i32>} : memref<2x208x64xf32, #tpu.memory_space<vmem>>, vector<16xf32>,
        %mul3A_635 = arith.mulf %get3A_634, %get3A_368 : vector<16xf32>
        %add3A_636 = arith.constant 4 : i32
        %add3A_637 = arith.addi %multiple_of3A, %add3A_636 : i32
        %get3A_638 = arith.constant 0 : i32
        %get3A_639 = arith.index_cast %get3A_638 : i32 to index
        %get3A_640 = arith.index_cast %add3A_637 : i32 to index
        %get3A_641 = arith.constant 16 : index
        %get3A_642 = tpu.vector_load %arg9[%get3A_639, %get3A_640, %get3A_641] {strides = array<i32>} : memref<2x208x64xf32, #tpu.memory_space<vmem>>, vector<16xf32>,
        %mul3A_643 = arith.mulf %get3A_642, %get3A_371 : vector<16xf32>
        %add3A_644 = arith.addf %mul3A_635, %mul3A_643 : vector<16xf32>
        %add3A_645 = arith.constant 4 : i32
        %add3A_646 = arith.addi %multiple_of3A, %add3A_645 : i32
        %get3A_647 = arith.constant 0 : i32
        %get3A_648 = arith.index_cast %get3A_647 : i32 to index
        %get3A_649 = arith.index_cast %add3A_646 : i32 to index
        %get3A_650 = arith.constant 32 : index
        %get3A_651 = tpu.vector_load %arg9[%get3A_648, %get3A_649, %get3A_650] {strides = array<i32>} : memref<2x208x64xf32, #tpu.memory_space<vmem>>, vector<16xf32>,
        %mul3A_652 = arith.mulf %get3A_651, %get3A_374 : vector<16xf32>
        %add3A_653 = arith.addf %add3A_644, %mul3A_652 : vector<16xf32>
        %add3A_654 = arith.constant 4 : i32
        %add3A_655 = arith.addi %multiple_of3A, %add3A_654 : i32
        %get3A_656 = arith.constant 0 : i32
        %get3A_657 = arith.index_cast %get3A_656 : i32 to index
        %get3A_658 = arith.index_cast %add3A_655 : i32 to index
        %get3A_659 = arith.constant 48 : index
        %get3A_660 = tpu.vector_load %arg9[%get3A_657, %get3A_658, %get3A_659] {strides = array<i32>} : memref<2x208x64xf32, #tpu.memory_space<vmem>>, vector<16xf32>,
        %mul3A_661 = arith.mulf %get3A_660, %get3A_377 : vector<16xf32>
        %add3A_662 = arith.addf %add3A_653, %mul3A_661 : vector<16xf32>
        %swap3A_663 = arith.constant 64 : index
        %swap3A_664 = tpu.vector_load %arg10[%swap3A_663] {strides = array<i32>} : memref<256xf32, #tpu.memory_space<vmem>>, vector<16xf32>,
        tpu.vector_store %arg10[%swap3A_663], %add3A_662 {strides = array<i32>} : memref<256xf32, #tpu.memory_space<vmem>>, vector<16xf32>,
        %add3A_665 = arith.constant 5 : i32
        %add3A_666 = arith.addi %multiple_of3A, %add3A_665 : i32
        %get3A_667 = arith.constant 0 : i32
        %get3A_668 = arith.index_cast %get3A_667 : i32 to index
        %get3A_669 = arith.index_cast %add3A_666 : i32 to index
        %get3A_670 = arith.constant 0 : index
        %get3A_671 = tpu.vector_load %arg9[%get3A_668, %get3A_669, %get3A_670] {strides = array<i32>} : memref<2x208x64xf32, #tpu.memory_space<vmem>>, vector<16xf32>,
        %mul3A_672 = arith.mulf %get3A_671, %get3A_368 : vector<16xf32>
        %add3A_673 = arith.constant 5 : i32
        %add3A_674 = arith.addi %multiple_of3A, %add3A_673 : i32
        %get3A_675 = arith.constant 0 : i32
        %get3A_676 = arith.index_cast %get3A_675 : i32 to index
        %get3A_677 = arith.index_cast %add3A_674 : i32 to index
        %get3A_678 = arith.constant 16 : index
        %get3A_679 = tpu.vector_load %arg9[%get3A_676, %get3A_677, %get3A_678] {strides = array<i32>} : memref<2x208x64xf32, #tpu.memory_space<vmem>>, vector<16xf32>,
        %mul3A_680 = arith.mulf %get3A_679, %get3A_371 : vector<16xf32>
        %add3A_681 = arith.addf %mul3A_672, %mul3A_680 : vector<16xf32>
        %add3A_682 = arith.constant 5 : i32
        %add3A_683 = arith.addi %multiple_of3A, %add3A_682 : i32
        %get3A_684 = arith.constant 0 : i32
        %get3A_685 = arith.index_cast %get3A_684 : i32 to index
        %get3A_686 = arith.index_cast %add3A_683 : i32 to index
        %get3A_687 = arith.constant 32 : index
        %get3A_688 = tpu.vector_load %arg9[%get3A_685, %get3A_686, %get3A_687] {strides = array<i32>} : memref<2x208x64xf32, #tpu.memory_space<vmem>>, vector<16xf32>,
        %mul3A_689 = arith.mulf %get3A_688, %get3A_374 : vector<16xf32>
        %add3A_690 = arith.addf %add3A_681, %mul3A_689 : vector<16xf32>
        %add3A_691 = arith.constant 5 : i32
        %add3A_692 = arith.addi %multiple_of3A, %add3A_691 : i32
        %get3A_693 = arith.constant 0 : i32
        %get3A_694 = arith.index_cast %get3A_693 : i32 to index
        %get3A_695 = arith.index_cast %add3A_692 : i32 to index
        %get3A_696 = arith.constant 48 : index
        %get3A_697 = tpu.vector_load %arg9[%get3A_694, %get3A_695, %get3A_696] {strides = array<i32>} : memref<2x208x64xf32, #tpu.memory_space<vmem>>, vector<16xf32>,
        %mul3A_698 = arith.mulf %get3A_697, %get3A_377 : vector<16xf32>
        %add3A_699 = arith.addf %add3A_690, %mul3A_698 : vector<16xf32>
        %swap3A_700 = arith.constant 80 : index
        %swap3A_701 = tpu.vector_load %arg10[%swap3A_700] {strides = array<i32>} : memref<256xf32, #tpu.memory_space<vmem>>, vector<16xf32>,
        tpu.vector_store %arg10[%swap3A_700], %add3A_699 {strides = array<i32>} : memref<256xf32, #tpu.memory_space<vmem>>, vector<16xf32>,
        %add3A_702 = arith.constant 6 : i32
        %add3A_703 = arith.addi %multiple_of3A, %add3A_702 : i32
        %get3A_704 = arith.constant 0 : i32
        %get3A_705 = arith.index_cast %get3A_704 : i32 to index
        %get3A_706 = arith.index_cast %add3A_703 : i32 to index
        %get3A_707 = arith.constant 0 : index
        %get3A_708 = tpu.vector_load %arg9[%get3A_705, %get3A_706, %get3A_707] {strides = array<i32>} : memref<2x208x64xf32, #tpu.memory_space<vmem>>, vector<16xf32>,
        %mul3A_709 = arith.mulf %get3A_708, %get3A_368 : vector<16xf32>
        %add3A_710 = arith.constant 6 : i32
        %add3A_711 = arith.addi %multiple_of3A, %add3A_710 : i32
        %get3A_712 = arith.constant 0 : i32
        %get3A_713 = arith.index_cast %get3A_712 : i32 to index
        %get3A_714 = arith.index_cast %add3A_711 : i32 to index
        %get3A_715 = arith.constant 16 : index
        %get3A_716 = tpu.vector_load %arg9[%get3A_713, %get3A_714, %get3A_715] {strides = array<i32>} : memref<2x208x64xf32, #tpu.memory_space<vmem>>, vector<16xf32>,
        %mul3A_717 = arith.mulf %get3A_716, %get3A_371 : vector<16xf32>
        %add3A_718 = arith.addf %mul3A_709, %mul3A_717 : vector<16xf32>
        %add3A_719 = arith.constant 6 : i32
        %add3A_720 = arith.addi %multiple_of3A, %add3A_719 : i32
        %get3A_721 = arith.constant 0 : i32
        %get3A_722 = arith.index_cast %get3A_721 : i32 to index
        %get3A_723 = arith.index_cast %add3A_720 : i32 to index
        %get3A_724 = arith.constant 32 : index
        %get3A_725 = tpu.vector_load %arg9[%get3A_722, %get3A_723, %get3A_724] {strides = array<i32>} : memref<2x208x64xf32, #tpu.memory_space<vmem>>, vector<16xf32>,
        %mul3A_726 = arith.mulf %get3A_725, %get3A_374 : vector<16xf32>
        %add3A_727 = arith.addf %add3A_718, %mul3A_726 : vector<16xf32>
        %add3A_728 = arith.constant 6 : i32
        %add3A_729 = arith.addi %multiple_of3A, %add3A_728 : i32
        %get3A_730 = arith.constant 0 : i32
        %get3A_731 = arith.index_cast %get3A_730 : i32 to index
        %get3A_732 = arith.index_cast %add3A_729 : i32 to index
        %get3A_733 = arith.constant 48 : index
        %get3A_734 = tpu.vector_load %arg9[%get3A_731, %get3A_732, %get3A_733] {strides = array<i32>} : memref<2x208x64xf32, #tpu.memory_space<vmem>>, vector<16xf32>,
        %mul3A_735 = arith.mulf %get3A_734, %get3A_377 : vector<16xf32>
        %add3A_736 = arith.addf %add3A_727, %mul3A_735 : vector<16xf32>
        %swap3A_737 = arith.constant 96 : index
        %swap3A_738 = tpu.vector_load %arg10[%swap3A_737] {strides = array<i32>} : memref<256xf32, #tpu.memory_space<vmem>>, vector<16xf32>,
        tpu.vector_store %arg10[%swap3A_737], %add3A_736 {strides = array<i32>} : memref<256xf32, #tpu.memory_space<vmem>>, vector<16xf32>,
        %add3A_739 = arith.constant 7 : i32
        %add3A_740 = arith.addi %multiple_of3A, %add3A_739 : i32
        %get3A_741 = arith.constant 0 : i32
        %get3A_742 = arith.index_cast %get3A_741 : i32 to index
        %get3A_743 = arith.index_cast %add3A_740 : i32 to index
        %get3A_744 = arith.constant 0 : index
        %get3A_745 = tpu.vector_load %arg9[%get3A_742, %get3A_743, %get3A_744] {strides = array<i32>} : memref<2x208x64xf32, #tpu.memory_space<vmem>>, vector<16xf32>,
        %mul3A_746 = arith.mulf %get3A_745, %get3A_368 : vector<16xf32>
        %add3A_747 = arith.constant 7 : i32
        %add3A_748 = arith.addi %multiple_of3A, %add3A_747 : i32
        %get3A_749 = arith.constant 0 : i32
        %get3A_750 = arith.index_cast %get3A_749 : i32 to index
        %get3A_751 = arith.index_cast %add3A_748 : i32 to index
        %get3A_752 = arith.constant 16 : index
        %get3A_753 = tpu.vector_load %arg9[%get3A_750, %get3A_751, %get3A_752] {strides = array<i32>} : memref<2x208x64xf32, #tpu.memory_space<vmem>>, vector<16xf32>,
        %mul3A_754 = arith.mulf %get3A_753, %get3A_371 : vector<16xf32>
        %add3A_755 = arith.addf %mul3A_746, %mul3A_754 : vector<16xf32>
        %add3A_756 = arith.constant 7 : i32
        %add3A_757 = arith.addi %multiple_of3A, %add3A_756 : i32
        %get3A_758 = arith.constant 0 : i32
        %get3A_759 = arith.index_cast %get3A_758 : i32 to index
        %get3A_760 = arith.index_cast %add3A_757 : i32 to index
        %get3A_761 = arith.constant 32 : index
        %get3A_762 = tpu.vector_load %arg9[%get3A_759, %get3A_760, %get3A_761] {strides = array<i32>} : memref<2x208x64xf32, #tpu.memory_space<vmem>>, vector<16xf32>,
        %mul3A_763 = arith.mulf %get3A_762, %get3A_374 : vector<16xf32>
        %add3A_764 = arith.addf %add3A_755, %mul3A_763 : vector<16xf32>
        %add3A_765 = arith.constant 7 : i32
        %add3A_766 = arith.addi %multiple_of3A, %add3A_765 : i32
        %get3A_767 = arith.constant 0 : i32
        %get3A_768 = arith.index_cast %get3A_767 : i32 to index
        %get3A_769 = arith.index_cast %add3A_766 : i32 to index
        %get3A_770 = arith.constant 48 : index
        %get3A_771 = tpu.vector_load %arg9[%get3A_768, %get3A_769, %get3A_770] {strides = array<i32>} : memref<2x208x64xf32, #tpu.memory_space<vmem>>, vector<16xf32>,
        %mul3A_772 = arith.mulf %get3A_771, %get3A_377 : vector<16xf32>
        %add3A_773 = arith.addf %add3A_764, %mul3A_772 : vector<16xf32>
        %swap3A_774 = arith.constant 112 : index
        %swap3A_775 = tpu.vector_load %arg10[%swap3A_774] {strides = array<i32>} : memref<256xf32, #tpu.memory_space<vmem>>, vector<16xf32>,
        tpu.vector_store %arg10[%swap3A_774], %add3A_773 {strides = array<i32>} : memref<256xf32, #tpu.memory_space<vmem>>, vector<16xf32>,
        %add3A_776 = arith.constant 8 : i32
        %add3A_777 = arith.addi %multiple_of3A, %add3A_776 : i32
        %get3A_778 = arith.constant 0 : i32
        %get3A_779 = arith.index_cast %get3A_778 : i32 to index
        %get3A_780 = arith.index_cast %add3A_777 : i32 to index
        %get3A_781 = arith.constant 0 : index
        %get3A_782 = tpu.vector_load %arg9[%get3A_779, %get3A_780, %get3A_781] {strides = array<i32>} : memref<2x208x64xf32, #tpu.memory_space<vmem>>, vector<16xf32>,
        %mul3A_783 = arith.mulf %get3A_782, %get3A_368 : vector<16xf32>
        %add3A_784 = arith.constant 8 : i32
        %add3A_785 = arith.addi %multiple_of3A, %add3A_784 : i32
        %get3A_786 = arith.constant 0 : i32
        %get3A_787 = arith.index_cast %get3A_786 : i32 to index
        %get3A_788 = arith.index_cast %add3A_785 : i32 to index
        %get3A_789 = arith.constant 16 : index
        %get3A_790 = tpu.vector_load %arg9[%get3A_787, %get3A_788, %get3A_789] {strides = array<i32>} : memref<2x208x64xf32, #tpu.memory_space<vmem>>, vector<16xf32>,
        %mul3A_791 = arith.mulf %get3A_790, %get3A_371 : vector<16xf32>
        %add3A_792 = arith.addf %mul3A_783, %mul3A_791 : vector<16xf32>
        %add3A_793 = arith.constant 8 : i32
        %add3A_794 = arith.addi %multiple_of3A, %add3A_793 : i32
        %get3A_795 = arith.constant 0 : i32
        %get3A_796 = arith.index_cast %get3A_795 : i32 to index
        %get3A_797 = arith.index_cast %add3A_794 : i32 to index
        %get3A_798 = arith.constant 32 : index
        %get3A_799 = tpu.vector_load %arg9[%get3A_796, %get3A_797, %get3A_798] {strides = array<i32>} : memref<2x208x64xf32, #tpu.memory_space<vmem>>, vector<16xf32>,
        %mul3A_800 = arith.mulf %get3A_799, %get3A_374 : vector<16xf32>
        %add3A_801 = arith.addf %add3A_792, %mul3A_800 : vector<16xf32>
        %add3A_802 = arith.constant 8 : i32
        %add3A_803 = arith.addi %multiple_of3A, %add3A_802 : i32
        %get3A_804 = arith.constant 0 : i32
        %get3A_805 = arith.index_cast %get3A_804 : i32 to index
        %get3A_806 = arith.index_cast %add3A_803 : i32 to index
        %get3A_807 = arith.constant 48 : index
        %get3A_808 = tpu.vector_load %arg9[%get3A_805, %get3A_806, %get3A_807] {strides = array<i32>} : memref<2x208x64xf32, #tpu.memory_space<vmem>>, vector<16xf32>,
        %mul3A_809 = arith.mulf %get3A_808, %get3A_377 : vector<16xf32>
        %add3A_810 = arith.addf %add3A_801, %mul3A_809 : vector<16xf32>
        %swap3A_811 = arith.constant 128 : index
        %swap3A_812 = tpu.vector_load %arg10[%swap3A_811] {strides = array<i32>} : memref<256xf32, #tpu.memory_space<vmem>>, vector<16xf32>,
        tpu.vector_store %arg10[%swap3A_811], %add3A_810 {strides = array<i32>} : memref<256xf32, #tpu.memory_space<vmem>>, vector<16xf32>,
        %add3A_813 = arith.constant 9 : i32
        %add3A_814 = arith.addi %multiple_of3A, %add3A_813 : i32
        %get3A_815 = arith.constant 0 : i32
        %get3A_816 = arith.index_cast %get3A_815 : i32 to index
        %get3A_817 = arith.index_cast %add3A_814 : i32 to index
        %get3A_818 = arith.constant 0 : index
        %get3A_819 = tpu.vector_load %arg9[%get3A_816, %get3A_817, %get3A_818] {strides = array<i32>} : memref<2x208x64xf32, #tpu.memory_space<vmem>>, vector<16xf32>,
        %mul3A_820 = arith.mulf %get3A_819, %get3A_368 : vector<16xf32>
        %add3A_821 = arith.constant 9 : i32
        %add3A_822 = arith.addi %multiple_of3A, %add3A_821 : i32
        %get3A_823 = arith.constant 0 : i32
        %get3A_824 = arith.index_cast %get3A_823 : i32 to index
        %get3A_825 = arith.index_cast %add3A_822 : i32 to index
        %get3A_826 = arith.constant 16 : index
        %get3A_827 = tpu.vector_load %arg9[%get3A_824, %get3A_825, %get3A_826] {strides = array<i32>} : memref<2x208x64xf32, #tpu.memory_space<vmem>>, vector<16xf32>,
        %mul3A_828 = arith.mulf %get3A_827, %get3A_371 : vector<16xf32>
        %add3A_829 = arith.addf %mul3A_820, %mul3A_828 : vector<16xf32>
        %add3A_830 = arith.constant 9 : i32
        %add3A_831 = arith.addi %multiple_of3A, %add3A_830 : i32
        %get3A_832 = arith.constant 0 : i32
        %get3A_833 = arith.index_cast %get3A_832 : i32 to index
        %get3A_834 = arith.index_cast %add3A_831 : i32 to index
        %get3A_835 = arith.constant 32 : index
        %get3A_836 = tpu.vector_load %arg9[%get3A_833, %get3A_834, %get3A_835] {strides = array<i32>} : memref<2x208x64xf32, #tpu.memory_space<vmem>>, vector<16xf32>,
        %mul3A_837 = arith.mulf %get3A_836, %get3A_374 : vector<16xf32>
        %add3A_838 = arith.addf %add3A_829, %mul3A_837 : vector<16xf32>
        %add3A_839 = arith.constant 9 : i32
        %add3A_840 = arith.addi %multiple_of3A, %add3A_839 : i32
        %get3A_841 = arith.constant 0 : i32
        %get3A_842 = arith.index_cast %get3A_841 : i32 to index
        %get3A_843 = arith.index_cast %add3A_840 : i32 to index
        %get3A_844 = arith.constant 48 : index
        %get3A_845 = tpu.vector_load %arg9[%get3A_842, %get3A_843, %get3A_844] {strides = array<i32>} : memref<2x208x64xf32, #tpu.memory_space<vmem>>, vector<16xf32>,
        %mul3A_846 = arith.mulf %get3A_845, %get3A_377 : vector<16xf32>
        %add3A_847 = arith.addf %add3A_838, %mul3A_846 : vector<16xf32>
        %swap3A_848 = arith.constant 144 : index
        %swap3A_849 = tpu.vector_load %arg10[%swap3A_848] {strides = array<i32>} : memref<256xf32, #tpu.memory_space<vmem>>, vector<16xf32>,
        tpu.vector_store %arg10[%swap3A_848], %add3A_847 {strides = array<i32>} : memref<256xf32, #tpu.memory_space<vmem>>, vector<16xf32>,
        %add3A_850 = arith.constant 10 : i32
        %add3A_851 = arith.addi %multiple_of3A, %add3A_850 : i32
        %get3A_852 = arith.constant 0 : i32
        %get3A_853 = arith.index_cast %get3A_852 : i32 to index
        %get3A_854 = arith.index_cast %add3A_851 : i32 to index
        %get3A_855 = arith.constant 0 : index
        %get3A_856 = tpu.vector_load %arg9[%get3A_853, %get3A_854, %get3A_855] {strides = array<i32>} : memref<2x208x64xf32, #tpu.memory_space<vmem>>, vector<16xf32>,
        %mul3A_857 = arith.mulf %get3A_856, %get3A_368 : vector<16xf32>
        %add3A_858 = arith.constant 10 : i32
        %add3A_859 = arith.addi %multiple_of3A, %add3A_858 : i32
        %get3A_860 = arith.constant 0 : i32
        %get3A_861 = arith.index_cast %get3A_860 : i32 to index
        %get3A_862 = arith.index_cast %add3A_859 : i32 to index
        %get3A_863 = arith.constant 16 : index
        %get3A_864 = tpu.vector_load %arg9[%get3A_861, %get3A_862, %get3A_863] {strides = array<i32>} : memref<2x208x64xf32, #tpu.memory_space<vmem>>, vector<16xf32>,
        %mul3A_865 = arith.mulf %get3A_864, %get3A_371 : vector<16xf32>
        %add3A_866 = arith.addf %mul3A_857, %mul3A_865 : vector<16xf32>
        %add3A_867 = arith.constant 10 : i32
        %add3A_868 = arith.addi %multiple_of3A, %add3A_867 : i32
        %get3A_869 = arith.constant 0 : i32
        %get3A_870 = arith.index_cast %get3A_869 : i32 to index
        %get3A_871 = arith.index_cast %add3A_868 : i32 to index
        %get3A_872 = arith.constant 32 : index
        %get3A_873 = tpu.vector_load %arg9[%get3A_870, %get3A_871, %get3A_872] {strides = array<i32>} : memref<2x208x64xf32, #tpu.memory_space<vmem>>, vector<16xf32>,
        %mul3A_874 = arith.mulf %get3A_873, %get3A_374 : vector<16xf32>
        %add3A_875 = arith.addf %add3A_866, %mul3A_874 : vector<16xf32>
        %add3A_876 = arith.constant 10 : i32
        %add3A_877 = arith.addi %multiple_of3A, %add3A_876 : i32
        %get3A_878 = arith.constant 0 : i32
        %get3A_879 = arith.index_cast %get3A_878 : i32 to index
        %get3A_880 = arith.index_cast %add3A_877 : i32 to index
        %get3A_881 = arith.constant 48 : index
        %get3A_882 = tpu.vector_load %arg9[%get3A_879, %get3A_880, %get3A_881] {strides = array<i32>} : memref<2x208x64xf32, #tpu.memory_space<vmem>>, vector<16xf32>,
        %mul3A_883 = arith.mulf %get3A_882, %get3A_377 : vector<16xf32>
        %add3A_884 = arith.addf %add3A_875, %mul3A_883 : vector<16xf32>
        %swap3A_885 = arith.constant 160 : index
        %swap3A_886 = tpu.vector_load %arg10[%swap3A_885] {strides = array<i32>} : memref<256xf32, #tpu.memory_space<vmem>>, vector<16xf32>,
        tpu.vector_store %arg10[%swap3A_885], %add3A_884 {strides = array<i32>} : memref<256xf32, #tpu.memory_space<vmem>>, vector<16xf32>,
        %add3A_887 = arith.constant 11 : i32
        %add3A_888 = arith.addi %multiple_of3A, %add3A_887 : i32
        %get3A_889 = arith.constant 0 : i32
        %get3A_890 = arith.index_cast %get3A_889 : i32 to index
        %get3A_891 = arith.index_cast %add3A_888 : i32 to index
        %get3A_892 = arith.constant 0 : index
        %get3A_893 = tpu.vector_load %arg9[%get3A_890, %get3A_891, %get3A_892] {strides = array<i32>} : memref<2x208x64xf32, #tpu.memory_space<vmem>>, vector<16xf32>,
        %mul3A_894 = arith.mulf %get3A_893, %get3A_368 : vector<16xf32>
        %add3A_895 = arith.constant 11 : i32
        %add3A_896 = arith.addi %multiple_of3A, %add3A_895 : i32
        %get3A_897 = arith.constant 0 : i32
        %get3A_898 = arith.index_cast %get3A_897 : i32 to index
        %get3A_899 = arith.index_cast %add3A_896 : i32 to index
        %get3A_900 = arith.constant 16 : index
        %get3A_901 = tpu.vector_load %arg9[%get3A_898, %get3A_899, %get3A_900] {strides = array<i32>} : memref<2x208x64xf32, #tpu.memory_space<vmem>>, vector<16xf32>,
        %mul3A_902 = arith.mulf %get3A_901, %get3A_371 : vector<16xf32>
        %add3A_903 = arith.addf %mul3A_894, %mul3A_902 : vector<16xf32>
        %add3A_904 = arith.constant 11 : i32
        %add3A_905 = arith.addi %multiple_of3A, %add3A_904 : i32
        %get3A_906 = arith.constant 0 : i32
        %get3A_907 = arith.index_cast %get3A_906 : i32 to index
        %get3A_908 = arith.index_cast %add3A_905 : i32 to index
        %get3A_909 = arith.constant 32 : index
        %get3A_910 = tpu.vector_load %arg9[%get3A_907, %get3A_908, %get3A_909] {strides = array<i32>} : memref<2x208x64xf32, #tpu.memory_space<vmem>>, vector<16xf32>,
        %mul3A_911 = arith.mulf %get3A_910, %get3A_374 : vector<16xf32>
        %add3A_912 = arith.addf %add3A_903, %mul3A_911 : vector<16xf32>
        %add3A_913 = arith.constant 11 : i32
        %add3A_914 = arith.addi %multiple_of3A, %add3A_913 : i32
        %get3A_915 = arith.constant 0 : i32
        %get3A_916 = arith.index_cast %get3A_915 : i32 to index
        %get3A_917 = arith.index_cast %add3A_914 : i32 to index
        %get3A_918 = arith.constant 48 : index
        %get3A_919 = tpu.vector_load %arg9[%get3A_916, %get3A_917, %get3A_918] {strides = array<i32>} : memref<2x208x64xf32, #tpu.memory_space<vmem>>, vector<16xf32>,
        %mul3A_920 = arith.mulf %get3A_919, %get3A_377 : vector<16xf32>
        %add3A_921 = arith.addf %add3A_912, %mul3A_920 : vector<16xf32>
        %swap3A_922 = arith.constant 176 : index
        %swap3A_923 = tpu.vector_load %arg10[%swap3A_922] {strides = array<i32>} : memref<256xf32, #tpu.memory_space<vmem>>, vector<16xf32>,
        tpu.vector_store %arg10[%swap3A_922], %add3A_921 {strides = array<i32>} : memref<256xf32, #tpu.memory_space<vmem>>, vector<16xf32>,
        %add3A_924 = arith.constant 12 : i32
        %add3A_925 = arith.addi %multiple_of3A, %add3A_924 : i32
        %get3A_926 = arith.constant 0 : i32
        %get3A_927 = arith.index_cast %get3A_926 : i32 to index
        %get3A_928 = arith.index_cast %add3A_925 : i32 to index
        %get3A_929 = arith.constant 0 : index
        %get3A_930 = tpu.vector_load %arg9[%get3A_927, %get3A_928, %get3A_929] {strides = array<i32>} : memref<2x208x64xf32, #tpu.memory_space<vmem>>, vector<16xf32>,
        %mul3A_931 = arith.mulf %get3A_930, %get3A_368 : vector<16xf32>
        %add3A_932 = arith.constant 12 : i32
        %add3A_933 = arith.addi %multiple_of3A, %add3A_932 : i32
        %get3A_934 = arith.constant 0 : i32
        %get3A_935 = arith.index_cast %get3A_934 : i32 to index
        %get3A_936 = arith.index_cast %add3A_933 : i32 to index
        %get3A_937 = arith.constant 16 : index
        %get3A_938 = tpu.vector_load %arg9[%get3A_935, %get3A_936, %get3A_937] {strides = array<i32>} : memref<2x208x64xf32, #tpu.memory_space<vmem>>, vector<16xf32>,
        %mul3A_939 = arith.mulf %get3A_938, %get3A_371 : vector<16xf32>
        %add3A_940 = arith.addf %mul3A_931, %mul3A_939 : vector<16xf32>
        %add3A_941 = arith.constant 12 : i32
        %add3A_942 = arith.addi %multiple_of3A, %add3A_941 : i32
        %get3A_943 = arith.constant 0 : i32
        %get3A_944 = arith.index_cast %get3A_943 : i32 to index
        %get3A_945 = arith.index_cast %add3A_942 : i32 to index
        %get3A_946 = arith.constant 32 : index
        %get3A_947 = tpu.vector_load %arg9[%get3A_944, %get3A_945, %get3A_946] {strides = array<i32>} : memref<2x208x64xf32, #tpu.memory_space<vmem>>, vector<16xf32>,
        %mul3A_948 = arith.mulf %get3A_947, %get3A_374 : vector<16xf32>
        %add3A_949 = arith.addf %add3A_940, %mul3A_948 : vector<16xf32>
        %add3A_950 = arith.constant 12 : i32
        %add3A_951 = arith.addi %multiple_of3A, %add3A_950 : i32
        %get3A_952 = arith.constant 0 : i32
        %get3A_953 = arith.index_cast %get3A_952 : i32 to index
        %get3A_954 = arith.index_cast %add3A_951 : i32 to index
        %get3A_955 = arith.constant 48 : index
        %get3A_956 = tpu.vector_load %arg9[%get3A_953, %get3A_954, %get3A_955] {strides = array<i32>} : memref<2x208x64xf32, #tpu.memory_space<vmem>>, vector<16xf32>,
        %mul3A_957 = arith.mulf %get3A_956, %get3A_377 : vector<16xf32>
        %add3A_958 = arith.addf %add3A_949, %mul3A_957 : vector<16xf32>
        %swap3A_959 = arith.constant 192 : index
        %swap3A_960 = tpu.vector_load %arg10[%swap3A_959] {strides = array<i32>} : memref<256xf32, #tpu.memory_space<vmem>>, vector<16xf32>,
        tpu.vector_store %arg10[%swap3A_959], %add3A_958 {strides = array<i32>} : memref<256xf32, #tpu.memory_space<vmem>>, vector<16xf32>,
        %add3A_961 = arith.constant 13 : i32
        %add3A_962 = arith.addi %multiple_of3A, %add3A_961 : i32
        %get3A_963 = arith.constant 0 : i32
        %get3A_964 = arith.index_cast %get3A_963 : i32 to index
        %get3A_965 = arith.index_cast %add3A_962 : i32 to index
        %get3A_966 = arith.constant 0 : index
        %get3A_967 = tpu.vector_load %arg9[%get3A_964, %get3A_965, %get3A_966] {strides = array<i32>} : memref<2x208x64xf32, #tpu.memory_space<vmem>>, vector<16xf32>,
        %mul3A_968 = arith.mulf %get3A_967, %get3A_368 : vector<16xf32>
        %add3A_969 = arith.constant 13 : i32
        %add3A_970 = arith.addi %multiple_of3A, %add3A_969 : i32
        %get3A_971 = arith.constant 0 : i32
        %get3A_972 = arith.index_cast %get3A_971 : i32 to index
        %get3A_973 = arith.index_cast %add3A_970 : i32 to index
        %get3A_974 = arith.constant 16 : index
        %get3A_975 = tpu.vector_load %arg9[%get3A_972, %get3A_973, %get3A_974] {strides = array<i32>} : memref<2x208x64xf32, #tpu.memory_space<vmem>>, vector<16xf32>,
        %mul3A_976 = arith.mulf %get3A_975, %get3A_371 : vector<16xf32>
        %add3A_977 = arith.addf %mul3A_968, %mul3A_976 : vector<16xf32>
        %add3A_978 = arith.constant 13 : i32
        %add3A_979 = arith.addi %multiple_of3A, %add3A_978 : i32
        %get3A_980 = arith.constant 0 : i32
        %get3A_981 = arith.index_cast %get3A_980 : i32 to index
        %get3A_982 = arith.index_cast %add3A_979 : i32 to index
        %get3A_983 = arith.constant 32 : index
        %get3A_984 = tpu.vector_load %arg9[%get3A_981, %get3A_982, %get3A_983] {strides = array<i32>} : memref<2x208x64xf32, #tpu.memory_space<vmem>>, vector<16xf32>,
        %mul3A_985 = arith.mulf %get3A_984, %get3A_374 : vector<16xf32>
        %add3A_986 = arith.addf %add3A_977, %mul3A_985 : vector<16xf32>
        %add3A_987 = arith.constant 13 : i32
        %add3A_988 = arith.addi %multiple_of3A, %add3A_987 : i32
        %get3A_989 = arith.constant 0 : i32
        %get3A_990 = arith.index_cast %get3A_989 : i32 to index
        %get3A_991 = arith.index_cast %add3A_988 : i32 to index
        %get3A_992 = arith.constant 48 : index
        %get3A_993 = tpu.vector_load %arg9[%get3A_990, %get3A_991, %get3A_992] {strides = array<i32>} : memref<2x208x64xf32, #tpu.memory_space<vmem>>, vector<16xf32>,
        %mul3A_994 = arith.mulf %get3A_993, %get3A_377 : vector<16xf32>
        %add3A_995 = arith.addf %add3A_986, %mul3A_994 : vector<16xf32>
        %swap3A_996 = arith.constant 208 : index
        %swap3A_997 = tpu.vector_load %arg10[%swap3A_996] {strides = array<i32>} : memref<256xf32, #tpu.memory_space<vmem>>, vector<16xf32>,
        tpu.vector_store %arg10[%swap3A_996], %add3A_995 {strides = array<i32>} : memref<256xf32, #tpu.memory_space<vmem>>, vector<16xf32>,
        %add3A_998 = arith.constant 14 : i32
        %add3A_999 = arith.addi %multiple_of3A, %add3A_998 : i32
        %get3A_1000 = arith.constant 0 : i32
        %get3A_1001 = arith.index_cast %get3A_1000 : i32 to index
        %get3A_1002 = arith.index_cast %add3A_999 : i32 to index
        %get3A_1003 = arith.constant 0 : index
        %get3A_1004 = tpu.vector_load %arg9[%get3A_1001, %get3A_1002, %get3A_1003] {strides = array<i32>} : memref<2x208x64xf32, #tpu.memory_space<vmem>>, vector<16xf32>,
        %mul3A_1005 = arith.mulf %get3A_1004, %get3A_368 : vector<16xf32>
        %add3A_1006 = arith.constant 14 : i32
        %add3A_1007 = arith.addi %multiple_of3A, %add3A_1006 : i32
        %get3A_1008 = arith.constant 0 : i32
        %get3A_1009 = arith.index_cast %get3A_1008 : i32 to index
        %get3A_1010 = arith.index_cast %add3A_1007 : i32 to index
        %get3A_1011 = arith.constant 16 : index
        %get3A_1012 = tpu.vector_load %arg9[%get3A_1009, %get3A_1010, %get3A_1011] {strides = array<i32>} : memref<2x208x64xf32, #tpu.memory_space<vmem>>, vector<16xf32>,
        %mul3A_1013 = arith.mulf %get3A_1012, %get3A_371 : vector<16xf32>
        %add3A_1014 = arith.addf %mul3A_1005, %mul3A_1013 : vector<16xf32>
        %add3A_1015 = arith.constant 14 : i32
        %add3A_1016 = arith.addi %multiple_of3A, %add3A_1015 : i32
        %get3A_1017 = arith.constant 0 : i32
        %get3A_1018 = arith.index_cast %get3A_1017 : i32 to index
        %get3A_1019 = arith.index_cast %add3A_1016 : i32 to index
        %get3A_1020 = arith.constant 32 : index
        %get3A_1021 = tpu.vector_load %arg9[%get3A_1018, %get3A_1019, %get3A_1020] {strides = array<i32>} : memref<2x208x64xf32, #tpu.memory_space<vmem>>, vector<16xf32>,
        %mul3A_1022 = arith.mulf %get3A_1021, %get3A_374 : vector<16xf32>
        %add3A_1023 = arith.addf %add3A_1014, %mul3A_1022 : vector<16xf32>
        %add3A_1024 = arith.constant 14 : i32
        %add3A_1025 = arith.addi %multiple_of3A, %add3A_1024 : i32
        %get3A_1026 = arith.constant 0 : i32
        %get3A_1027 = arith.index_cast %get3A_1026 : i32 to index
        %get3A_1028 = arith.index_cast %add3A_1025 : i32 to index
        %get3A_1029 = arith.constant 48 : index
        %get3A_1030 = tpu.vector_load %arg9[%get3A_1027, %get3A_1028, %get3A_1029] {strides = array<i32>} : memref<2x208x64xf32, #tpu.memory_space<vmem>>, vector<16xf32>,
        %mul3A_1031 = arith.mulf %get3A_1030, %get3A_377 : vector<16xf32>
        %add3A_1032 = arith.addf %add3A_1023, %mul3A_1031 : vector<16xf32>
        %swap3A_1033 = arith.constant 224 : index
        %swap3A_1034 = tpu.vector_load %arg10[%swap3A_1033] {strides = array<i32>} : memref<256xf32, #tpu.memory_space<vmem>>, vector<16xf32>,
        tpu.vector_store %arg10[%swap3A_1033], %add3A_1032 {strides = array<i32>} : memref<256xf32, #tpu.memory_space<vmem>>, vector<16xf32>,
        %add3A_1035 = arith.constant 15 : i32
        %add3A_1036 = arith.addi %multiple_of3A, %add3A_1035 : i32
        %get3A_1037 = arith.constant 0 : i32
        %get3A_1038 = arith.index_cast %get3A_1037 : i32 to index
        %get3A_1039 = arith.index_cast %add3A_1036 : i32 to index
        %get3A_1040 = arith.constant 0 : index
        %get3A_1041 = tpu.vector_load %arg9[%get3A_1038, %get3A_1039, %get3A_1040] {strides = array<i32>} : memref<2x208x64xf32, #tpu.memory_space<vmem>>, vector<16xf32>,
        %mul3A_1042 = arith.mulf %get3A_1041, %get3A_368 : vector<16xf32>
        %add3A_1043 = arith.constant 15 : i32
        %add3A_1044 = arith.addi %multiple_of3A, %add3A_1043 : i32
        %get3A_1045 = arith.constant 0 : i32
        %get3A_1046 = arith.index_cast %get3A_1045 : i32 to index
        %get3A_1047 = arith.index_cast %add3A_1044 : i32 to index
        %get3A_1048 = arith.constant 16 : index
        %get3A_1049 = tpu.vector_load %arg9[%get3A_1046, %get3A_1047, %get3A_1048] {strides = array<i32>} : memref<2x208x64xf32, #tpu.memory_space<vmem>>, vector<16xf32>,
        %mul3A_1050 = arith.mulf %get3A_1049, %get3A_371 : vector<16xf32>
        %add3A_1051 = arith.addf %mul3A_1042, %mul3A_1050 : vector<16xf32>
        %add3A_1052 = arith.constant 15 : i32
        %add3A_1053 = arith.addi %multiple_of3A, %add3A_1052 : i32
        %get3A_1054 = arith.constant 0 : i32
        %get3A_1055 = arith.index_cast %get3A_1054 : i32 to index
        %get3A_1056 = arith.index_cast %add3A_1053 : i32 to index
        %get3A_1057 = arith.constant 32 : index
        %get3A_1058 = tpu.vector_load %arg9[%get3A_1055, %get3A_1056, %get3A_1057] {strides = array<i32>} : memref<2x208x64xf32, #tpu.memory_space<vmem>>, vector<16xf32>,
        %mul3A_1059 = arith.mulf %get3A_1058, %get3A_374 : vector<16xf32>
        %add3A_1060 = arith.addf %add3A_1051, %mul3A_1059 : vector<16xf32>
        %add3A_1061 = arith.constant 15 : i32
        %add3A_1062 = arith.addi %multiple_of3A, %add3A_1061 : i32
        %get3A_1063 = arith.constant 0 : i32
        %get3A_1064 = arith.index_cast %get3A_1063 : i32 to index
        %get3A_1065 = arith.index_cast %add3A_1062 : i32 to index
        %get3A_1066 = arith.constant 48 : index
        %get3A_1067 = tpu.vector_load %arg9[%get3A_1064, %get3A_1065, %get3A_1066] {strides = array<i32>} : memref<2x208x64xf32, #tpu.memory_space<vmem>>, vector<16xf32>,
        %mul3A_1068 = arith.mulf %get3A_1067, %get3A_377 : vector<16xf32>
        %add3A_1069 = arith.addf %add3A_1060, %mul3A_1068 : vector<16xf32>
        %swap3A_1070 = arith.constant 240 : index
        %swap3A_1071 = tpu.vector_load %arg10[%swap3A_1070] {strides = array<i32>} : memref<256xf32, #tpu.memory_space<vmem>>, vector<16xf32>,
        tpu.vector_store %arg10[%swap3A_1070], %add3A_1069 {strides = array<i32>} : memref<256xf32, #tpu.memory_space<vmem>>, vector<16xf32>,
        %iota3A = tpu.iota {dimensions = array<i32: 0>} : vector<16xi32>
        %mul3A_1072 = arith.constant 16 : i32
        %mul3A_1073 = vector.broadcast %mul3A_1072 : i32 to vector<16xi32>
        %mul3A_1074 = arith.muli %iota3A, %mul3A_1073 : vector<16xi32>
        %gather3A = tpu.vector_load_idx %arg10[%mul3A_1074] : memref<256xf32, #tpu.memory_space<vmem>>[vector<16xi32>], vector<16xf32>,
        %add3A_1075 = arith.constant 1 : i32
        %add3A_1076 = vector.broadcast %add3A_1075 : i32 to vector<16xi32>
        %add3A_1077 = arith.addi %mul3A_1074, %add3A_1076 : vector<16xi32>
        %gather3A_1078 = tpu.vector_load_idx %arg10[%add3A_1077] : memref<256xf32, #tpu.memory_space<vmem>>[vector<16xi32>], vector<16xf32>,
        %add3A_1079 = arith.addf %gather3A, %gather3A_1078 : vector<16xf32>
        %add3A_1080 = arith.constant 2 : i32
        %add3A_1081 = vector.broadcast %add3A_1080 : i32 to vector<16xi32>
        %add3A_1082 = arith.addi %mul3A_1074, %add3A_1081 : vector<16xi32>
        %gather3A_1083 = tpu.vector_load_idx %arg10[%add3A_1082] : memref<256xf32, #tpu.memory_space<vmem>>[vector<16xi32>], vector<16xf32>,
        %add3A_1084 = arith.addf %add3A_1079, %gather3A_1083 : vector<16xf32>
        %add3A_1085 = arith.constant 3 : i32
        %add3A_1086 = vector.broadcast %add3A_1085 : i32 to vector<16xi32>
        %add3A_1087 = arith.addi %mul3A_1074, %add3A_1086 : vector<16xi32>
        %gather3A_1088 = tpu.vector_load_idx %arg10[%add3A_1087] : memref<256xf32, #tpu.memory_space<vmem>>[vector<16xi32>], vector<16xf32>,
        %add3A_1089 = arith.addf %add3A_1084, %gather3A_1088 : vector<16xf32>
        %add3A_1090 = arith.constant 4 : i32
        %add3A_1091 = vector.broadcast %add3A_1090 : i32 to vector<16xi32>
        %add3A_1092 = arith.addi %mul3A_1074, %add3A_1091 : vector<16xi32>
        %gather3A_1093 = tpu.vector_load_idx %arg10[%add3A_1092] : memref<256xf32, #tpu.memory_space<vmem>>[vector<16xi32>], vector<16xf32>,
        %add3A_1094 = arith.addf %add3A_1089, %gather3A_1093 : vector<16xf32>
        %add3A_1095 = arith.constant 5 : i32
        %add3A_1096 = vector.broadcast %add3A_1095 : i32 to vector<16xi32>
        %add3A_1097 = arith.addi %mul3A_1074, %add3A_1096 : vector<16xi32>
        %gather3A_1098 = tpu.vector_load_idx %arg10[%add3A_1097] : memref<256xf32, #tpu.memory_space<vmem>>[vector<16xi32>], vector<16xf32>,
        %add3A_1099 = arith.addf %add3A_1094, %gather3A_1098 : vector<16xf32>
        %add3A_1100 = arith.constant 6 : i32
        %add3A_1101 = vector.broadcast %add3A_1100 : i32 to vector<16xi32>
        %add3A_1102 = arith.addi %mul3A_1074, %add3A_1101 : vector<16xi32>
        %gather3A_1103 = tpu.vector_load_idx %arg10[%add3A_1102] : memref<256xf32, #tpu.memory_space<vmem>>[vector<16xi32>], vector<16xf32>,
        %add3A_1104 = arith.addf %add3A_1099, %gather3A_1103 : vector<16xf32>
        %add3A_1105 = arith.constant 7 : i32
        %add3A_1106 = vector.broadcast %add3A_1105 : i32 to vector<16xi32>
        %add3A_1107 = arith.addi %mul3A_1074, %add3A_1106 : vector<16xi32>
        %gather3A_1108 = tpu.vector_load_idx %arg10[%add3A_1107] : memref<256xf32, #tpu.memory_space<vmem>>[vector<16xi32>], vector<16xf32>,
        %add3A_1109 = arith.addf %add3A_1104, %gather3A_1108 : vector<16xf32>
        %add3A_1110 = arith.constant 8 : i32
        %add3A_1111 = vector.broadcast %add3A_1110 : i32 to vector<16xi32>
        %add3A_1112 = arith.addi %mul3A_1074, %add3A_1111 : vector<16xi32>
        %gather3A_1113 = tpu.vector_load_idx %arg10[%add3A_1112] : memref<256xf32, #tpu.memory_space<vmem>>[vector<16xi32>], vector<16xf32>,
        %add3A_1114 = arith.addf %add3A_1109, %gather3A_1113 : vector<16xf32>
        %add3A_1115 = arith.constant 9 : i32
        %add3A_1116 = vector.broadcast %add3A_1115 : i32 to vector<16xi32>
        %add3A_1117 = arith.addi %mul3A_1074, %add3A_1116 : vector<16xi32>
        %gather3A_1118 = tpu.vector_load_idx %arg10[%add3A_1117] : memref<256xf32, #tpu.memory_space<vmem>>[vector<16xi32>], vector<16xf32>,
        %add3A_1119 = arith.addf %add3A_1114, %gather3A_1118 : vector<16xf32>
        %add3A_1120 = arith.constant 10 : i32
        %add3A_1121 = vector.broadcast %add3A_1120 : i32 to vector<16xi32>
        %add3A_1122 = arith.addi %mul3A_1074, %add3A_1121 : vector<16xi32>
        %gather3A_1123 = tpu.vector_load_idx %arg10[%add3A_1122] : memref<256xf32, #tpu.memory_space<vmem>>[vector<16xi32>], vector<16xf32>,
        %add3A_1124 = arith.addf %add3A_1119, %gather3A_1123 : vector<16xf32>
        %add3A_1125 = arith.constant 11 : i32
        %add3A_1126 = vector.broadcast %add3A_1125 : i32 to vector<16xi32>
        %add3A_1127 = arith.addi %mul3A_1074, %add3A_1126 : vector<16xi32>
        %gather3A_1128 = tpu.vector_load_idx %arg10[%add3A_1127] : memref<256xf32, #tpu.memory_space<vmem>>[vector<16xi32>], vector<16xf32>,
        %add3A_1129 = arith.addf %add3A_1124, %gather3A_1128 : vector<16xf32>
        %add3A_1130 = arith.constant 12 : i32
        %add3A_1131 = vector.broadcast %add3A_1130 : i32 to vector<16xi32>
        %add3A_1132 = arith.addi %mul3A_1074, %add3A_1131 : vector<16xi32>
        %gather3A_1133 = tpu.vector_load_idx %arg10[%add3A_1132] : memref<256xf32, #tpu.memory_space<vmem>>[vector<16xi32>], vector<16xf32>,
        %add3A_1134 = arith.addf %add3A_1129, %gather3A_1133 : vector<16xf32>
        %add3A_1135 = arith.constant 13 : i32
        %add3A_1136 = vector.broadcast %add3A_1135 : i32 to vector<16xi32>
        %add3A_1137 = arith.addi %mul3A_1074, %add3A_1136 : vector<16xi32>
        %gather3A_1138 = tpu.vector_load_idx %arg10[%add3A_1137] : memref<256xf32, #tpu.memory_space<vmem>>[vector<16xi32>], vector<16xf32>,
        %add3A_1139 = arith.addf %add3A_1134, %gather3A_1138 : vector<16xf32>
        %add3A_1140 = arith.constant 14 : i32
        %add3A_1141 = vector.broadcast %add3A_1140 : i32 to vector<16xi32>
        %add3A_1142 = arith.addi %mul3A_1074, %add3A_1141 : vector<16xi32>
        %gather3A_1143 = tpu.vector_load_idx %arg10[%add3A_1142] : memref<256xf32, #tpu.memory_space<vmem>>[vector<16xi32>], vector<16xf32>,
        %add3A_1144 = arith.addf %add3A_1139, %gather3A_1143 : vector<16xf32>
        %add3A_1145 = arith.constant 15 : i32
        %add3A_1146 = vector.broadcast %add3A_1145 : i32 to vector<16xi32>
        %add3A_1147 = arith.addi %mul3A_1074, %add3A_1146 : vector<16xi32>
        %gather3A_1148 = tpu.vector_load_idx %arg10[%add3A_1147] : memref<256xf32, #tpu.memory_space<vmem>>[vector<16xi32>], vector<16xf32>,
        %add3A_1149 = arith.addf %add3A_1144, %gather3A_1148 : vector<16xf32>
        %get3A_1150 = arith.constant 0 : i32
        %get3A_1151 = arith.index_cast %get3A_1150 : i32 to index
        %get3A_1152 = arith.index_cast %multiple_of3A : i32 to index
        %get3A_1153 = tpu.vector_load %arg11[%get3A_1151, %get3A_1152] {strides = array<i32>} : memref<2x208xf32, #tpu.memory_space<vmem>>, vector<16xf32>,
        %add3A_1154 = arith.addf %add3A_1149, %get3A_1153 : vector<16xf32>
        %swap3A_1155 = arith.index_cast %add3A_328 : i32 to index
        %swap3A_1156 = arith.index_cast %multiple_of3A : i32 to index
        %swap3A_1157 = tpu.vector_load %arg12[%swap3A_1155, %swap3A_1156] {strides = array<i32>} : memref<32x208xf32, #tpu.memory_space<vmem>>, vector<16xf32>,
        tpu.vector_store %arg12[%swap3A_1155, %swap3A_1156], %add3A_1154 {strides = array<i32>} : memref<32x208xf32, #tpu.memory_space<vmem>>, vector<16xf32>,
      }
      %scan3A_382 = arith.constant 13 : i32
      %add3A_383 = arith.constant 2 : i32
      %add3A_384 = arith.addi %add3A_328, %add3A_383 : i32
      %lt3A = arith.constant 32 : i32
      %lt3A_385 = arith.cmpi slt, %add3A_384, %lt3A : i32
      %convert_element_type3A = arith.extui %lt3A_385 : i1 to i32
      %cond3A = arith.constant 0 : i32
      %cond3A_386 = arith.cmpi ne, %convert_element_type3A, %cond3A : i32
      scf.if %cond3A_386 {
        %add3A_477 = arith.constant 2 : i32
        %add3A_478 = arith.addi %add3A_328, %add3A_477 : i32
        %get3A_479 = arith.index_cast %add3A_478 : i32 to index
        %get3A_480 = arith.constant 0 : index
        %get3A_481 = tpu.vector_load %arg7[%get3A_479, %get3A_480] {strides = array<i32>} : memref<32x200xi32, #tpu.memory_space<vmem>>, vector<16xi32>,
        %shift_left3A_482 = arith.constant 1 : i32
        %shift_left3A_483 = vector.broadcast %shift_left3A_482 : i32 to vector<16xi32>
        %shift_left3A_484 = arith.shli %get3A_481, %shift_left3A_483 : vector<16xi32>
        %swap3A_485 = arith.constant 0 : index
        %swap3A_486 = tpu.vector_load %arg13[%swap3A_485] {strides = array<i32>} : memref<208xi32, #tpu.memory_space<vmem>>, vector<16xi32>,
        tpu.vector_store %arg13[%swap3A_485], %shift_left3A_484 {strides = array<i32>} : memref<208xi32, #tpu.memory_space<vmem>>, vector<16xi32>,
        %get3A_487 = arith.index_cast %add3A_478 : i32 to index
        %get3A_488 = arith.constant 16 : index
        %get3A_489 = tpu.vector_load %arg7[%get3A_487, %get3A_488] {strides = array<i32>} : memref<32x200xi32, #tpu.memory_space<vmem>>, vector<16xi32>,
        %shift_left3A_490 = arith.constant 1 : i32
        %shift_left3A_491 = vector.broadcast %shift_left3A_490 : i32 to vector<16xi32>
        %shift_left3A_492 = arith.shli %get3A_489, %shift_left3A_491 : vector<16xi32>
        %swap3A_493 = arith.constant 16 : index
        %swap3A_494 = tpu.vector_load %arg13[%swap3A_493] {strides = array<i32>} : memref<208xi32, #tpu.memory_space<vmem>>, vector<16xi32>,
        tpu.vector_store %arg13[%swap3A_493], %shift_left3A_492 {strides = array<i32>} : memref<208xi32, #tpu.memory_space<vmem>>, vector<16xi32>,
        %get3A_495 = arith.index_cast %add3A_478 : i32 to index
        %get3A_496 = arith.constant 32 : index
        %get3A_497 = tpu.vector_load %arg7[%get3A_495, %get3A_496] {strides = array<i32>} : memref<32x200xi32, #tpu.memory_space<vmem>>, vector<16xi32>,
        %shift_left3A_498 = arith.constant 1 : i32
        %shift_left3A_499 = vector.broadcast %shift_left3A_498 : i32 to vector<16xi32>
        %shift_left3A_500 = arith.shli %get3A_497, %shift_left3A_499 : vector<16xi32>
        %swap3A_501 = arith.constant 32 : index
        %swap3A_502 = tpu.vector_load %arg13[%swap3A_501] {strides = array<i32>} : memref<208xi32, #tpu.memory_space<vmem>>, vector<16xi32>,
        tpu.vector_store %arg13[%swap3A_501], %shift_left3A_500 {strides = array<i32>} : memref<208xi32, #tpu.memory_space<vmem>>, vector<16xi32>,
        %get3A_503 = arith.index_cast %add3A_478 : i32 to index
        %get3A_504 = arith.constant 48 : index
        %get3A_505 = tpu.vector_load %arg7[%get3A_503, %get3A_504] {strides = array<i32>} : memref<32x200xi32, #tpu.memory_space<vmem>>, vector<16xi32>,
        %shift_left3A_506 = arith.constant 1 : i32
        %shift_left3A_507 = vector.broadcast %shift_left3A_506 : i32 to vector<16xi32>
        %shift_left3A_508 = arith.shli %get3A_505, %shift_left3A_507 : vector<16xi32>
        %swap3A_509 = arith.constant 48 : index
        %swap3A_510 = tpu.vector_load %arg13[%swap3A_509] {strides = array<i32>} : memref<208xi32, #tpu.memory_space<vmem>>, vector<16xi32>,
        tpu.vector_store %arg13[%swap3A_509], %shift_left3A_508 {strides = array<i32>} : memref<208xi32, #tpu.memory_space<vmem>>, vector<16xi32>,
        %get3A_511 = arith.index_cast %add3A_478 : i32 to index
        %get3A_512 = arith.constant 64 : index
        %get3A_513 = tpu.vector_load %arg7[%get3A_511, %get3A_512] {strides = array<i32>} : memref<32x200xi32, #tpu.memory_space<vmem>>, vector<16xi32>,
        %shift_left3A_514 = arith.constant 1 : i32
        %shift_left3A_515 = vector.broadcast %shift_left3A_514 : i32 to vector<16xi32>
        %shift_left3A_516 = arith.shli %get3A_513, %shift_left3A_515 : vector<16xi32>
        %swap3A_517 = arith.constant 64 : index
        %swap3A_518 = tpu.vector_load %arg13[%swap3A_517] {strides = array<i32>} : memref<208xi32, #tpu.memory_space<vmem>>, vector<16xi32>,
        tpu.vector_store %arg13[%swap3A_517], %shift_left3A_516 {strides = array<i32>} : memref<208xi32, #tpu.memory_space<vmem>>, vector<16xi32>,
        %get3A_519 = arith.index_cast %add3A_478 : i32 to index
        %get3A_520 = arith.constant 80 : index
        %get3A_521 = tpu.vector_load %arg7[%get3A_519, %get3A_520] {strides = array<i32>} : memref<32x200xi32, #tpu.memory_space<vmem>>, vector<16xi32>,
        %shift_left3A_522 = arith.constant 1 : i32
        %shift_left3A_523 = vector.broadcast %shift_left3A_522 : i32 to vector<16xi32>
        %shift_left3A_524 = arith.shli %get3A_521, %shift_left3A_523 : vector<16xi32>
        %swap3A_525 = arith.constant 80 : index
        %swap3A_526 = tpu.vector_load %arg13[%swap3A_525] {strides = array<i32>} : memref<208xi32, #tpu.memory_space<vmem>>, vector<16xi32>,
        tpu.vector_store %arg13[%swap3A_525], %shift_left3A_524 {strides = array<i32>} : memref<208xi32, #tpu.memory_space<vmem>>, vector<16xi32>,
        %get3A_527 = arith.index_cast %add3A_478 : i32 to index
        %get3A_528 = arith.constant 96 : index
        %get3A_529 = tpu.vector_load %arg7[%get3A_527, %get3A_528] {strides = array<i32>} : memref<32x200xi32, #tpu.memory_space<vmem>>, vector<16xi32>,
        %shift_left3A_530 = arith.constant 1 : i32
        %shift_left3A_531 = vector.broadcast %shift_left3A_530 : i32 to vector<16xi32>
        %shift_left3A_532 = arith.shli %get3A_529, %shift_left3A_531 : vector<16xi32>
        %swap3A_533 = arith.constant 96 : index
        %swap3A_534 = tpu.vector_load %arg13[%swap3A_533] {strides = array<i32>} : memref<208xi32, #tpu.memory_space<vmem>>, vector<16xi32>,
        tpu.vector_store %arg13[%swap3A_533], %shift_left3A_532 {strides = array<i32>} : memref<208xi32, #tpu.memory_space<vmem>>, vector<16xi32>,
        %get3A_535 = arith.index_cast %add3A_478 : i32 to index
        %get3A_536 = arith.constant 112 : index
        %get3A_537 = tpu.vector_load %arg7[%get3A_535, %get3A_536] {strides = array<i32>} : memref<32x200xi32, #tpu.memory_space<vmem>>, vector<16xi32>,
        %shift_left3A_538 = arith.constant 1 : i32
        %shift_left3A_539 = vector.broadcast %shift_left3A_538 : i32 to vector<16xi32>
        %shift_left3A_540 = arith.shli %get3A_537, %shift_left3A_539 : vector<16xi32>
        %swap3A_541 = arith.constant 112 : index
        %swap3A_542 = tpu.vector_load %arg13[%swap3A_541] {strides = array<i32>} : memref<208xi32, #tpu.memory_space<vmem>>, vector<16xi32>,
        tpu.vector_store %arg13[%swap3A_541], %shift_left3A_540 {strides = array<i32>} : memref<208xi32, #tpu.memory_space<vmem>>, vector<16xi32>,
        %get3A_543 = arith.index_cast %add3A_478 : i32 to index
        %get3A_544 = arith.constant 128 : index
        %get3A_545 = tpu.vector_load %arg7[%get3A_543, %get3A_544] {strides = array<i32>} : memref<32x200xi32, #tpu.memory_space<vmem>>, vector<16xi32>,
        %shift_left3A_546 = arith.constant 1 : i32
        %shift_left3A_547 = vector.broadcast %shift_left3A_546 : i32 to vector<16xi32>
        %shift_left3A_548 = arith.shli %get3A_545, %shift_left3A_547 : vector<16xi32>
        %swap3A_549 = arith.constant 128 : index
        %swap3A_550 = tpu.vector_load %arg13[%swap3A_549] {strides = array<i32>} : memref<208xi32, #tpu.memory_space<vmem>>, vector<16xi32>,
        tpu.vector_store %arg13[%swap3A_549], %shift_left3A_548 {strides = array<i32>} : memref<208xi32, #tpu.memory_space<vmem>>, vector<16xi32>,
        %get3A_551 = arith.index_cast %add3A_478 : i32 to index
        %get3A_552 = arith.constant 144 : index
        %get3A_553 = tpu.vector_load %arg7[%get3A_551, %get3A_552] {strides = array<i32>} : memref<32x200xi32, #tpu.memory_space<vmem>>, vector<16xi32>,
        %shift_left3A_554 = arith.constant 1 : i32
        %shift_left3A_555 = vector.broadcast %shift_left3A_554 : i32 to vector<16xi32>
        %shift_left3A_556 = arith.shli %get3A_553, %shift_left3A_555 : vector<16xi32>
        %swap3A_557 = arith.constant 144 : index
        %swap3A_558 = tpu.vector_load %arg13[%swap3A_557] {strides = array<i32>} : memref<208xi32, #tpu.memory_space<vmem>>, vector<16xi32>,
        tpu.vector_store %arg13[%swap3A_557], %shift_left3A_556 {strides = array<i32>} : memref<208xi32, #tpu.memory_space<vmem>>, vector<16xi32>,
        %get3A_559 = arith.index_cast %add3A_478 : i32 to index
        %get3A_560 = arith.constant 160 : index
        %get3A_561 = tpu.vector_load %arg7[%get3A_559, %get3A_560] {strides = array<i32>} : memref<32x200xi32, #tpu.memory_space<vmem>>, vector<16xi32>,
        %shift_left3A_562 = arith.constant 1 : i32
        %shift_left3A_563 = vector.broadcast %shift_left3A_562 : i32 to vector<16xi32>
        %shift_left3A_564 = arith.shli %get3A_561, %shift_left3A_563 : vector<16xi32>
        %swap3A_565 = arith.constant 160 : index
        %swap3A_566 = tpu.vector_load %arg13[%swap3A_565] {strides = array<i32>} : memref<208xi32, #tpu.memory_space<vmem>>, vector<16xi32>,
        tpu.vector_store %arg13[%swap3A_565], %shift_left3A_564 {strides = array<i32>} : memref<208xi32, #tpu.memory_space<vmem>>, vector<16xi32>,
        %get3A_567 = arith.index_cast %add3A_478 : i32 to index
        %get3A_568 = arith.constant 176 : index
        %get3A_569 = tpu.vector_load %arg7[%get3A_567, %get3A_568] {strides = array<i32>} : memref<32x200xi32, #tpu.memory_space<vmem>>, vector<16xi32>,
        %shift_left3A_570 = arith.constant 1 : i32
        %shift_left3A_571 = vector.broadcast %shift_left3A_570 : i32 to vector<16xi32>
        %shift_left3A_572 = arith.shli %get3A_569, %shift_left3A_571 : vector<16xi32>
        %swap3A_573 = arith.constant 176 : index
        %swap3A_574 = tpu.vector_load %arg13[%swap3A_573] {strides = array<i32>} : memref<208xi32, #tpu.memory_space<vmem>>, vector<16xi32>,
        tpu.vector_store %arg13[%swap3A_573], %shift_left3A_572 {strides = array<i32>} : memref<208xi32, #tpu.memory_space<vmem>>, vector<16xi32>,
        %get3A_575 = arith.index_cast %add3A_478 : i32 to index
        %get3A_576 = arith.constant 184 : index
        %get3A_577 = tpu.vector_load %arg7[%get3A_575, %get3A_576] {strides = array<i32>} : memref<32x200xi32, #tpu.memory_space<vmem>>, vector<16xi32>,
        %shift_left3A_578 = arith.constant 1 : i32
        %shift_left3A_579 = vector.broadcast %shift_left3A_578 : i32 to vector<16xi32>
        %shift_left3A_580 = arith.shli %get3A_577, %shift_left3A_579 : vector<16xi32>
        %swap3A_581 = arith.constant 184 : index
        %swap3A_582 = tpu.vector_load %arg13[%swap3A_581] {strides = array<i32>} : memref<208xi32, #tpu.memory_space<vmem>>, vector<16xi32>,
        tpu.vector_store %arg13[%swap3A_581], %shift_left3A_580 {strides = array<i32>} : memref<208xi32, #tpu.memory_space<vmem>>, vector<16xi32>,
        %dma_start3A_583 = arith.constant 0 : i32
        %dma_start3A_584 = arith.constant 0 : i32
        %dma_start3A_585 = arith.constant 0 : i32
        %dma_start3A_586 = tpu.memref_slice %arg9[%dma_start3A_583, %dma_start3A_584, %dma_start3A_585] : memref<2x208x64xf32, #tpu.memory_space<vmem>> -> memref<1x104x64xf32, #tpu.memory_space<vmem>>
        %dma_start3A_587 = tpu.memref_squeeze %dma_start3A_586 : memref<1x104x64xf32, #tpu.memory_space<vmem>> -> memref<104x64xf32, #tpu.memory_space<vmem>>
        %dma_start3A_588 = arith.constant 0 : i32
        %dma_start3A_589 = tpu.memref_slice %arg13[%dma_start3A_588] : memref<208xi32, #tpu.memory_space<vmem>> -> memref<104xi32, #tpu.memory_space<vmem>>
        %dma_start3A_590 = arith.constant 0 : i32
        %dma_start3A_591 = arith.constant 0 : i32
        %dma_start3A_592 = tpu.memref_slice %arg4[%dma_start3A_590, %dma_start3A_591] : memref<2000000x64xf32, #tpu.memory_space<hbm>> -> memref<2000000x64xf32, #tpu.memory_space<hbm>>
        tpu.enqueue_indirect_dma source(%dma_start3A_592 : memref<2000000x64xf32, #tpu.memory_space<hbm>>) target(%dma_start3A_587 : memref<104x64xf32, #tpu.memory_space<vmem>>) offsets(%dma_start3A_589 : memref<104xi32, #tpu.memory_space<vmem>>) semaphore(%arg15 : memref<!tpu.dma_semaphore, #tpu.memory_space<semaphore_mem>>)
        %dma_start3A_593 = arith.constant 0 : i32
        %dma_start3A_594 = arith.constant 104 : i32
        %dma_start3A_595 = arith.constant 0 : i32
        %dma_start3A_596 = tpu.memref_slice %arg9[%dma_start3A_593, %dma_start3A_594, %dma_start3A_595] : memref<2x208x64xf32, #tpu.memory_space<vmem>> -> memref<1x96x64xf32, #tpu.memory_space<vmem>>
        %dma_start3A_597 = tpu.memref_squeeze %dma_start3A_596 : memref<1x96x64xf32, #tpu.memory_space<vmem>> -> memref<96x64xf32, #tpu.memory_space<vmem>>
        %dma_start3A_598 = arith.constant 104 : i32
        %dma_start3A_599 = tpu.memref_slice %arg13[%dma_start3A_598] : memref<208xi32, #tpu.memory_space<vmem>> -> memref<96xi32, #tpu.memory_space<vmem>>
        %dma_start3A_600 = arith.constant 0 : i32
        %dma_start3A_601 = arith.constant 0 : i32
        %dma_start3A_602 = tpu.memref_slice %arg4[%dma_start3A_600, %dma_start3A_601] : memref<2000000x64xf32, #tpu.memory_space<hbm>> -> memref<2000000x64xf32, #tpu.memory_space<hbm>>
        tpu.enqueue_indirect_dma source(%dma_start3A_602 : memref<2000000x64xf32, #tpu.memory_space<hbm>>) target(%dma_start3A_597 : memref<96x64xf32, #tpu.memory_space<vmem>>) offsets(%dma_start3A_599 : memref<96xi32, #tpu.memory_space<vmem>>) semaphore(%arg15 : memref<!tpu.dma_semaphore, #tpu.memory_space<semaphore_mem>>)
        %dma_start3A_603 = arith.constant 0 : i32
        %dma_start3A_604 = arith.constant 0 : i32
        %dma_start3A_605 = tpu.memref_slice %arg11[%dma_start3A_603, %dma_start3A_604] : memref<2x208xf32, #tpu.memory_space<vmem>> -> memref<1x104xf32, #tpu.memory_space<vmem>>
        %dma_start3A_606 = tpu.memref_squeeze %dma_start3A_605 : memref<1x104xf32, #tpu.memory_space<vmem>> -> memref<104xf32, #tpu.memory_space<vmem>>
        %dma_start3A_607 = arith.constant 0 : i32
        %dma_start3A_608 = tpu.memref_slice %arg7[%add3A_478, %dma_start3A_607] : memref<32x200xi32, #tpu.memory_space<vmem>> -> memref<1x104xi32, #tpu.memory_space<vmem>>
        %dma_start3A_609 = tpu.memref_squeeze %dma_start3A_608 : memref<1x104xi32, #tpu.memory_space<vmem>> -> memref<104xi32, #tpu.memory_space<vmem>>
        %dma_start3A_610 = arith.constant 0 : i32
        %dma_start3A_611 = tpu.memref_slice %arg5[%dma_start3A_610] : memref<1000000xf32, #tpu.memory_space<hbm>> -> memref<1000000xf32, #tpu.memory_space<hbm>>
        tpu.enqueue_indirect_dma source(%dma_start3A_611 : memref<1000000xf32, #tpu.memory_space<hbm>>) target(%dma_start3A_606 : memref<104xf32, #tpu.memory_space<vmem>>) offsets(%dma_start3A_609 : memref<104xi32, #tpu.memory_space<vmem>>) semaphore(%arg15 : memref<!tpu.dma_semaphore, #tpu.memory_space<semaphore_mem>>)
        %dma_start3A_612 = arith.constant 0 : i32
        %dma_start3A_613 = arith.constant 104 : i32
        %dma_start3A_614 = tpu.memref_slice %arg11[%dma_start3A_612, %dma_start3A_613] : memref<2x208xf32, #tpu.memory_space<vmem>> -> memref<1x96xf32, #tpu.memory_space<vmem>>
        %dma_start3A_615 = tpu.memref_squeeze %dma_start3A_614 : memref<1x96xf32, #tpu.memory_space<vmem>> -> memref<96xf32, #tpu.memory_space<vmem>>
        %dma_start3A_616 = arith.constant 104 : i32
        %dma_start3A_617 = tpu.memref_slice %arg7[%add3A_478, %dma_start3A_616] : memref<32x200xi32, #tpu.memory_space<vmem>> -> memref<1x96xi32, #tpu.memory_space<vmem>>
        %dma_start3A_618 = tpu.memref_squeeze %dma_start3A_617 : memref<1x96xi32, #tpu.memory_space<vmem>> -> memref<96xi32, #tpu.memory_space<vmem>>
        %dma_start3A_619 = arith.constant 0 : i32
        %dma_start3A_620 = tpu.memref_slice %arg5[%dma_start3A_619] : memref<1000000xf32, #tpu.memory_space<hbm>> -> memref<1000000xf32, #tpu.memory_space<hbm>>
        tpu.enqueue_indirect_dma source(%dma_start3A_620 : memref<1000000xf32, #tpu.memory_space<hbm>>) target(%dma_start3A_615 : memref<96xf32, #tpu.memory_space<vmem>>) offsets(%dma_start3A_618 : memref<96xi32, #tpu.memory_space<vmem>>) semaphore(%arg15 : memref<!tpu.dma_semaphore, #tpu.memory_space<semaphore_mem>>)
      } else {
      }
      %add3A_387 = arith.addi %mul3A_2, %add3A_328 : i32
      %dma_start3A_388 = arith.constant 0 : i32
      %dma_start3A_389 = tpu.memref_slice %arg12[%add3A_328, %dma_start3A_388] : memref<32x208xf32, #tpu.memory_space<vmem>> -> memref<1x200xf32, #tpu.memory_space<vmem>>
      %dma_start3A_390 = tpu.memref_squeeze %dma_start3A_389 : memref<1x200xf32, #tpu.memory_space<vmem>> -> memref<200xf32, #tpu.memory_space<vmem>>
      %dma_start3A_391 = arith.constant 0 : i32
      %dma_start3A_392 = tpu.memref_slice %arg6[%add3A_387, %dma_start3A_391] : memref<1024x200xf32, #tpu.memory_space<hbm>> -> memref<1x200xf32, #tpu.memory_space<hbm>>
      %dma_start3A_393 = tpu.memref_squeeze %dma_start3A_392 : memref<1x200xf32, #tpu.memory_space<hbm>> -> memref<200xf32, #tpu.memory_space<hbm>>
      %dma_start3A_394 = arith.constant 0 : i32
      %dma_start3A_395 = tpu.memref_slice %arg6[%add3A_387, %dma_start3A_394] : memref<1024x200xf32, #tpu.memory_space<hbm>> -> memref<1x200xf32, #tpu.memory_space<hbm>>
      %dma_start3A_396 = tpu.memref_squeeze %dma_start3A_395 : memref<1x200xf32, #tpu.memory_space<hbm>> -> memref<200xf32, #tpu.memory_space<hbm>>
      %dma_start3A_397 = arith.constant 0 : i32
      %dma_start3A_398 = tpu.memref_slice %arg12[%add3A_328, %dma_start3A_397] : memref<32x208xf32, #tpu.memory_space<vmem>> -> memref<1x200xf32, #tpu.memory_space<vmem>>
      %dma_start3A_399 = tpu.memref_squeeze %dma_start3A_398 : memref<1x200xf32, #tpu.memory_space<vmem>> -> memref<200xf32, #tpu.memory_space<vmem>>
      tpu.enqueue_dma source(%dma_start3A_399 : memref<200xf32, #tpu.memory_space<vmem>>) target(%dma_start3A_396 : memref<200xf32, #tpu.memory_space<hbm>>) target_semaphore(%arg17 : memref<!tpu.dma_semaphore, #tpu.memory_space<semaphore_mem>>)
      %add3A_400 = arith.constant 1 : i32
      %add3A_401 = arith.addi %add3A_326, %add3A_400 : i32
      %dma_wait3A_402 = arith.constant 1 : i32
      %dma_wait3A_403 = arith.constant 0 : i32
      %dma_wait3A_404 = arith.constant 0 : i32
      %dma_wait3A_405 = tpu.memref_slice %arg9[%dma_wait3A_402, %dma_wait3A_403, %dma_wait3A_404] : memref<2x208x64xf32, #tpu.memory_space<vmem>> -> memref<1x104x64xf32, #tpu.memory_space<vmem>>
      %dma_wait3A_406 = tpu.memref_squeeze %dma_wait3A_405 : memref<1x104x64xf32, #tpu.memory_space<vmem>> -> memref<104x64xf32, #tpu.memory_space<vmem>>
      %dma_wait3A_407 = arith.constant 0 : i32
      %dma_wait3A_408 = tpu.memref_slice %arg14[%dma_wait3A_407] : memref<208xi32, #tpu.memory_space<vmem>> -> memref<104xi32, #tpu.memory_space<vmem>>
      %dma_wait3A_409 = arith.constant 0 : i32
      %dma_wait3A_410 = arith.constant 0 : i32
      %dma_wait3A_411 = tpu.memref_slice %arg4[%dma_wait3A_409, %dma_wait3A_410] : memref<2000000x64xf32, #tpu.memory_space<hbm>> -> memref<2000000x64xf32, #tpu.memory_space<hbm>>
      tpu.wait_indirect_dma semaphore(%arg16 : memref<!tpu.dma_semaphore, #tpu.memory_space<semaphore_mem>>) src(%dma_wait3A_411 : memref<2000000x64xf32, #tpu.memory_space<hbm>>) dst(%dma_wait3A_406 : memref<104x64xf32, #tpu.memory_space<vmem>>)
      %dma_wait3A_412 = arith.constant 1 : i32
      %dma_wait3A_413 = arith.constant 104 : i32
      %dma_wait3A_414 = arith.constant 0 : i32
      %dma_wait3A_415 = tpu.memref_slice %arg9[%dma_wait3A_412, %dma_wait3A_413, %dma_wait3A_414] : memref<2x208x64xf32, #tpu.memory_space<vmem>> -> memref<1x96x64xf32, #tpu.memory_space<vmem>>
      %dma_wait3A_416 = tpu.memref_squeeze %dma_wait3A_415 : memref<1x96x64xf32, #tpu.memory_space<vmem>> -> memref<96x64xf32, #tpu.memory_space<vmem>>
      %dma_wait3A_417 = arith.constant 104 : i32
      %dma_wait3A_418 = tpu.memref_slice %arg14[%dma_wait3A_417] : memref<208xi32, #tpu.memory_space<vmem>> -> memref<96xi32, #tpu.memory_space<vmem>>
      %dma_wait3A_419 = arith.constant 0 : i32
      %dma_wait3A_420 = arith.constant 0 : i32
      %dma_wait3A_421 = tpu.memref_slice %arg4[%dma_wait3A_419, %dma_wait3A_420] : memref<2000000x64xf32, #tpu.memory_space<hbm>> -> memref<2000000x64xf32, #tpu.memory_space<hbm>>
      tpu.wait_indirect_dma semaphore(%arg16 : memref<!tpu.dma_semaphore, #tpu.memory_space<semaphore_mem>>) src(%dma_wait3A_421 : memref<2000000x64xf32, #tpu.memory_space<hbm>>) dst(%dma_wait3A_416 : memref<96x64xf32, #tpu.memory_space<vmem>>)
      %dma_wait3A_422 = arith.constant 1 : i32
      %dma_wait3A_423 = arith.constant 0 : i32
      %dma_wait3A_424 = tpu.memref_slice %arg11[%dma_wait3A_422, %dma_wait3A_423] : memref<2x208xf32, #tpu.memory_space<vmem>> -> memref<1x104xf32, #tpu.memory_space<vmem>>
      %dma_wait3A_425 = tpu.memref_squeeze %dma_wait3A_424 : memref<1x104xf32, #tpu.memory_space<vmem>> -> memref<104xf32, #tpu.memory_space<vmem>>
      %dma_wait3A_426 = arith.constant 0 : i32
      %dma_wait3A_427 = tpu.memref_slice %arg7[%add3A_401, %dma_wait3A_426] : memref<32x200xi32, #tpu.memory_space<vmem>> -> memref<1x104xi32, #tpu.memory_space<vmem>>
      %dma_wait3A_428 = tpu.memref_squeeze %dma_wait3A_427 : memref<1x104xi32, #tpu.memory_space<vmem>> -> memref<104xi32, #tpu.memory_space<vmem>>
      %dma_wait3A_429 = arith.constant 0 : i32
      %dma_wait3A_430 = tpu.memref_slice %arg5[%dma_wait3A_429] : memref<1000000xf32, #tpu.memory_space<hbm>> -> memref<1000000xf32, #tpu.memory_space<hbm>>
      tpu.wait_indirect_dma semaphore(%arg16 : memref<!tpu.dma_semaphore, #tpu.memory_space<semaphore_mem>>) src(%dma_wait3A_430 : memref<1000000xf32, #tpu.memory_space<hbm>>) dst(%dma_wait3A_425 : memref<104xf32, #tpu.memory_space<vmem>>)
      %dma_wait3A_431 = arith.constant 1 : i32
      %dma_wait3A_432 = arith.constant 104 : i32
      %dma_wait3A_433 = tpu.memref_slice %arg11[%dma_wait3A_431, %dma_wait3A_432] : memref<2x208xf32, #tpu.memory_space<vmem>> -> memref<1x96xf32, #tpu.memory_space<vmem>>
      %dma_wait3A_434 = tpu.memref_squeeze %dma_wait3A_433 : memref<1x96xf32, #tpu.memory_space<vmem>> -> memref<96xf32, #tpu.memory_space<vmem>>
      %dma_wait3A_435 = arith.constant 104 : i32
      %dma_wait3A_436 = tpu.memref_slice %arg7[%add3A_401, %dma_wait3A_435] : memref<32x200xi32, #tpu.memory_space<vmem>> -> memref<1x96xi32, #tpu.memory_space<vmem>>
      %dma_wait3A_437 = tpu.memref_squeeze %dma_wait3A_436 : memref<1x96xi32, #tpu.memory_space<vmem>> -> memref<96xi32, #tpu.memory_space<vmem>>
      %dma_wait3A_438 = arith.constant 0 : i32
      %dma_wait3A_439 = tpu.memref_slice %arg5[%dma_wait3A_438] : memref<1000000xf32, #tpu.memory_space<hbm>> -> memref<1000000xf32, #tpu.memory_space<hbm>>
      tpu.wait_indirect_dma semaphore(%arg16 : memref<!tpu.dma_semaphore, #tpu.memory_space<semaphore_mem>>) src(%dma_wait3A_439 : memref<1000000xf32, #tpu.memory_space<hbm>>) dst(%dma_wait3A_434 : memref<96xf32, #tpu.memory_space<vmem>>)
      %get3A_440 = arith.index_cast %add3A_401 : i32 to index
      %get3A_441 = arith.constant 0 : index
      %get3A_442 = tpu.vector_load %arg8[%get3A_440, %get3A_441] {strides = array<i32>} : memref<32x64xf32, #tpu.memory_space<vmem>>, vector<16xf32>,
      %get3A_443 = arith.index_cast %add3A_401 : i32 to index
      %get3A_444 = arith.constant 16 : index
      %get3A_445 = tpu.vector_load %arg8[%get3A_443, %get3A_444] {strides = array<i32>} : memref<32x64xf32, #tpu.memory_space<vmem>>, vector<16xf32>,
      %get3A_446 = arith.index_cast %add3A_401 : i32 to index
      %get3A_447 = arith.constant 32 : index
      %get3A_448 = tpu.vector_load %arg8[%get3A_446, %get3A_447] {strides = array<i32>} : memref<32x64xf32, #tpu.memory_space<vmem>>, vector<16xf32>,
      %get3A_449 = arith.index_cast %add3A_401 : i32 to index
      %get3A_450 = arith.constant 48 : index
      %get3A_451 = tpu.vector_load %arg8[%get3A_449, %get3A_450] {strides = array<i32>} : memref<32x64xf32, #tpu.memory_space<vmem>>, vector<16xf32>,
      %scan3A_452 = arith.constant 0 : i32
      %scan3A_453 = arith.constant 13 : i32
      %scan3A_454 = arith.addi %scan3A_452, %scan3A_453 : i32
      %scan3A_455 = arith.constant 1 : i32
      scf.for %scan3A_477 = %scan3A_452 to %scan3A_454 step %scan3A_455  : i32 {
        %mul3A_478 = arith.constant 16 : i32
        %mul3A_479 = arith.muli %scan3A_477, %mul3A_478 : i32
        %multiple_of3A = tpu.assume_multiple %mul3A_479, 16 : i32
        %add3A_480 = arith.constant 0 : i32
        %add3A_481 = arith.addi %multiple_of3A, %add3A_480 : i32
        %get3A_482 = arith.constant 1 : i32
        %get3A_483 = arith.index_cast %get3A_482 : i32 to index
        %get3A_484 = arith.index_cast %add3A_481 : i32 to index
        %get3A_485 = arith.constant 0 : index
        %get3A_486 = tpu.vector_load %arg9[%get3A_483, %get3A_484, %get3A_485] {strides = array<i32>} : memref<2x208x64xf32, #tpu.memory_space<vmem>>, vector<16xf32>,
        %mul3A_487 = arith.mulf %get3A_486, %get3A_442 : vector<16xf32>
        %add3A_488 = arith.constant 0 : i32
        %add3A_489 = arith.addi %multiple_of3A, %add3A_488 : i32
        %get3A_490 = arith.constant 1 : i32
        %get3A_491 = arith.index_cast %get3A_490 : i32 to index
        %get3A_492 = arith.index_cast %add3A_489 : i32 to index
        %get3A_493 = arith.constant 16 : index
        %get3A_494 = tpu.vector_load %arg9[%get3A_491, %get3A_492, %get3A_493] {strides = array<i32>} : memref<2x208x64xf32, #tpu.memory_space<vmem>>, vector<16xf32>,
        %mul3A_495 = arith.mulf %get3A_494, %get3A_445 : vector<16xf32>
        %add3A_496 = arith.addf %mul3A_487, %mul3A_495 : vector<16xf32>
        %add3A_497 = arith.constant 0 : i32
        %add3A_498 = arith.addi %multiple_of3A, %add3A_497 : i32
        %get3A_499 = arith.constant 1 : i32
        %get3A_500 = arith.index_cast %get3A_499 : i32 to index
        %get3A_501 = arith.index_cast %add3A_498 : i32 to index
        %get3A_502 = arith.constant 32 : index
        %get3A_503 = tpu.vector_load %arg9[%get3A_500, %get3A_501, %get3A_502] {strides = array<i32>} : memref<2x208x64xf32, #tpu.memory_space<vmem>>, vector<16xf32>,
        %mul3A_504 = arith.mulf %get3A_503, %get3A_448 : vector<16xf32>
        %add3A_505 = arith.addf %add3A_496, %mul3A_504 : vector<16xf32>
        %add3A_506 = arith.constant 0 : i32
        %add3A_507 = arith.addi %multiple_of3A, %add3A_506 : i32
        %get3A_508 = arith.constant 1 : i32
        %get3A_509 = arith.index_cast %get3A_508 : i32 to index
        %get3A_510 = arith.index_cast %add3A_507 : i32 to index
        %get3A_511 = arith.constant 48 : index
        %get3A_512 = tpu.vector_load %arg9[%get3A_509, %get3A_510, %get3A_511] {strides = array<i32>} : memref<2x208x64xf32, #tpu.memory_space<vmem>>, vector<16xf32>,
        %mul3A_513 = arith.mulf %get3A_512, %get3A_451 : vector<16xf32>
        %add3A_514 = arith.addf %add3A_505, %mul3A_513 : vector<16xf32>
        %swap3A_515 = arith.constant 0 : index
        %swap3A_516 = tpu.vector_load %arg10[%swap3A_515] {strides = array<i32>} : memref<256xf32, #tpu.memory_space<vmem>>, vector<16xf32>,
        tpu.vector_store %arg10[%swap3A_515], %add3A_514 {strides = array<i32>} : memref<256xf32, #tpu.memory_space<vmem>>, vector<16xf32>,
        %add3A_517 = arith.constant 1 : i32
        %add3A_518 = arith.addi %multiple_of3A, %add3A_517 : i32
        %get3A_519 = arith.constant 1 : i32
        %get3A_520 = arith.index_cast %get3A_519 : i32 to index
        %get3A_521 = arith.index_cast %add3A_518 : i32 to index
        %get3A_522 = arith.constant 0 : index
        %get3A_523 = tpu.vector_load %arg9[%get3A_520, %get3A_521, %get3A_522] {strides = array<i32>} : memref<2x208x64xf32, #tpu.memory_space<vmem>>, vector<16xf32>,
        %mul3A_524 = arith.mulf %get3A_523, %get3A_442 : vector<16xf32>
        %add3A_525 = arith.constant 1 : i32
        %add3A_526 = arith.addi %multiple_of3A, %add3A_525 : i32
        %get3A_527 = arith.constant 1 : i32
        %get3A_528 = arith.index_cast %get3A_527 : i32 to index
        %get3A_529 = arith.index_cast %add3A_526 : i32 to index
        %get3A_530 = arith.constant 16 : index
        %get3A_531 = tpu.vector_load %arg9[%get3A_528, %get3A_529, %get3A_530] {strides = array<i32>} : memref<2x208x64xf32, #tpu.memory_space<vmem>>, vector<16xf32>,
        %mul3A_532 = arith.mulf %get3A_531, %get3A_445 : vector<16xf32>
        %add3A_533 = arith.addf %mul3A_524, %mul3A_532 : vector<16xf32>
        %add3A_534 = arith.constant 1 : i32
        %add3A_535 = arith.addi %multiple_of3A, %add3A_534 : i32
        %get3A_536 = arith.constant 1 : i32
        %get3A_537 = arith.index_cast %get3A_536 : i32 to index
        %get3A_538 = arith.index_cast %add3A_535 : i32 to index
        %get3A_539 = arith.constant 32 : index
        %get3A_540 = tpu.vector_load %arg9[%get3A_537, %get3A_538, %get3A_539] {strides = array<i32>} : memref<2x208x64xf32, #tpu.memory_space<vmem>>, vector<16xf32>,
        %mul3A_541 = arith.mulf %get3A_540, %get3A_448 : vector<16xf32>
        %add3A_542 = arith.addf %add3A_533, %mul3A_541 : vector<16xf32>
        %add3A_543 = arith.constant 1 : i32
        %add3A_544 = arith.addi %multiple_of3A, %add3A_543 : i32
        %get3A_545 = arith.constant 1 : i32
        %get3A_546 = arith.index_cast %get3A_545 : i32 to index
        %get3A_547 = arith.index_cast %add3A_544 : i32 to index
        %get3A_548 = arith.constant 48 : index
        %get3A_549 = tpu.vector_load %arg9[%get3A_546, %get3A_547, %get3A_548] {strides = array<i32>} : memref<2x208x64xf32, #tpu.memory_space<vmem>>, vector<16xf32>,
        %mul3A_550 = arith.mulf %get3A_549, %get3A_451 : vector<16xf32>
        %add3A_551 = arith.addf %add3A_542, %mul3A_550 : vector<16xf32>
        %swap3A_552 = arith.constant 16 : index
        %swap3A_553 = tpu.vector_load %arg10[%swap3A_552] {strides = array<i32>} : memref<256xf32, #tpu.memory_space<vmem>>, vector<16xf32>,
        tpu.vector_store %arg10[%swap3A_552], %add3A_551 {strides = array<i32>} : memref<256xf32, #tpu.memory_space<vmem>>, vector<16xf32>,
        %add3A_554 = arith.constant 2 : i32
        %add3A_555 = arith.addi %multiple_of3A, %add3A_554 : i32
        %get3A_556 = arith.constant 1 : i32
        %get3A_557 = arith.index_cast %get3A_556 : i32 to index
        %get3A_558 = arith.index_cast %add3A_555 : i32 to index
        %get3A_559 = arith.constant 0 : index
        %get3A_560 = tpu.vector_load %arg9[%get3A_557, %get3A_558, %get3A_559] {strides = array<i32>} : memref<2x208x64xf32, #tpu.memory_space<vmem>>, vector<16xf32>,
        %mul3A_561 = arith.mulf %get3A_560, %get3A_442 : vector<16xf32>
        %add3A_562 = arith.constant 2 : i32
        %add3A_563 = arith.addi %multiple_of3A, %add3A_562 : i32
        %get3A_564 = arith.constant 1 : i32
        %get3A_565 = arith.index_cast %get3A_564 : i32 to index
        %get3A_566 = arith.index_cast %add3A_563 : i32 to index
        %get3A_567 = arith.constant 16 : index
        %get3A_568 = tpu.vector_load %arg9[%get3A_565, %get3A_566, %get3A_567] {strides = array<i32>} : memref<2x208x64xf32, #tpu.memory_space<vmem>>, vector<16xf32>,
        %mul3A_569 = arith.mulf %get3A_568, %get3A_445 : vector<16xf32>
        %add3A_570 = arith.addf %mul3A_561, %mul3A_569 : vector<16xf32>
        %add3A_571 = arith.constant 2 : i32
        %add3A_572 = arith.addi %multiple_of3A, %add3A_571 : i32
        %get3A_573 = arith.constant 1 : i32
        %get3A_574 = arith.index_cast %get3A_573 : i32 to index
        %get3A_575 = arith.index_cast %add3A_572 : i32 to index
        %get3A_576 = arith.constant 32 : index
        %get3A_577 = tpu.vector_load %arg9[%get3A_574, %get3A_575, %get3A_576] {strides = array<i32>} : memref<2x208x64xf32, #tpu.memory_space<vmem>>, vector<16xf32>,
        %mul3A_578 = arith.mulf %get3A_577, %get3A_448 : vector<16xf32>
        %add3A_579 = arith.addf %add3A_570, %mul3A_578 : vector<16xf32>
        %add3A_580 = arith.constant 2 : i32
        %add3A_581 = arith.addi %multiple_of3A, %add3A_580 : i32
        %get3A_582 = arith.constant 1 : i32
        %get3A_583 = arith.index_cast %get3A_582 : i32 to index
        %get3A_584 = arith.index_cast %add3A_581 : i32 to index
        %get3A_585 = arith.constant 48 : index
        %get3A_586 = tpu.vector_load %arg9[%get3A_583, %get3A_584, %get3A_585] {strides = array<i32>} : memref<2x208x64xf32, #tpu.memory_space<vmem>>, vector<16xf32>,
        %mul3A_587 = arith.mulf %get3A_586, %get3A_451 : vector<16xf32>
        %add3A_588 = arith.addf %add3A_579, %mul3A_587 : vector<16xf32>
        %swap3A_589 = arith.constant 32 : index
        %swap3A_590 = tpu.vector_load %arg10[%swap3A_589] {strides = array<i32>} : memref<256xf32, #tpu.memory_space<vmem>>, vector<16xf32>,
        tpu.vector_store %arg10[%swap3A_589], %add3A_588 {strides = array<i32>} : memref<256xf32, #tpu.memory_space<vmem>>, vector<16xf32>,
        %add3A_591 = arith.constant 3 : i32
        %add3A_592 = arith.addi %multiple_of3A, %add3A_591 : i32
        %get3A_593 = arith.constant 1 : i32
        %get3A_594 = arith.index_cast %get3A_593 : i32 to index
        %get3A_595 = arith.index_cast %add3A_592 : i32 to index
        %get3A_596 = arith.constant 0 : index
        %get3A_597 = tpu.vector_load %arg9[%get3A_594, %get3A_595, %get3A_596] {strides = array<i32>} : memref<2x208x64xf32, #tpu.memory_space<vmem>>, vector<16xf32>,
        %mul3A_598 = arith.mulf %get3A_597, %get3A_442 : vector<16xf32>
        %add3A_599 = arith.constant 3 : i32
        %add3A_600 = arith.addi %multiple_of3A, %add3A_599 : i32
        %get3A_601 = arith.constant 1 : i32
        %get3A_602 = arith.index_cast %get3A_601 : i32 to index
        %get3A_603 = arith.index_cast %add3A_600 : i32 to index
        %get3A_604 = arith.constant 16 : index
        %get3A_605 = tpu.vector_load %arg9[%get3A_602, %get3A_603, %get3A_604] {strides = array<i32>} : memref<2x208x64xf32, #tpu.memory_space<vmem>>, vector<16xf32>,
        %mul3A_606 = arith.mulf %get3A_605, %get3A_445 : vector<16xf32>
        %add3A_607 = arith.addf %mul3A_598, %mul3A_606 : vector<16xf32>
        %add3A_608 = arith.constant 3 : i32
        %add3A_609 = arith.addi %multiple_of3A, %add3A_608 : i32
        %get3A_610 = arith.constant 1 : i32
        %get3A_611 = arith.index_cast %get3A_610 : i32 to index
        %get3A_612 = arith.index_cast %add3A_609 : i32 to index
        %get3A_613 = arith.constant 32 : index
        %get3A_614 = tpu.vector_load %arg9[%get3A_611, %get3A_612, %get3A_613] {strides = array<i32>} : memref<2x208x64xf32, #tpu.memory_space<vmem>>, vector<16xf32>,
        %mul3A_615 = arith.mulf %get3A_614, %get3A_448 : vector<16xf32>
        %add3A_616 = arith.addf %add3A_607, %mul3A_615 : vector<16xf32>
        %add3A_617 = arith.constant 3 : i32
        %add3A_618 = arith.addi %multiple_of3A, %add3A_617 : i32
        %get3A_619 = arith.constant 1 : i32
        %get3A_620 = arith.index_cast %get3A_619 : i32 to index
        %get3A_621 = arith.index_cast %add3A_618 : i32 to index
        %get3A_622 = arith.constant 48 : index
        %get3A_623 = tpu.vector_load %arg9[%get3A_620, %get3A_621, %get3A_622] {strides = array<i32>} : memref<2x208x64xf32, #tpu.memory_space<vmem>>, vector<16xf32>,
        %mul3A_624 = arith.mulf %get3A_623, %get3A_451 : vector<16xf32>
        %add3A_625 = arith.addf %add3A_616, %mul3A_624 : vector<16xf32>
        %swap3A_626 = arith.constant 48 : index
        %swap3A_627 = tpu.vector_load %arg10[%swap3A_626] {strides = array<i32>} : memref<256xf32, #tpu.memory_space<vmem>>, vector<16xf32>,
        tpu.vector_store %arg10[%swap3A_626], %add3A_625 {strides = array<i32>} : memref<256xf32, #tpu.memory_space<vmem>>, vector<16xf32>,
        %add3A_628 = arith.constant 4 : i32
        %add3A_629 = arith.addi %multiple_of3A, %add3A_628 : i32
        %get3A_630 = arith.constant 1 : i32
        %get3A_631 = arith.index_cast %get3A_630 : i32 to index
        %get3A_632 = arith.index_cast %add3A_629 : i32 to index
        %get3A_633 = arith.constant 0 : index
        %get3A_634 = tpu.vector_load %arg9[%get3A_631, %get3A_632, %get3A_633] {strides = array<i32>} : memref<2x208x64xf32, #tpu.memory_space<vmem>>, vector<16xf32>,
        %mul3A_635 = arith.mulf %get3A_634, %get3A_442 : vector<16xf32>
        %add3A_636 = arith.constant 4 : i32
        %add3A_637 = arith.addi %multiple_of3A, %add3A_636 : i32
        %get3A_638 = arith.constant 1 : i32
        %get3A_639 = arith.index_cast %get3A_638 : i32 to index
        %get3A_640 = arith.index_cast %add3A_637 : i32 to index
        %get3A_641 = arith.constant 16 : index
        %get3A_642 = tpu.vector_load %arg9[%get3A_639, %get3A_640, %get3A_641] {strides = array<i32>} : memref<2x208x64xf32, #tpu.memory_space<vmem>>, vector<16xf32>,
        %mul3A_643 = arith.mulf %get3A_642, %get3A_445 : vector<16xf32>
        %add3A_644 = arith.addf %mul3A_635, %mul3A_643 : vector<16xf32>
        %add3A_645 = arith.constant 4 : i32
        %add3A_646 = arith.addi %multiple_of3A, %add3A_645 : i32
        %get3A_647 = arith.constant 1 : i32
        %get3A_648 = arith.index_cast %get3A_647 : i32 to index
        %get3A_649 = arith.index_cast %add3A_646 : i32 to index
        %get3A_650 = arith.constant 32 : index
        %get3A_651 = tpu.vector_load %arg9[%get3A_648, %get3A_649, %get3A_650] {strides = array<i32>} : memref<2x208x64xf32, #tpu.memory_space<vmem>>, vector<16xf32>,
        %mul3A_652 = arith.mulf %get3A_651, %get3A_448 : vector<16xf32>
        %add3A_653 = arith.addf %add3A_644, %mul3A_652 : vector<16xf32>
        %add3A_654 = arith.constant 4 : i32
        %add3A_655 = arith.addi %multiple_of3A, %add3A_654 : i32
        %get3A_656 = arith.constant 1 : i32
        %get3A_657 = arith.index_cast %get3A_656 : i32 to index
        %get3A_658 = arith.index_cast %add3A_655 : i32 to index
        %get3A_659 = arith.constant 48 : index
        %get3A_660 = tpu.vector_load %arg9[%get3A_657, %get3A_658, %get3A_659] {strides = array<i32>} : memref<2x208x64xf32, #tpu.memory_space<vmem>>, vector<16xf32>,
        %mul3A_661 = arith.mulf %get3A_660, %get3A_451 : vector<16xf32>
        %add3A_662 = arith.addf %add3A_653, %mul3A_661 : vector<16xf32>
        %swap3A_663 = arith.constant 64 : index
        %swap3A_664 = tpu.vector_load %arg10[%swap3A_663] {strides = array<i32>} : memref<256xf32, #tpu.memory_space<vmem>>, vector<16xf32>,
        tpu.vector_store %arg10[%swap3A_663], %add3A_662 {strides = array<i32>} : memref<256xf32, #tpu.memory_space<vmem>>, vector<16xf32>,
        %add3A_665 = arith.constant 5 : i32
        %add3A_666 = arith.addi %multiple_of3A, %add3A_665 : i32
        %get3A_667 = arith.constant 1 : i32
        %get3A_668 = arith.index_cast %get3A_667 : i32 to index
        %get3A_669 = arith.index_cast %add3A_666 : i32 to index
        %get3A_670 = arith.constant 0 : index
        %get3A_671 = tpu.vector_load %arg9[%get3A_668, %get3A_669, %get3A_670] {strides = array<i32>} : memref<2x208x64xf32, #tpu.memory_space<vmem>>, vector<16xf32>,
        %mul3A_672 = arith.mulf %get3A_671, %get3A_442 : vector<16xf32>
        %add3A_673 = arith.constant 5 : i32
        %add3A_674 = arith.addi %multiple_of3A, %add3A_673 : i32
        %get3A_675 = arith.constant 1 : i32
        %get3A_676 = arith.index_cast %get3A_675 : i32 to index
        %get3A_677 = arith.index_cast %add3A_674 : i32 to index
        %get3A_678 = arith.constant 16 : index
        %get3A_679 = tpu.vector_load %arg9[%get3A_676, %get3A_677, %get3A_678] {strides = array<i32>} : memref<2x208x64xf32, #tpu.memory_space<vmem>>, vector<16xf32>,
        %mul3A_680 = arith.mulf %get3A_679, %get3A_445 : vector<16xf32>
        %add3A_681 = arith.addf %mul3A_672, %mul3A_680 : vector<16xf32>
        %add3A_682 = arith.constant 5 : i32
        %add3A_683 = arith.addi %multiple_of3A, %add3A_682 : i32
        %get3A_684 = arith.constant 1 : i32
        %get3A_685 = arith.index_cast %get3A_684 : i32 to index
        %get3A_686 = arith.index_cast %add3A_683 : i32 to index
        %get3A_687 = arith.constant 32 : index
        %get3A_688 = tpu.vector_load %arg9[%get3A_685, %get3A_686, %get3A_687] {strides = array<i32>} : memref<2x208x64xf32, #tpu.memory_space<vmem>>, vector<16xf32>,
        %mul3A_689 = arith.mulf %get3A_688, %get3A_448 : vector<16xf32>
        %add3A_690 = arith.addf %add3A_681, %mul3A_689 : vector<16xf32>
        %add3A_691 = arith.constant 5 : i32
        %add3A_692 = arith.addi %multiple_of3A, %add3A_691 : i32
        %get3A_693 = arith.constant 1 : i32
        %get3A_694 = arith.index_cast %get3A_693 : i32 to index
        %get3A_695 = arith.index_cast %add3A_692 : i32 to index
        %get3A_696 = arith.constant 48 : index
        %get3A_697 = tpu.vector_load %arg9[%get3A_694, %get3A_695, %get3A_696] {strides = array<i32>} : memref<2x208x64xf32, #tpu.memory_space<vmem>>, vector<16xf32>,
        %mul3A_698 = arith.mulf %get3A_697, %get3A_451 : vector<16xf32>
        %add3A_699 = arith.addf %add3A_690, %mul3A_698 : vector<16xf32>
        %swap3A_700 = arith.constant 80 : index
        %swap3A_701 = tpu.vector_load %arg10[%swap3A_700] {strides = array<i32>} : memref<256xf32, #tpu.memory_space<vmem>>, vector<16xf32>,
        tpu.vector_store %arg10[%swap3A_700], %add3A_699 {strides = array<i32>} : memref<256xf32, #tpu.memory_space<vmem>>, vector<16xf32>,
        %add3A_702 = arith.constant 6 : i32
        %add3A_703 = arith.addi %multiple_of3A, %add3A_702 : i32
        %get3A_704 = arith.constant 1 : i32
        %get3A_705 = arith.index_cast %get3A_704 : i32 to index
        %get3A_706 = arith.index_cast %add3A_703 : i32 to index
        %get3A_707 = arith.constant 0 : index
        %get3A_708 = tpu.vector_load %arg9[%get3A_705, %get3A_706, %get3A_707] {strides = array<i32>} : memref<2x208x64xf32, #tpu.memory_space<vmem>>, vector<16xf32>,
        %mul3A_709 = arith.mulf %get3A_708, %get3A_442 : vector<16xf32>
        %add3A_710 = arith.constant 6 : i32
        %add3A_711 = arith.addi %multiple_of3A, %add3A_710 : i32
        %get3A_712 = arith.constant 1 : i32
        %get3A_713 = arith.index_cast %get3A_712 : i32 to index
        %get3A_714 = arith.index_cast %add3A_711 : i32 to index
        %get3A_715 = arith.constant 16 : index
        %get3A_716 = tpu.vector_load %arg9[%get3A_713, %get3A_714, %get3A_715] {strides = array<i32>} : memref<2x208x64xf32, #tpu.memory_space<vmem>>, vector<16xf32>,
        %mul3A_717 = arith.mulf %get3A_716, %get3A_445 : vector<16xf32>
        %add3A_718 = arith.addf %mul3A_709, %mul3A_717 : vector<16xf32>
        %add3A_719 = arith.constant 6 : i32
        %add3A_720 = arith.addi %multiple_of3A, %add3A_719 : i32
        %get3A_721 = arith.constant 1 : i32
        %get3A_722 = arith.index_cast %get3A_721 : i32 to index
        %get3A_723 = arith.index_cast %add3A_720 : i32 to index
        %get3A_724 = arith.constant 32 : index
        %get3A_725 = tpu.vector_load %arg9[%get3A_722, %get3A_723, %get3A_724] {strides = array<i32>} : memref<2x208x64xf32, #tpu.memory_space<vmem>>, vector<16xf32>,
        %mul3A_726 = arith.mulf %get3A_725, %get3A_448 : vector<16xf32>
        %add3A_727 = arith.addf %add3A_718, %mul3A_726 : vector<16xf32>
        %add3A_728 = arith.constant 6 : i32
        %add3A_729 = arith.addi %multiple_of3A, %add3A_728 : i32
        %get3A_730 = arith.constant 1 : i32
        %get3A_731 = arith.index_cast %get3A_730 : i32 to index
        %get3A_732 = arith.index_cast %add3A_729 : i32 to index
        %get3A_733 = arith.constant 48 : index
        %get3A_734 = tpu.vector_load %arg9[%get3A_731, %get3A_732, %get3A_733] {strides = array<i32>} : memref<2x208x64xf32, #tpu.memory_space<vmem>>, vector<16xf32>,
        %mul3A_735 = arith.mulf %get3A_734, %get3A_451 : vector<16xf32>
        %add3A_736 = arith.addf %add3A_727, %mul3A_735 : vector<16xf32>
        %swap3A_737 = arith.constant 96 : index
        %swap3A_738 = tpu.vector_load %arg10[%swap3A_737] {strides = array<i32>} : memref<256xf32, #tpu.memory_space<vmem>>, vector<16xf32>,
        tpu.vector_store %arg10[%swap3A_737], %add3A_736 {strides = array<i32>} : memref<256xf32, #tpu.memory_space<vmem>>, vector<16xf32>,
        %add3A_739 = arith.constant 7 : i32
        %add3A_740 = arith.addi %multiple_of3A, %add3A_739 : i32
        %get3A_741 = arith.constant 1 : i32
        %get3A_742 = arith.index_cast %get3A_741 : i32 to index
        %get3A_743 = arith.index_cast %add3A_740 : i32 to index
        %get3A_744 = arith.constant 0 : index
        %get3A_745 = tpu.vector_load %arg9[%get3A_742, %get3A_743, %get3A_744] {strides = array<i32>} : memref<2x208x64xf32, #tpu.memory_space<vmem>>, vector<16xf32>,
        %mul3A_746 = arith.mulf %get3A_745, %get3A_442 : vector<16xf32>
        %add3A_747 = arith.constant 7 : i32
        %add3A_748 = arith.addi %multiple_of3A, %add3A_747 : i32
        %get3A_749 = arith.constant 1 : i32
        %get3A_750 = arith.index_cast %get3A_749 : i32 to index
        %get3A_751 = arith.index_cast %add3A_748 : i32 to index
        %get3A_752 = arith.constant 16 : index
        %get3A_753 = tpu.vector_load %arg9[%get3A_750, %get3A_751, %get3A_752] {strides = array<i32>} : memref<2x208x64xf32, #tpu.memory_space<vmem>>, vector<16xf32>,
        %mul3A_754 = arith.mulf %get3A_753, %get3A_445 : vector<16xf32>
        %add3A_755 = arith.addf %mul3A_746, %mul3A_754 : vector<16xf32>
        %add3A_756 = arith.constant 7 : i32
        %add3A_757 = arith.addi %multiple_of3A, %add3A_756 : i32
        %get3A_758 = arith.constant 1 : i32
        %get3A_759 = arith.index_cast %get3A_758 : i32 to index
        %get3A_760 = arith.index_cast %add3A_757 : i32 to index
        %get3A_761 = arith.constant 32 : index
        %get3A_762 = tpu.vector_load %arg9[%get3A_759, %get3A_760, %get3A_761] {strides = array<i32>} : memref<2x208x64xf32, #tpu.memory_space<vmem>>, vector<16xf32>,
        %mul3A_763 = arith.mulf %get3A_762, %get3A_448 : vector<16xf32>
        %add3A_764 = arith.addf %add3A_755, %mul3A_763 : vector<16xf32>
        %add3A_765 = arith.constant 7 : i32
        %add3A_766 = arith.addi %multiple_of3A, %add3A_765 : i32
        %get3A_767 = arith.constant 1 : i32
        %get3A_768 = arith.index_cast %get3A_767 : i32 to index
        %get3A_769 = arith.index_cast %add3A_766 : i32 to index
        %get3A_770 = arith.constant 48 : index
        %get3A_771 = tpu.vector_load %arg9[%get3A_768, %get3A_769, %get3A_770] {strides = array<i32>} : memref<2x208x64xf32, #tpu.memory_space<vmem>>, vector<16xf32>,
        %mul3A_772 = arith.mulf %get3A_771, %get3A_451 : vector<16xf32>
        %add3A_773 = arith.addf %add3A_764, %mul3A_772 : vector<16xf32>
        %swap3A_774 = arith.constant 112 : index
        %swap3A_775 = tpu.vector_load %arg10[%swap3A_774] {strides = array<i32>} : memref<256xf32, #tpu.memory_space<vmem>>, vector<16xf32>,
        tpu.vector_store %arg10[%swap3A_774], %add3A_773 {strides = array<i32>} : memref<256xf32, #tpu.memory_space<vmem>>, vector<16xf32>,
        %add3A_776 = arith.constant 8 : i32
        %add3A_777 = arith.addi %multiple_of3A, %add3A_776 : i32
        %get3A_778 = arith.constant 1 : i32
        %get3A_779 = arith.index_cast %get3A_778 : i32 to index
        %get3A_780 = arith.index_cast %add3A_777 : i32 to index
        %get3A_781 = arith.constant 0 : index
        %get3A_782 = tpu.vector_load %arg9[%get3A_779, %get3A_780, %get3A_781] {strides = array<i32>} : memref<2x208x64xf32, #tpu.memory_space<vmem>>, vector<16xf32>,
        %mul3A_783 = arith.mulf %get3A_782, %get3A_442 : vector<16xf32>
        %add3A_784 = arith.constant 8 : i32
        %add3A_785 = arith.addi %multiple_of3A, %add3A_784 : i32
        %get3A_786 = arith.constant 1 : i32
        %get3A_787 = arith.index_cast %get3A_786 : i32 to index
        %get3A_788 = arith.index_cast %add3A_785 : i32 to index
        %get3A_789 = arith.constant 16 : index
        %get3A_790 = tpu.vector_load %arg9[%get3A_787, %get3A_788, %get3A_789] {strides = array<i32>} : memref<2x208x64xf32, #tpu.memory_space<vmem>>, vector<16xf32>,
        %mul3A_791 = arith.mulf %get3A_790, %get3A_445 : vector<16xf32>
        %add3A_792 = arith.addf %mul3A_783, %mul3A_791 : vector<16xf32>
        %add3A_793 = arith.constant 8 : i32
        %add3A_794 = arith.addi %multiple_of3A, %add3A_793 : i32
        %get3A_795 = arith.constant 1 : i32
        %get3A_796 = arith.index_cast %get3A_795 : i32 to index
        %get3A_797 = arith.index_cast %add3A_794 : i32 to index
        %get3A_798 = arith.constant 32 : index
        %get3A_799 = tpu.vector_load %arg9[%get3A_796, %get3A_797, %get3A_798] {strides = array<i32>} : memref<2x208x64xf32, #tpu.memory_space<vmem>>, vector<16xf32>,
        %mul3A_800 = arith.mulf %get3A_799, %get3A_448 : vector<16xf32>
        %add3A_801 = arith.addf %add3A_792, %mul3A_800 : vector<16xf32>
        %add3A_802 = arith.constant 8 : i32
        %add3A_803 = arith.addi %multiple_of3A, %add3A_802 : i32
        %get3A_804 = arith.constant 1 : i32
        %get3A_805 = arith.index_cast %get3A_804 : i32 to index
        %get3A_806 = arith.index_cast %add3A_803 : i32 to index
        %get3A_807 = arith.constant 48 : index
        %get3A_808 = tpu.vector_load %arg9[%get3A_805, %get3A_806, %get3A_807] {strides = array<i32>} : memref<2x208x64xf32, #tpu.memory_space<vmem>>, vector<16xf32>,
        %mul3A_809 = arith.mulf %get3A_808, %get3A_451 : vector<16xf32>
        %add3A_810 = arith.addf %add3A_801, %mul3A_809 : vector<16xf32>
        %swap3A_811 = arith.constant 128 : index
        %swap3A_812 = tpu.vector_load %arg10[%swap3A_811] {strides = array<i32>} : memref<256xf32, #tpu.memory_space<vmem>>, vector<16xf32>,
        tpu.vector_store %arg10[%swap3A_811], %add3A_810 {strides = array<i32>} : memref<256xf32, #tpu.memory_space<vmem>>, vector<16xf32>,
        %add3A_813 = arith.constant 9 : i32
        %add3A_814 = arith.addi %multiple_of3A, %add3A_813 : i32
        %get3A_815 = arith.constant 1 : i32
        %get3A_816 = arith.index_cast %get3A_815 : i32 to index
        %get3A_817 = arith.index_cast %add3A_814 : i32 to index
        %get3A_818 = arith.constant 0 : index
        %get3A_819 = tpu.vector_load %arg9[%get3A_816, %get3A_817, %get3A_818] {strides = array<i32>} : memref<2x208x64xf32, #tpu.memory_space<vmem>>, vector<16xf32>,
        %mul3A_820 = arith.mulf %get3A_819, %get3A_442 : vector<16xf32>
        %add3A_821 = arith.constant 9 : i32
        %add3A_822 = arith.addi %multiple_of3A, %add3A_821 : i32
        %get3A_823 = arith.constant 1 : i32
        %get3A_824 = arith.index_cast %get3A_823 : i32 to index
        %get3A_825 = arith.index_cast %add3A_822 : i32 to index
        %get3A_826 = arith.constant 16 : index
        %get3A_827 = tpu.vector_load %arg9[%get3A_824, %get3A_825, %get3A_826] {strides = array<i32>} : memref<2x208x64xf32, #tpu.memory_space<vmem>>, vector<16xf32>,
        %mul3A_828 = arith.mulf %get3A_827, %get3A_445 : vector<16xf32>
        %add3A_829 = arith.addf %mul3A_820, %mul3A_828 : vector<16xf32>
        %add3A_830 = arith.constant 9 : i32
        %add3A_831 = arith.addi %multiple_of3A, %add3A_830 : i32
        %get3A_832 = arith.constant 1 : i32
        %get3A_833 = arith.index_cast %get3A_832 : i32 to index
        %get3A_834 = arith.index_cast %add3A_831 : i32 to index
        %get3A_835 = arith.constant 32 : index
        %get3A_836 = tpu.vector_load %arg9[%get3A_833, %get3A_834, %get3A_835] {strides = array<i32>} : memref<2x208x64xf32, #tpu.memory_space<vmem>>, vector<16xf32>,
        %mul3A_837 = arith.mulf %get3A_836, %get3A_448 : vector<16xf32>
        %add3A_838 = arith.addf %add3A_829, %mul3A_837 : vector<16xf32>
        %add3A_839 = arith.constant 9 : i32
        %add3A_840 = arith.addi %multiple_of3A, %add3A_839 : i32
        %get3A_841 = arith.constant 1 : i32
        %get3A_842 = arith.index_cast %get3A_841 : i32 to index
        %get3A_843 = arith.index_cast %add3A_840 : i32 to index
        %get3A_844 = arith.constant 48 : index
        %get3A_845 = tpu.vector_load %arg9[%get3A_842, %get3A_843, %get3A_844] {strides = array<i32>} : memref<2x208x64xf32, #tpu.memory_space<vmem>>, vector<16xf32>,
        %mul3A_846 = arith.mulf %get3A_845, %get3A_451 : vector<16xf32>
        %add3A_847 = arith.addf %add3A_838, %mul3A_846 : vector<16xf32>
        %swap3A_848 = arith.constant 144 : index
        %swap3A_849 = tpu.vector_load %arg10[%swap3A_848] {strides = array<i32>} : memref<256xf32, #tpu.memory_space<vmem>>, vector<16xf32>,
        tpu.vector_store %arg10[%swap3A_848], %add3A_847 {strides = array<i32>} : memref<256xf32, #tpu.memory_space<vmem>>, vector<16xf32>,
        %add3A_850 = arith.constant 10 : i32
        %add3A_851 = arith.addi %multiple_of3A, %add3A_850 : i32
        %get3A_852 = arith.constant 1 : i32
        %get3A_853 = arith.index_cast %get3A_852 : i32 to index
        %get3A_854 = arith.index_cast %add3A_851 : i32 to index
        %get3A_855 = arith.constant 0 : index
        %get3A_856 = tpu.vector_load %arg9[%get3A_853, %get3A_854, %get3A_855] {strides = array<i32>} : memref<2x208x64xf32, #tpu.memory_space<vmem>>, vector<16xf32>,
        %mul3A_857 = arith.mulf %get3A_856, %get3A_442 : vector<16xf32>
        %add3A_858 = arith.constant 10 : i32
        %add3A_859 = arith.addi %multiple_of3A, %add3A_858 : i32
        %get3A_860 = arith.constant 1 : i32
        %get3A_861 = arith.index_cast %get3A_860 : i32 to index
        %get3A_862 = arith.index_cast %add3A_859 : i32 to index
        %get3A_863 = arith.constant 16 : index
        %get3A_864 = tpu.vector_load %arg9[%get3A_861, %get3A_862, %get3A_863] {strides = array<i32>} : memref<2x208x64xf32, #tpu.memory_space<vmem>>, vector<16xf32>,
        %mul3A_865 = arith.mulf %get3A_864, %get3A_445 : vector<16xf32>
        %add3A_866 = arith.addf %mul3A_857, %mul3A_865 : vector<16xf32>
        %add3A_867 = arith.constant 10 : i32
        %add3A_868 = arith.addi %multiple_of3A, %add3A_867 : i32
        %get3A_869 = arith.constant 1 : i32
        %get3A_870 = arith.index_cast %get3A_869 : i32 to index
        %get3A_871 = arith.index_cast %add3A_868 : i32 to index
        %get3A_872 = arith.constant 32 : index
        %get3A_873 = tpu.vector_load %arg9[%get3A_870, %get3A_871, %get3A_872] {strides = array<i32>} : memref<2x208x64xf32, #tpu.memory_space<vmem>>, vector<16xf32>,
        %mul3A_874 = arith.mulf %get3A_873, %get3A_448 : vector<16xf32>
        %add3A_875 = arith.addf %add3A_866, %mul3A_874 : vector<16xf32>
        %add3A_876 = arith.constant 10 : i32
        %add3A_877 = arith.addi %multiple_of3A, %add3A_876 : i32
        %get3A_878 = arith.constant 1 : i32
        %get3A_879 = arith.index_cast %get3A_878 : i32 to index
        %get3A_880 = arith.index_cast %add3A_877 : i32 to index
        %get3A_881 = arith.constant 48 : index
        %get3A_882 = tpu.vector_load %arg9[%get3A_879, %get3A_880, %get3A_881] {strides = array<i32>} : memref<2x208x64xf32, #tpu.memory_space<vmem>>, vector<16xf32>,
        %mul3A_883 = arith.mulf %get3A_882, %get3A_451 : vector<16xf32>
        %add3A_884 = arith.addf %add3A_875, %mul3A_883 : vector<16xf32>
        %swap3A_885 = arith.constant 160 : index
        %swap3A_886 = tpu.vector_load %arg10[%swap3A_885] {strides = array<i32>} : memref<256xf32, #tpu.memory_space<vmem>>, vector<16xf32>,
        tpu.vector_store %arg10[%swap3A_885], %add3A_884 {strides = array<i32>} : memref<256xf32, #tpu.memory_space<vmem>>, vector<16xf32>,
        %add3A_887 = arith.constant 11 : i32
        %add3A_888 = arith.addi %multiple_of3A, %add3A_887 : i32
        %get3A_889 = arith.constant 1 : i32
        %get3A_890 = arith.index_cast %get3A_889 : i32 to index
        %get3A_891 = arith.index_cast %add3A_888 : i32 to index
        %get3A_892 = arith.constant 0 : index
        %get3A_893 = tpu.vector_load %arg9[%get3A_890, %get3A_891, %get3A_892] {strides = array<i32>} : memref<2x208x64xf32, #tpu.memory_space<vmem>>, vector<16xf32>,
        %mul3A_894 = arith.mulf %get3A_893, %get3A_442 : vector<16xf32>
        %add3A_895 = arith.constant 11 : i32
        %add3A_896 = arith.addi %multiple_of3A, %add3A_895 : i32
        %get3A_897 = arith.constant 1 : i32
        %get3A_898 = arith.index_cast %get3A_897 : i32 to index
        %get3A_899 = arith.index_cast %add3A_896 : i32 to index
        %get3A_900 = arith.constant 16 : index
        %get3A_901 = tpu.vector_load %arg9[%get3A_898, %get3A_899, %get3A_900] {strides = array<i32>} : memref<2x208x64xf32, #tpu.memory_space<vmem>>, vector<16xf32>,
        %mul3A_902 = arith.mulf %get3A_901, %get3A_445 : vector<16xf32>
        %add3A_903 = arith.addf %mul3A_894, %mul3A_902 : vector<16xf32>
        %add3A_904 = arith.constant 11 : i32
        %add3A_905 = arith.addi %multiple_of3A, %add3A_904 : i32
        %get3A_906 = arith.constant 1 : i32
        %get3A_907 = arith.index_cast %get3A_906 : i32 to index
        %get3A_908 = arith.index_cast %add3A_905 : i32 to index
        %get3A_909 = arith.constant 32 : index
        %get3A_910 = tpu.vector_load %arg9[%get3A_907, %get3A_908, %get3A_909] {strides = array<i32>} : memref<2x208x64xf32, #tpu.memory_space<vmem>>, vector<16xf32>,
        %mul3A_911 = arith.mulf %get3A_910, %get3A_448 : vector<16xf32>
        %add3A_912 = arith.addf %add3A_903, %mul3A_911 : vector<16xf32>
        %add3A_913 = arith.constant 11 : i32
        %add3A_914 = arith.addi %multiple_of3A, %add3A_913 : i32
        %get3A_915 = arith.constant 1 : i32
        %get3A_916 = arith.index_cast %get3A_915 : i32 to index
        %get3A_917 = arith.index_cast %add3A_914 : i32 to index
        %get3A_918 = arith.constant 48 : index
        %get3A_919 = tpu.vector_load %arg9[%get3A_916, %get3A_917, %get3A_918] {strides = array<i32>} : memref<2x208x64xf32, #tpu.memory_space<vmem>>, vector<16xf32>,
        %mul3A_920 = arith.mulf %get3A_919, %get3A_451 : vector<16xf32>
        %add3A_921 = arith.addf %add3A_912, %mul3A_920 : vector<16xf32>
        %swap3A_922 = arith.constant 176 : index
        %swap3A_923 = tpu.vector_load %arg10[%swap3A_922] {strides = array<i32>} : memref<256xf32, #tpu.memory_space<vmem>>, vector<16xf32>,
        tpu.vector_store %arg10[%swap3A_922], %add3A_921 {strides = array<i32>} : memref<256xf32, #tpu.memory_space<vmem>>, vector<16xf32>,
        %add3A_924 = arith.constant 12 : i32
        %add3A_925 = arith.addi %multiple_of3A, %add3A_924 : i32
        %get3A_926 = arith.constant 1 : i32
        %get3A_927 = arith.index_cast %get3A_926 : i32 to index
        %get3A_928 = arith.index_cast %add3A_925 : i32 to index
        %get3A_929 = arith.constant 0 : index
        %get3A_930 = tpu.vector_load %arg9[%get3A_927, %get3A_928, %get3A_929] {strides = array<i32>} : memref<2x208x64xf32, #tpu.memory_space<vmem>>, vector<16xf32>,
        %mul3A_931 = arith.mulf %get3A_930, %get3A_442 : vector<16xf32>
        %add3A_932 = arith.constant 12 : i32
        %add3A_933 = arith.addi %multiple_of3A, %add3A_932 : i32
        %get3A_934 = arith.constant 1 : i32
        %get3A_935 = arith.index_cast %get3A_934 : i32 to index
        %get3A_936 = arith.index_cast %add3A_933 : i32 to index
        %get3A_937 = arith.constant 16 : index
        %get3A_938 = tpu.vector_load %arg9[%get3A_935, %get3A_936, %get3A_937] {strides = array<i32>} : memref<2x208x64xf32, #tpu.memory_space<vmem>>, vector<16xf32>,
        %mul3A_939 = arith.mulf %get3A_938, %get3A_445 : vector<16xf32>
        %add3A_940 = arith.addf %mul3A_931, %mul3A_939 : vector<16xf32>
        %add3A_941 = arith.constant 12 : i32
        %add3A_942 = arith.addi %multiple_of3A, %add3A_941 : i32
        %get3A_943 = arith.constant 1 : i32
        %get3A_944 = arith.index_cast %get3A_943 : i32 to index
        %get3A_945 = arith.index_cast %add3A_942 : i32 to index
        %get3A_946 = arith.constant 32 : index
        %get3A_947 = tpu.vector_load %arg9[%get3A_944, %get3A_945, %get3A_946] {strides = array<i32>} : memref<2x208x64xf32, #tpu.memory_space<vmem>>, vector<16xf32>,
        %mul3A_948 = arith.mulf %get3A_947, %get3A_448 : vector<16xf32>
        %add3A_949 = arith.addf %add3A_940, %mul3A_948 : vector<16xf32>
        %add3A_950 = arith.constant 12 : i32
        %add3A_951 = arith.addi %multiple_of3A, %add3A_950 : i32
        %get3A_952 = arith.constant 1 : i32
        %get3A_953 = arith.index_cast %get3A_952 : i32 to index
        %get3A_954 = arith.index_cast %add3A_951 : i32 to index
        %get3A_955 = arith.constant 48 : index
        %get3A_956 = tpu.vector_load %arg9[%get3A_953, %get3A_954, %get3A_955] {strides = array<i32>} : memref<2x208x64xf32, #tpu.memory_space<vmem>>, vector<16xf32>,
        %mul3A_957 = arith.mulf %get3A_956, %get3A_451 : vector<16xf32>
        %add3A_958 = arith.addf %add3A_949, %mul3A_957 : vector<16xf32>
        %swap3A_959 = arith.constant 192 : index
        %swap3A_960 = tpu.vector_load %arg10[%swap3A_959] {strides = array<i32>} : memref<256xf32, #tpu.memory_space<vmem>>, vector<16xf32>,
        tpu.vector_store %arg10[%swap3A_959], %add3A_958 {strides = array<i32>} : memref<256xf32, #tpu.memory_space<vmem>>, vector<16xf32>,
        %add3A_961 = arith.constant 13 : i32
        %add3A_962 = arith.addi %multiple_of3A, %add3A_961 : i32
        %get3A_963 = arith.constant 1 : i32
        %get3A_964 = arith.index_cast %get3A_963 : i32 to index
        %get3A_965 = arith.index_cast %add3A_962 : i32 to index
        %get3A_966 = arith.constant 0 : index
        %get3A_967 = tpu.vector_load %arg9[%get3A_964, %get3A_965, %get3A_966] {strides = array<i32>} : memref<2x208x64xf32, #tpu.memory_space<vmem>>, vector<16xf32>,
        %mul3A_968 = arith.mulf %get3A_967, %get3A_442 : vector<16xf32>
        %add3A_969 = arith.constant 13 : i32
        %add3A_970 = arith.addi %multiple_of3A, %add3A_969 : i32
        %get3A_971 = arith.constant 1 : i32
        %get3A_972 = arith.index_cast %get3A_971 : i32 to index
        %get3A_973 = arith.index_cast %add3A_970 : i32 to index
        %get3A_974 = arith.constant 16 : index
        %get3A_975 = tpu.vector_load %arg9[%get3A_972, %get3A_973, %get3A_974] {strides = array<i32>} : memref<2x208x64xf32, #tpu.memory_space<vmem>>, vector<16xf32>,
        %mul3A_976 = arith.mulf %get3A_975, %get3A_445 : vector<16xf32>
        %add3A_977 = arith.addf %mul3A_968, %mul3A_976 : vector<16xf32>
        %add3A_978 = arith.constant 13 : i32
        %add3A_979 = arith.addi %multiple_of3A, %add3A_978 : i32
        %get3A_980 = arith.constant 1 : i32
        %get3A_981 = arith.index_cast %get3A_980 : i32 to index
        %get3A_982 = arith.index_cast %add3A_979 : i32 to index
        %get3A_983 = arith.constant 32 : index
        %get3A_984 = tpu.vector_load %arg9[%get3A_981, %get3A_982, %get3A_983] {strides = array<i32>} : memref<2x208x64xf32, #tpu.memory_space<vmem>>, vector<16xf32>,
        %mul3A_985 = arith.mulf %get3A_984, %get3A_448 : vector<16xf32>
        %add3A_986 = arith.addf %add3A_977, %mul3A_985 : vector<16xf32>
        %add3A_987 = arith.constant 13 : i32
        %add3A_988 = arith.addi %multiple_of3A, %add3A_987 : i32
        %get3A_989 = arith.constant 1 : i32
        %get3A_990 = arith.index_cast %get3A_989 : i32 to index
        %get3A_991 = arith.index_cast %add3A_988 : i32 to index
        %get3A_992 = arith.constant 48 : index
        %get3A_993 = tpu.vector_load %arg9[%get3A_990, %get3A_991, %get3A_992] {strides = array<i32>} : memref<2x208x64xf32, #tpu.memory_space<vmem>>, vector<16xf32>,
        %mul3A_994 = arith.mulf %get3A_993, %get3A_451 : vector<16xf32>
        %add3A_995 = arith.addf %add3A_986, %mul3A_994 : vector<16xf32>
        %swap3A_996 = arith.constant 208 : index
        %swap3A_997 = tpu.vector_load %arg10[%swap3A_996] {strides = array<i32>} : memref<256xf32, #tpu.memory_space<vmem>>, vector<16xf32>,
        tpu.vector_store %arg10[%swap3A_996], %add3A_995 {strides = array<i32>} : memref<256xf32, #tpu.memory_space<vmem>>, vector<16xf32>,
        %add3A_998 = arith.constant 14 : i32
        %add3A_999 = arith.addi %multiple_of3A, %add3A_998 : i32
        %get3A_1000 = arith.constant 1 : i32
        %get3A_1001 = arith.index_cast %get3A_1000 : i32 to index
        %get3A_1002 = arith.index_cast %add3A_999 : i32 to index
        %get3A_1003 = arith.constant 0 : index
        %get3A_1004 = tpu.vector_load %arg9[%get3A_1001, %get3A_1002, %get3A_1003] {strides = array<i32>} : memref<2x208x64xf32, #tpu.memory_space<vmem>>, vector<16xf32>,
        %mul3A_1005 = arith.mulf %get3A_1004, %get3A_442 : vector<16xf32>
        %add3A_1006 = arith.constant 14 : i32
        %add3A_1007 = arith.addi %multiple_of3A, %add3A_1006 : i32
        %get3A_1008 = arith.constant 1 : i32
        %get3A_1009 = arith.index_cast %get3A_1008 : i32 to index
        %get3A_1010 = arith.index_cast %add3A_1007 : i32 to index
        %get3A_1011 = arith.constant 16 : index
        %get3A_1012 = tpu.vector_load %arg9[%get3A_1009, %get3A_1010, %get3A_1011] {strides = array<i32>} : memref<2x208x64xf32, #tpu.memory_space<vmem>>, vector<16xf32>,
        %mul3A_1013 = arith.mulf %get3A_1012, %get3A_445 : vector<16xf32>
        %add3A_1014 = arith.addf %mul3A_1005, %mul3A_1013 : vector<16xf32>
        %add3A_1015 = arith.constant 14 : i32
        %add3A_1016 = arith.addi %multiple_of3A, %add3A_1015 : i32
        %get3A_1017 = arith.constant 1 : i32
        %get3A_1018 = arith.index_cast %get3A_1017 : i32 to index
        %get3A_1019 = arith.index_cast %add3A_1016 : i32 to index
        %get3A_1020 = arith.constant 32 : index
        %get3A_1021 = tpu.vector_load %arg9[%get3A_1018, %get3A_1019, %get3A_1020] {strides = array<i32>} : memref<2x208x64xf32, #tpu.memory_space<vmem>>, vector<16xf32>,
        %mul3A_1022 = arith.mulf %get3A_1021, %get3A_448 : vector<16xf32>
        %add3A_1023 = arith.addf %add3A_1014, %mul3A_1022 : vector<16xf32>
        %add3A_1024 = arith.constant 14 : i32
        %add3A_1025 = arith.addi %multiple_of3A, %add3A_1024 : i32
        %get3A_1026 = arith.constant 1 : i32
        %get3A_1027 = arith.index_cast %get3A_1026 : i32 to index
        %get3A_1028 = arith.index_cast %add3A_1025 : i32 to index
        %get3A_1029 = arith.constant 48 : index
        %get3A_1030 = tpu.vector_load %arg9[%get3A_1027, %get3A_1028, %get3A_1029] {strides = array<i32>} : memref<2x208x64xf32, #tpu.memory_space<vmem>>, vector<16xf32>,
        %mul3A_1031 = arith.mulf %get3A_1030, %get3A_451 : vector<16xf32>
        %add3A_1032 = arith.addf %add3A_1023, %mul3A_1031 : vector<16xf32>
        %swap3A_1033 = arith.constant 224 : index
        %swap3A_1034 = tpu.vector_load %arg10[%swap3A_1033] {strides = array<i32>} : memref<256xf32, #tpu.memory_space<vmem>>, vector<16xf32>,
        tpu.vector_store %arg10[%swap3A_1033], %add3A_1032 {strides = array<i32>} : memref<256xf32, #tpu.memory_space<vmem>>, vector<16xf32>,
        %add3A_1035 = arith.constant 15 : i32
        %add3A_1036 = arith.addi %multiple_of3A, %add3A_1035 : i32
        %get3A_1037 = arith.constant 1 : i32
        %get3A_1038 = arith.index_cast %get3A_1037 : i32 to index
        %get3A_1039 = arith.index_cast %add3A_1036 : i32 to index
        %get3A_1040 = arith.constant 0 : index
        %get3A_1041 = tpu.vector_load %arg9[%get3A_1038, %get3A_1039, %get3A_1040] {strides = array<i32>} : memref<2x208x64xf32, #tpu.memory_space<vmem>>, vector<16xf32>,
        %mul3A_1042 = arith.mulf %get3A_1041, %get3A_442 : vector<16xf32>
        %add3A_1043 = arith.constant 15 : i32
        %add3A_1044 = arith.addi %multiple_of3A, %add3A_1043 : i32
        %get3A_1045 = arith.constant 1 : i32
        %get3A_1046 = arith.index_cast %get3A_1045 : i32 to index
        %get3A_1047 = arith.index_cast %add3A_1044 : i32 to index
        %get3A_1048 = arith.constant 16 : index
        %get3A_1049 = tpu.vector_load %arg9[%get3A_1046, %get3A_1047, %get3A_1048] {strides = array<i32>} : memref<2x208x64xf32, #tpu.memory_space<vmem>>, vector<16xf32>,
        %mul3A_1050 = arith.mulf %get3A_1049, %get3A_445 : vector<16xf32>
        %add3A_1051 = arith.addf %mul3A_1042, %mul3A_1050 : vector<16xf32>
        %add3A_1052 = arith.constant 15 : i32
        %add3A_1053 = arith.addi %multiple_of3A, %add3A_1052 : i32
        %get3A_1054 = arith.constant 1 : i32
        %get3A_1055 = arith.index_cast %get3A_1054 : i32 to index
        %get3A_1056 = arith.index_cast %add3A_1053 : i32 to index
        %get3A_1057 = arith.constant 32 : index
        %get3A_1058 = tpu.vector_load %arg9[%get3A_1055, %get3A_1056, %get3A_1057] {strides = array<i32>} : memref<2x208x64xf32, #tpu.memory_space<vmem>>, vector<16xf32>,
        %mul3A_1059 = arith.mulf %get3A_1058, %get3A_448 : vector<16xf32>
        %add3A_1060 = arith.addf %add3A_1051, %mul3A_1059 : vector<16xf32>
        %add3A_1061 = arith.constant 15 : i32
        %add3A_1062 = arith.addi %multiple_of3A, %add3A_1061 : i32
        %get3A_1063 = arith.constant 1 : i32
        %get3A_1064 = arith.index_cast %get3A_1063 : i32 to index
        %get3A_1065 = arith.index_cast %add3A_1062 : i32 to index
        %get3A_1066 = arith.constant 48 : index
        %get3A_1067 = tpu.vector_load %arg9[%get3A_1064, %get3A_1065, %get3A_1066] {strides = array<i32>} : memref<2x208x64xf32, #tpu.memory_space<vmem>>, vector<16xf32>,
        %mul3A_1068 = arith.mulf %get3A_1067, %get3A_451 : vector<16xf32>
        %add3A_1069 = arith.addf %add3A_1060, %mul3A_1068 : vector<16xf32>
        %swap3A_1070 = arith.constant 240 : index
        %swap3A_1071 = tpu.vector_load %arg10[%swap3A_1070] {strides = array<i32>} : memref<256xf32, #tpu.memory_space<vmem>>, vector<16xf32>,
        tpu.vector_store %arg10[%swap3A_1070], %add3A_1069 {strides = array<i32>} : memref<256xf32, #tpu.memory_space<vmem>>, vector<16xf32>,
        %iota3A = tpu.iota {dimensions = array<i32: 0>} : vector<16xi32>
        %mul3A_1072 = arith.constant 16 : i32
        %mul3A_1073 = vector.broadcast %mul3A_1072 : i32 to vector<16xi32>
        %mul3A_1074 = arith.muli %iota3A, %mul3A_1073 : vector<16xi32>
        %gather3A = tpu.vector_load_idx %arg10[%mul3A_1074] : memref<256xf32, #tpu.memory_space<vmem>>[vector<16xi32>], vector<16xf32>,
        %add3A_1075 = arith.constant 1 : i32
        %add3A_1076 = vector.broadcast %add3A_1075 : i32 to vector<16xi32>
        %add3A_1077 = arith.addi %mul3A_1074, %add3A_1076 : vector<16xi32>
        %gather3A_1078 = tpu.vector_load_idx %arg10[%add3A_1077] : memref<256xf32, #tpu.memory_space<vmem>>[vector<16xi32>], vector<16xf32>,
        %add3A_1079 = arith.addf %gather3A, %gather3A_1078 : vector<16xf32>
        %add3A_1080 = arith.constant 2 : i32
        %add3A_1081 = vector.broadcast %add3A_1080 : i32 to vector<16xi32>
        %add3A_1082 = arith.addi %mul3A_1074, %add3A_1081 : vector<16xi32>
        %gather3A_1083 = tpu.vector_load_idx %arg10[%add3A_1082] : memref<256xf32, #tpu.memory_space<vmem>>[vector<16xi32>], vector<16xf32>,
        %add3A_1084 = arith.addf %add3A_1079, %gather3A_1083 : vector<16xf32>
        %add3A_1085 = arith.constant 3 : i32
        %add3A_1086 = vector.broadcast %add3A_1085 : i32 to vector<16xi32>
        %add3A_1087 = arith.addi %mul3A_1074, %add3A_1086 : vector<16xi32>
        %gather3A_1088 = tpu.vector_load_idx %arg10[%add3A_1087] : memref<256xf32, #tpu.memory_space<vmem>>[vector<16xi32>], vector<16xf32>,
        %add3A_1089 = arith.addf %add3A_1084, %gather3A_1088 : vector<16xf32>
        %add3A_1090 = arith.constant 4 : i32
        %add3A_1091 = vector.broadcast %add3A_1090 : i32 to vector<16xi32>
        %add3A_1092 = arith.addi %mul3A_1074, %add3A_1091 : vector<16xi32>
        %gather3A_1093 = tpu.vector_load_idx %arg10[%add3A_1092] : memref<256xf32, #tpu.memory_space<vmem>>[vector<16xi32>], vector<16xf32>,
        %add3A_1094 = arith.addf %add3A_1089, %gather3A_1093 : vector<16xf32>
        %add3A_1095 = arith.constant 5 : i32
        %add3A_1096 = vector.broadcast %add3A_1095 : i32 to vector<16xi32>
        %add3A_1097 = arith.addi %mul3A_1074, %add3A_1096 : vector<16xi32>
        %gather3A_1098 = tpu.vector_load_idx %arg10[%add3A_1097] : memref<256xf32, #tpu.memory_space<vmem>>[vector<16xi32>], vector<16xf32>,
        %add3A_1099 = arith.addf %add3A_1094, %gather3A_1098 : vector<16xf32>
        %add3A_1100 = arith.constant 6 : i32
        %add3A_1101 = vector.broadcast %add3A_1100 : i32 to vector<16xi32>
        %add3A_1102 = arith.addi %mul3A_1074, %add3A_1101 : vector<16xi32>
        %gather3A_1103 = tpu.vector_load_idx %arg10[%add3A_1102] : memref<256xf32, #tpu.memory_space<vmem>>[vector<16xi32>], vector<16xf32>,
        %add3A_1104 = arith.addf %add3A_1099, %gather3A_1103 : vector<16xf32>
        %add3A_1105 = arith.constant 7 : i32
        %add3A_1106 = vector.broadcast %add3A_1105 : i32 to vector<16xi32>
        %add3A_1107 = arith.addi %mul3A_1074, %add3A_1106 : vector<16xi32>
        %gather3A_1108 = tpu.vector_load_idx %arg10[%add3A_1107] : memref<256xf32, #tpu.memory_space<vmem>>[vector<16xi32>], vector<16xf32>,
        %add3A_1109 = arith.addf %add3A_1104, %gather3A_1108 : vector<16xf32>
        %add3A_1110 = arith.constant 8 : i32
        %add3A_1111 = vector.broadcast %add3A_1110 : i32 to vector<16xi32>
        %add3A_1112 = arith.addi %mul3A_1074, %add3A_1111 : vector<16xi32>
        %gather3A_1113 = tpu.vector_load_idx %arg10[%add3A_1112] : memref<256xf32, #tpu.memory_space<vmem>>[vector<16xi32>], vector<16xf32>,
        %add3A_1114 = arith.addf %add3A_1109, %gather3A_1113 : vector<16xf32>
        %add3A_1115 = arith.constant 9 : i32
        %add3A_1116 = vector.broadcast %add3A_1115 : i32 to vector<16xi32>
        %add3A_1117 = arith.addi %mul3A_1074, %add3A_1116 : vector<16xi32>
        %gather3A_1118 = tpu.vector_load_idx %arg10[%add3A_1117] : memref<256xf32, #tpu.memory_space<vmem>>[vector<16xi32>], vector<16xf32>,
        %add3A_1119 = arith.addf %add3A_1114, %gather3A_1118 : vector<16xf32>
        %add3A_1120 = arith.constant 10 : i32
        %add3A_1121 = vector.broadcast %add3A_1120 : i32 to vector<16xi32>
        %add3A_1122 = arith.addi %mul3A_1074, %add3A_1121 : vector<16xi32>
        %gather3A_1123 = tpu.vector_load_idx %arg10[%add3A_1122] : memref<256xf32, #tpu.memory_space<vmem>>[vector<16xi32>], vector<16xf32>,
        %add3A_1124 = arith.addf %add3A_1119, %gather3A_1123 : vector<16xf32>
        %add3A_1125 = arith.constant 11 : i32
        %add3A_1126 = vector.broadcast %add3A_1125 : i32 to vector<16xi32>
        %add3A_1127 = arith.addi %mul3A_1074, %add3A_1126 : vector<16xi32>
        %gather3A_1128 = tpu.vector_load_idx %arg10[%add3A_1127] : memref<256xf32, #tpu.memory_space<vmem>>[vector<16xi32>], vector<16xf32>,
        %add3A_1129 = arith.addf %add3A_1124, %gather3A_1128 : vector<16xf32>
        %add3A_1130 = arith.constant 12 : i32
        %add3A_1131 = vector.broadcast %add3A_1130 : i32 to vector<16xi32>
        %add3A_1132 = arith.addi %mul3A_1074, %add3A_1131 : vector<16xi32>
        %gather3A_1133 = tpu.vector_load_idx %arg10[%add3A_1132] : memref<256xf32, #tpu.memory_space<vmem>>[vector<16xi32>], vector<16xf32>,
        %add3A_1134 = arith.addf %add3A_1129, %gather3A_1133 : vector<16xf32>
        %add3A_1135 = arith.constant 13 : i32
        %add3A_1136 = vector.broadcast %add3A_1135 : i32 to vector<16xi32>
        %add3A_1137 = arith.addi %mul3A_1074, %add3A_1136 : vector<16xi32>
        %gather3A_1138 = tpu.vector_load_idx %arg10[%add3A_1137] : memref<256xf32, #tpu.memory_space<vmem>>[vector<16xi32>], vector<16xf32>,
        %add3A_1139 = arith.addf %add3A_1134, %gather3A_1138 : vector<16xf32>
        %add3A_1140 = arith.constant 14 : i32
        %add3A_1141 = vector.broadcast %add3A_1140 : i32 to vector<16xi32>
        %add3A_1142 = arith.addi %mul3A_1074, %add3A_1141 : vector<16xi32>
        %gather3A_1143 = tpu.vector_load_idx %arg10[%add3A_1142] : memref<256xf32, #tpu.memory_space<vmem>>[vector<16xi32>], vector<16xf32>,
        %add3A_1144 = arith.addf %add3A_1139, %gather3A_1143 : vector<16xf32>
        %add3A_1145 = arith.constant 15 : i32
        %add3A_1146 = vector.broadcast %add3A_1145 : i32 to vector<16xi32>
        %add3A_1147 = arith.addi %mul3A_1074, %add3A_1146 : vector<16xi32>
        %gather3A_1148 = tpu.vector_load_idx %arg10[%add3A_1147] : memref<256xf32, #tpu.memory_space<vmem>>[vector<16xi32>], vector<16xf32>,
        %add3A_1149 = arith.addf %add3A_1144, %gather3A_1148 : vector<16xf32>
        %get3A_1150 = arith.constant 1 : i32
        %get3A_1151 = arith.index_cast %get3A_1150 : i32 to index
        %get3A_1152 = arith.index_cast %multiple_of3A : i32 to index
        %get3A_1153 = tpu.vector_load %arg11[%get3A_1151, %get3A_1152] {strides = array<i32>} : memref<2x208xf32, #tpu.memory_space<vmem>>, vector<16xf32>,
        %add3A_1154 = arith.addf %add3A_1149, %get3A_1153 : vector<16xf32>
        %swap3A_1155 = arith.index_cast %add3A_401 : i32 to index
        %swap3A_1156 = arith.index_cast %multiple_of3A : i32 to index
        %swap3A_1157 = tpu.vector_load %arg12[%swap3A_1155, %swap3A_1156] {strides = array<i32>} : memref<32x208xf32, #tpu.memory_space<vmem>>, vector<16xf32>,
        tpu.vector_store %arg12[%swap3A_1155, %swap3A_1156], %add3A_1154 {strides = array<i32>} : memref<32x208xf32, #tpu.memory_space<vmem>>, vector<16xf32>,
      }
      %scan3A_456 = arith.constant 13 : i32
      %add3A_457 = arith.constant 2 : i32
      %add3A_458 = arith.addi %add3A_401, %add3A_457 : i32
      %lt3A_459 = arith.constant 32 : i32
      %lt3A_460 = arith.cmpi slt, %add3A_458, %lt3A_459 : i32
      %convert_element_type3A_461 = arith.extui %lt3A_460 : i1 to i32
      %cond3A_462 = arith.constant 0 : i32
      %cond3A_463 = arith.cmpi ne, %convert_element_type3A_461, %cond3A_462 : i32
      scf.if %cond3A_463 {
        %add3A_477 = arith.constant 2 : i32
        %add3A_478 = arith.addi %add3A_401, %add3A_477 : i32
        %get3A_479 = arith.index_cast %add3A_478 : i32 to index
        %get3A_480 = arith.constant 0 : index
        %get3A_481 = tpu.vector_load %arg7[%get3A_479, %get3A_480] {strides = array<i32>} : memref<32x200xi32, #tpu.memory_space<vmem>>, vector<16xi32>,
        %shift_left3A_482 = arith.constant 1 : i32
        %shift_left3A_483 = vector.broadcast %shift_left3A_482 : i32 to vector<16xi32>
        %shift_left3A_484 = arith.shli %get3A_481, %shift_left3A_483 : vector<16xi32>
        %swap3A_485 = arith.constant 0 : index
        %swap3A_486 = tpu.vector_load %arg14[%swap3A_485] {strides = array<i32>} : memref<208xi32, #tpu.memory_space<vmem>>, vector<16xi32>,
        tpu.vector_store %arg14[%swap3A_485], %shift_left3A_484 {strides = array<i32>} : memref<208xi32, #tpu.memory_space<vmem>>, vector<16xi32>,
        %get3A_487 = arith.index_cast %add3A_478 : i32 to index
        %get3A_488 = arith.constant 16 : index
        %get3A_489 = tpu.vector_load %arg7[%get3A_487, %get3A_488] {strides = array<i32>} : memref<32x200xi32, #tpu.memory_space<vmem>>, vector<16xi32>,
        %shift_left3A_490 = arith.constant 1 : i32
        %shift_left3A_491 = vector.broadcast %shift_left3A_490 : i32 to vector<16xi32>
        %shift_left3A_492 = arith.shli %get3A_489, %shift_left3A_491 : vector<16xi32>
        %swap3A_493 = arith.constant 16 : index
        %swap3A_494 = tpu.vector_load %arg14[%swap3A_493] {strides = array<i32>} : memref<208xi32, #tpu.memory_space<vmem>>, vector<16xi32>,
        tpu.vector_store %arg14[%swap3A_493], %shift_left3A_492 {strides = array<i32>} : memref<208xi32, #tpu.memory_space<vmem>>, vector<16xi32>,
        %get3A_495 = arith.index_cast %add3A_478 : i32 to index
        %get3A_496 = arith.constant 32 : index
        %get3A_497 = tpu.vector_load %arg7[%get3A_495, %get3A_496] {strides = array<i32>} : memref<32x200xi32, #tpu.memory_space<vmem>>, vector<16xi32>,
        %shift_left3A_498 = arith.constant 1 : i32
        %shift_left3A_499 = vector.broadcast %shift_left3A_498 : i32 to vector<16xi32>
        %shift_left3A_500 = arith.shli %get3A_497, %shift_left3A_499 : vector<16xi32>
        %swap3A_501 = arith.constant 32 : index
        %swap3A_502 = tpu.vector_load %arg14[%swap3A_501] {strides = array<i32>} : memref<208xi32, #tpu.memory_space<vmem>>, vector<16xi32>,
        tpu.vector_store %arg14[%swap3A_501], %shift_left3A_500 {strides = array<i32>} : memref<208xi32, #tpu.memory_space<vmem>>, vector<16xi32>,
        %get3A_503 = arith.index_cast %add3A_478 : i32 to index
        %get3A_504 = arith.constant 48 : index
        %get3A_505 = tpu.vector_load %arg7[%get3A_503, %get3A_504] {strides = array<i32>} : memref<32x200xi32, #tpu.memory_space<vmem>>, vector<16xi32>,
        %shift_left3A_506 = arith.constant 1 : i32
        %shift_left3A_507 = vector.broadcast %shift_left3A_506 : i32 to vector<16xi32>
        %shift_left3A_508 = arith.shli %get3A_505, %shift_left3A_507 : vector<16xi32>
        %swap3A_509 = arith.constant 48 : index
        %swap3A_510 = tpu.vector_load %arg14[%swap3A_509] {strides = array<i32>} : memref<208xi32, #tpu.memory_space<vmem>>, vector<16xi32>,
        tpu.vector_store %arg14[%swap3A_509], %shift_left3A_508 {strides = array<i32>} : memref<208xi32, #tpu.memory_space<vmem>>, vector<16xi32>,
        %get3A_511 = arith.index_cast %add3A_478 : i32 to index
        %get3A_512 = arith.constant 64 : index
        %get3A_513 = tpu.vector_load %arg7[%get3A_511, %get3A_512] {strides = array<i32>} : memref<32x200xi32, #tpu.memory_space<vmem>>, vector<16xi32>,
        %shift_left3A_514 = arith.constant 1 : i32
        %shift_left3A_515 = vector.broadcast %shift_left3A_514 : i32 to vector<16xi32>
        %shift_left3A_516 = arith.shli %get3A_513, %shift_left3A_515 : vector<16xi32>
        %swap3A_517 = arith.constant 64 : index
        %swap3A_518 = tpu.vector_load %arg14[%swap3A_517] {strides = array<i32>} : memref<208xi32, #tpu.memory_space<vmem>>, vector<16xi32>,
        tpu.vector_store %arg14[%swap3A_517], %shift_left3A_516 {strides = array<i32>} : memref<208xi32, #tpu.memory_space<vmem>>, vector<16xi32>,
        %get3A_519 = arith.index_cast %add3A_478 : i32 to index
        %get3A_520 = arith.constant 80 : index
        %get3A_521 = tpu.vector_load %arg7[%get3A_519, %get3A_520] {strides = array<i32>} : memref<32x200xi32, #tpu.memory_space<vmem>>, vector<16xi32>,
        %shift_left3A_522 = arith.constant 1 : i32
        %shift_left3A_523 = vector.broadcast %shift_left3A_522 : i32 to vector<16xi32>
        %shift_left3A_524 = arith.shli %get3A_521, %shift_left3A_523 : vector<16xi32>
        %swap3A_525 = arith.constant 80 : index
        %swap3A_526 = tpu.vector_load %arg14[%swap3A_525] {strides = array<i32>} : memref<208xi32, #tpu.memory_space<vmem>>, vector<16xi32>,
        tpu.vector_store %arg14[%swap3A_525], %shift_left3A_524 {strides = array<i32>} : memref<208xi32, #tpu.memory_space<vmem>>, vector<16xi32>,
        %get3A_527 = arith.index_cast %add3A_478 : i32 to index
        %get3A_528 = arith.constant 96 : index
        %get3A_529 = tpu.vector_load %arg7[%get3A_527, %get3A_528] {strides = array<i32>} : memref<32x200xi32, #tpu.memory_space<vmem>>, vector<16xi32>,
        %shift_left3A_530 = arith.constant 1 : i32
        %shift_left3A_531 = vector.broadcast %shift_left3A_530 : i32 to vector<16xi32>
        %shift_left3A_532 = arith.shli %get3A_529, %shift_left3A_531 : vector<16xi32>
        %swap3A_533 = arith.constant 96 : index
        %swap3A_534 = tpu.vector_load %arg14[%swap3A_533] {strides = array<i32>} : memref<208xi32, #tpu.memory_space<vmem>>, vector<16xi32>,
        tpu.vector_store %arg14[%swap3A_533], %shift_left3A_532 {strides = array<i32>} : memref<208xi32, #tpu.memory_space<vmem>>, vector<16xi32>,
        %get3A_535 = arith.index_cast %add3A_478 : i32 to index
        %get3A_536 = arith.constant 112 : index
        %get3A_537 = tpu.vector_load %arg7[%get3A_535, %get3A_536] {strides = array<i32>} : memref<32x200xi32, #tpu.memory_space<vmem>>, vector<16xi32>,
        %shift_left3A_538 = arith.constant 1 : i32
        %shift_left3A_539 = vector.broadcast %shift_left3A_538 : i32 to vector<16xi32>
        %shift_left3A_540 = arith.shli %get3A_537, %shift_left3A_539 : vector<16xi32>
        %swap3A_541 = arith.constant 112 : index
        %swap3A_542 = tpu.vector_load %arg14[%swap3A_541] {strides = array<i32>} : memref<208xi32, #tpu.memory_space<vmem>>, vector<16xi32>,
        tpu.vector_store %arg14[%swap3A_541], %shift_left3A_540 {strides = array<i32>} : memref<208xi32, #tpu.memory_space<vmem>>, vector<16xi32>,
        %get3A_543 = arith.index_cast %add3A_478 : i32 to index
        %get3A_544 = arith.constant 128 : index
        %get3A_545 = tpu.vector_load %arg7[%get3A_543, %get3A_544] {strides = array<i32>} : memref<32x200xi32, #tpu.memory_space<vmem>>, vector<16xi32>,
        %shift_left3A_546 = arith.constant 1 : i32
        %shift_left3A_547 = vector.broadcast %shift_left3A_546 : i32 to vector<16xi32>
        %shift_left3A_548 = arith.shli %get3A_545, %shift_left3A_547 : vector<16xi32>
        %swap3A_549 = arith.constant 128 : index
        %swap3A_550 = tpu.vector_load %arg14[%swap3A_549] {strides = array<i32>} : memref<208xi32, #tpu.memory_space<vmem>>, vector<16xi32>,
        tpu.vector_store %arg14[%swap3A_549], %shift_left3A_548 {strides = array<i32>} : memref<208xi32, #tpu.memory_space<vmem>>, vector<16xi32>,
        %get3A_551 = arith.index_cast %add3A_478 : i32 to index
        %get3A_552 = arith.constant 144 : index
        %get3A_553 = tpu.vector_load %arg7[%get3A_551, %get3A_552] {strides = array<i32>} : memref<32x200xi32, #tpu.memory_space<vmem>>, vector<16xi32>,
        %shift_left3A_554 = arith.constant 1 : i32
        %shift_left3A_555 = vector.broadcast %shift_left3A_554 : i32 to vector<16xi32>
        %shift_left3A_556 = arith.shli %get3A_553, %shift_left3A_555 : vector<16xi32>
        %swap3A_557 = arith.constant 144 : index
        %swap3A_558 = tpu.vector_load %arg14[%swap3A_557] {strides = array<i32>} : memref<208xi32, #tpu.memory_space<vmem>>, vector<16xi32>,
        tpu.vector_store %arg14[%swap3A_557], %shift_left3A_556 {strides = array<i32>} : memref<208xi32, #tpu.memory_space<vmem>>, vector<16xi32>,
        %get3A_559 = arith.index_cast %add3A_478 : i32 to index
        %get3A_560 = arith.constant 160 : index
        %get3A_561 = tpu.vector_load %arg7[%get3A_559, %get3A_560] {strides = array<i32>} : memref<32x200xi32, #tpu.memory_space<vmem>>, vector<16xi32>,
        %shift_left3A_562 = arith.constant 1 : i32
        %shift_left3A_563 = vector.broadcast %shift_left3A_562 : i32 to vector<16xi32>
        %shift_left3A_564 = arith.shli %get3A_561, %shift_left3A_563 : vector<16xi32>
        %swap3A_565 = arith.constant 160 : index
        %swap3A_566 = tpu.vector_load %arg14[%swap3A_565] {strides = array<i32>} : memref<208xi32, #tpu.memory_space<vmem>>, vector<16xi32>,
        tpu.vector_store %arg14[%swap3A_565], %shift_left3A_564 {strides = array<i32>} : memref<208xi32, #tpu.memory_space<vmem>>, vector<16xi32>,
        %get3A_567 = arith.index_cast %add3A_478 : i32 to index
        %get3A_568 = arith.constant 176 : index
        %get3A_569 = tpu.vector_load %arg7[%get3A_567, %get3A_568] {strides = array<i32>} : memref<32x200xi32, #tpu.memory_space<vmem>>, vector<16xi32>,
        %shift_left3A_570 = arith.constant 1 : i32
        %shift_left3A_571 = vector.broadcast %shift_left3A_570 : i32 to vector<16xi32>
        %shift_left3A_572 = arith.shli %get3A_569, %shift_left3A_571 : vector<16xi32>
        %swap3A_573 = arith.constant 176 : index
        %swap3A_574 = tpu.vector_load %arg14[%swap3A_573] {strides = array<i32>} : memref<208xi32, #tpu.memory_space<vmem>>, vector<16xi32>,
        tpu.vector_store %arg14[%swap3A_573], %shift_left3A_572 {strides = array<i32>} : memref<208xi32, #tpu.memory_space<vmem>>, vector<16xi32>,
        %get3A_575 = arith.index_cast %add3A_478 : i32 to index
        %get3A_576 = arith.constant 184 : index
        %get3A_577 = tpu.vector_load %arg7[%get3A_575, %get3A_576] {strides = array<i32>} : memref<32x200xi32, #tpu.memory_space<vmem>>, vector<16xi32>,
        %shift_left3A_578 = arith.constant 1 : i32
        %shift_left3A_579 = vector.broadcast %shift_left3A_578 : i32 to vector<16xi32>
        %shift_left3A_580 = arith.shli %get3A_577, %shift_left3A_579 : vector<16xi32>
        %swap3A_581 = arith.constant 184 : index
        %swap3A_582 = tpu.vector_load %arg14[%swap3A_581] {strides = array<i32>} : memref<208xi32, #tpu.memory_space<vmem>>, vector<16xi32>,
        tpu.vector_store %arg14[%swap3A_581], %shift_left3A_580 {strides = array<i32>} : memref<208xi32, #tpu.memory_space<vmem>>, vector<16xi32>,
        %dma_start3A_583 = arith.constant 1 : i32
        %dma_start3A_584 = arith.constant 0 : i32
        %dma_start3A_585 = arith.constant 0 : i32
        %dma_start3A_586 = tpu.memref_slice %arg9[%dma_start3A_583, %dma_start3A_584, %dma_start3A_585] : memref<2x208x64xf32, #tpu.memory_space<vmem>> -> memref<1x104x64xf32, #tpu.memory_space<vmem>>
        %dma_start3A_587 = tpu.memref_squeeze %dma_start3A_586 : memref<1x104x64xf32, #tpu.memory_space<vmem>> -> memref<104x64xf32, #tpu.memory_space<vmem>>
        %dma_start3A_588 = arith.constant 0 : i32
        %dma_start3A_589 = tpu.memref_slice %arg14[%dma_start3A_588] : memref<208xi32, #tpu.memory_space<vmem>> -> memref<104xi32, #tpu.memory_space<vmem>>
        %dma_start3A_590 = arith.constant 0 : i32
        %dma_start3A_591 = arith.constant 0 : i32
        %dma_start3A_592 = tpu.memref_slice %arg4[%dma_start3A_590, %dma_start3A_591] : memref<2000000x64xf32, #tpu.memory_space<hbm>> -> memref<2000000x64xf32, #tpu.memory_space<hbm>>
        tpu.enqueue_indirect_dma source(%dma_start3A_592 : memref<2000000x64xf32, #tpu.memory_space<hbm>>) target(%dma_start3A_587 : memref<104x64xf32, #tpu.memory_space<vmem>>) offsets(%dma_start3A_589 : memref<104xi32, #tpu.memory_space<vmem>>) semaphore(%arg16 : memref<!tpu.dma_semaphore, #tpu.memory_space<semaphore_mem>>)
        %dma_start3A_593 = arith.constant 1 : i32
        %dma_start3A_594 = arith.constant 104 : i32
        %dma_start3A_595 = arith.constant 0 : i32
        %dma_start3A_596 = tpu.memref_slice %arg9[%dma_start3A_593, %dma_start3A_594, %dma_start3A_595] : memref<2x208x64xf32, #tpu.memory_space<vmem>> -> memref<1x96x64xf32, #tpu.memory_space<vmem>>
        %dma_start3A_597 = tpu.memref_squeeze %dma_start3A_596 : memref<1x96x64xf32, #tpu.memory_space<vmem>> -> memref<96x64xf32, #tpu.memory_space<vmem>>
        %dma_start3A_598 = arith.constant 104 : i32
        %dma_start3A_599 = tpu.memref_slice %arg14[%dma_start3A_598] : memref<208xi32, #tpu.memory_space<vmem>> -> memref<96xi32, #tpu.memory_space<vmem>>
        %dma_start3A_600 = arith.constant 0 : i32
        %dma_start3A_601 = arith.constant 0 : i32
        %dma_start3A_602 = tpu.memref_slice %arg4[%dma_start3A_600, %dma_start3A_601] : memref<2000000x64xf32, #tpu.memory_space<hbm>> -> memref<2000000x64xf32, #tpu.memory_space<hbm>>
        tpu.enqueue_indirect_dma source(%dma_start3A_602 : memref<2000000x64xf32, #tpu.memory_space<hbm>>) target(%dma_start3A_597 : memref<96x64xf32, #tpu.memory_space<vmem>>) offsets(%dma_start3A_599 : memref<96xi32, #tpu.memory_space<vmem>>) semaphore(%arg16 : memref<!tpu.dma_semaphore, #tpu.memory_space<semaphore_mem>>)
        %dma_start3A_603 = arith.constant 1 : i32
        %dma_start3A_604 = arith.constant 0 : i32
        %dma_start3A_605 = tpu.memref_slice %arg11[%dma_start3A_603, %dma_start3A_604] : memref<2x208xf32, #tpu.memory_space<vmem>> -> memref<1x104xf32, #tpu.memory_space<vmem>>
        %dma_start3A_606 = tpu.memref_squeeze %dma_start3A_605 : memref<1x104xf32, #tpu.memory_space<vmem>> -> memref<104xf32, #tpu.memory_space<vmem>>
        %dma_start3A_607 = arith.constant 0 : i32
        %dma_start3A_608 = tpu.memref_slice %arg7[%add3A_478, %dma_start3A_607] : memref<32x200xi32, #tpu.memory_space<vmem>> -> memref<1x104xi32, #tpu.memory_space<vmem>>
        %dma_start3A_609 = tpu.memref_squeeze %dma_start3A_608 : memref<1x104xi32, #tpu.memory_space<vmem>> -> memref<104xi32, #tpu.memory_space<vmem>>
        %dma_start3A_610 = arith.constant 0 : i32
        %dma_start3A_611 = tpu.memref_slice %arg5[%dma_start3A_610] : memref<1000000xf32, #tpu.memory_space<hbm>> -> memref<1000000xf32, #tpu.memory_space<hbm>>
        tpu.enqueue_indirect_dma source(%dma_start3A_611 : memref<1000000xf32, #tpu.memory_space<hbm>>) target(%dma_start3A_606 : memref<104xf32, #tpu.memory_space<vmem>>) offsets(%dma_start3A_609 : memref<104xi32, #tpu.memory_space<vmem>>) semaphore(%arg16 : memref<!tpu.dma_semaphore, #tpu.memory_space<semaphore_mem>>)
        %dma_start3A_612 = arith.constant 1 : i32
        %dma_start3A_613 = arith.constant 104 : i32
        %dma_start3A_614 = tpu.memref_slice %arg11[%dma_start3A_612, %dma_start3A_613] : memref<2x208xf32, #tpu.memory_space<vmem>> -> memref<1x96xf32, #tpu.memory_space<vmem>>
        %dma_start3A_615 = tpu.memref_squeeze %dma_start3A_614 : memref<1x96xf32, #tpu.memory_space<vmem>> -> memref<96xf32, #tpu.memory_space<vmem>>
        %dma_start3A_616 = arith.constant 104 : i32
        %dma_start3A_617 = tpu.memref_slice %arg7[%add3A_478, %dma_start3A_616] : memref<32x200xi32, #tpu.memory_space<vmem>> -> memref<1x96xi32, #tpu.memory_space<vmem>>
        %dma_start3A_618 = tpu.memref_squeeze %dma_start3A_617 : memref<1x96xi32, #tpu.memory_space<vmem>> -> memref<96xi32, #tpu.memory_space<vmem>>
        %dma_start3A_619 = arith.constant 0 : i32
        %dma_start3A_620 = tpu.memref_slice %arg5[%dma_start3A_619] : memref<1000000xf32, #tpu.memory_space<hbm>> -> memref<1000000xf32, #tpu.memory_space<hbm>>
        tpu.enqueue_indirect_dma source(%dma_start3A_620 : memref<1000000xf32, #tpu.memory_space<hbm>>) target(%dma_start3A_615 : memref<96xf32, #tpu.memory_space<vmem>>) offsets(%dma_start3A_618 : memref<96xi32, #tpu.memory_space<vmem>>) semaphore(%arg16 : memref<!tpu.dma_semaphore, #tpu.memory_space<semaphore_mem>>)
      } else {
      }
      %add3A_464 = arith.addi %mul3A_2, %add3A_401 : i32
      %dma_start3A_465 = arith.constant 0 : i32
      %dma_start3A_466 = tpu.memref_slice %arg12[%add3A_401, %dma_start3A_465] : memref<32x208xf32, #tpu.memory_space<vmem>> -> memref<1x200xf32, #tpu.memory_space<vmem>>
      %dma_start3A_467 = tpu.memref_squeeze %dma_start3A_466 : memref<1x200xf32, #tpu.memory_space<vmem>> -> memref<200xf32, #tpu.memory_space<vmem>>
      %dma_start3A_468 = arith.constant 0 : i32
      %dma_start3A_469 = tpu.memref_slice %arg6[%add3A_464, %dma_start3A_468] : memref<1024x200xf32, #tpu.memory_space<hbm>> -> memref<1x200xf32, #tpu.memory_space<hbm>>
      %dma_start3A_470 = tpu.memref_squeeze %dma_start3A_469 : memref<1x200xf32, #tpu.memory_space<hbm>> -> memref<200xf32, #tpu.memory_space<hbm>>
      %dma_start3A_471 = arith.constant 0 : i32
      %dma_start3A_472 = tpu.memref_slice %arg6[%add3A_464, %dma_start3A_471] : memref<1024x200xf32, #tpu.memory_space<hbm>> -> memref<1x200xf32, #tpu.memory_space<hbm>>
      %dma_start3A_473 = tpu.memref_squeeze %dma_start3A_472 : memref<1x200xf32, #tpu.memory_space<hbm>> -> memref<200xf32, #tpu.memory_space<hbm>>
      %dma_start3A_474 = arith.constant 0 : i32
      %dma_start3A_475 = tpu.memref_slice %arg12[%add3A_401, %dma_start3A_474] : memref<32x208xf32, #tpu.memory_space<vmem>> -> memref<1x200xf32, #tpu.memory_space<vmem>>
      %dma_start3A_476 = tpu.memref_squeeze %dma_start3A_475 : memref<1x200xf32, #tpu.memory_space<vmem>> -> memref<200xf32, #tpu.memory_space<vmem>>
      tpu.enqueue_dma source(%dma_start3A_476 : memref<200xf32, #tpu.memory_space<vmem>>) target(%dma_start3A_473 : memref<200xf32, #tpu.memory_space<hbm>>) target_semaphore(%arg17 : memref<!tpu.dma_semaphore, #tpu.memory_space<semaphore_mem>>)
    }
    %scan3A_316 = arith.constant 16 : i32
    %scan3A_317 = arith.constant 0 : i32
    %scan3A_318 = arith.constant 32 : i32
    %scan3A_319 = arith.addi %scan3A_317, %scan3A_318 : i32
    %scan3A_320 = arith.constant 1 : i32
    scf.for %scan3A_322 = %scan3A_317 to %scan3A_319 step %scan3A_320  : i32 {
      %mul3A_323 = arith.constant 1 : i32
      %mul3A_324 = arith.muli %scan3A_322, %mul3A_323 : i32
      %add3A_325 = arith.constant 0 : i32
      %add3A_326 = arith.addi %add3A_325, %mul3A_324 : i32
      %add3A_327 = arith.addi %mul3A_2, %add3A_326 : i32
      %dma_wait3A = arith.constant 0 : i32
      %dma_wait3A_328 = tpu.memref_slice %arg12[%add3A_326, %dma_wait3A] : memref<32x208xf32, #tpu.memory_space<vmem>> -> memref<1x200xf32, #tpu.memory_space<vmem>>
      %dma_wait3A_329 = tpu.memref_squeeze %dma_wait3A_328 : memref<1x200xf32, #tpu.memory_space<vmem>> -> memref<200xf32, #tpu.memory_space<vmem>>
      %dma_wait3A_330 = arith.constant 0 : i32
      %dma_wait3A_331 = tpu.memref_slice %arg6[%add3A_327, %dma_wait3A_330] : memref<1024x200xf32, #tpu.memory_space<hbm>> -> memref<1x200xf32, #tpu.memory_space<hbm>>
      %dma_wait3A_332 = tpu.memref_squeeze %dma_wait3A_331 : memref<1x200xf32, #tpu.memory_space<hbm>> -> memref<200xf32, #tpu.memory_space<hbm>>
      %dma_wait3A_333 = arith.constant 0 : i32
      %dma_wait3A_334 = tpu.memref_slice %arg6[%add3A_327, %dma_wait3A_333] : memref<1024x200xf32, #tpu.memory_space<hbm>> -> memref<1x200xf32, #tpu.memory_space<hbm>>
      %dma_wait3A_335 = tpu.memref_squeeze %dma_wait3A_334 : memref<1x200xf32, #tpu.memory_space<hbm>> -> memref<200xf32, #tpu.memory_space<hbm>>
      %dma_wait3A_336 = arith.constant 0 : i32
      %dma_wait3A_337 = tpu.memref_slice %arg12[%add3A_326, %dma_wait3A_336] : memref<32x208xf32, #tpu.memory_space<vmem>> -> memref<1x200xf32, #tpu.memory_space<vmem>>
      %dma_wait3A_338 = tpu.memref_squeeze %dma_wait3A_337 : memref<1x200xf32, #tpu.memory_space<vmem>> -> memref<200xf32, #tpu.memory_space<vmem>>
      tpu.wait_dma2 semaphore(%arg17 : memref<!tpu.dma_semaphore, #tpu.memory_space<semaphore_mem>>) src(%dma_wait3A_338 : memref<200xf32, #tpu.memory_space<vmem>>) dst(%dma_wait3A_335 : memref<200xf32, #tpu.memory_space<hbm>>)
    }
    %scan3A_321 = arith.constant 32 : i32
    return
  }
}

</mosaic_0001>

<sc_bundles>
// kernel: kernel.3.cloned.1.call-start
scs
__scs_entry_jumppad:
0x0: {  	(pc) =	sbr.rel $0x88, $3  }
0x1: {  	(tag) =	ssettag $0x0;
	lr =	simm.s32 $0x1  }
0x2: {  	[smem:$0x3F9D] =	sst lr;
	_ =	strace $0xD0000000  }
0x3: {  	_ = 	snop  }
0x4: {  	_ = 	snop  }
0x5: {  	_ = 	snop  }
0x6: {  	_ = 	snop  }
0x7: {  	_ = 	snop  }
__scs_overlays_trampoline_lowered:
0x8: {  	[smem:$0x3FAC] =	sst s0  }
0x9: {  	[smem:$0x3FAD] =	sst s1  }
0xa: {  	[smem:$0x3FAE] =	sst s2  }
0xb: {  	[smem:$0x3FAF] =	sst s3  }
0xc: {  	[smem:$0x3FB0] =	sst s4  }
0xd: {  	[smem:$0x3FB1] =	sst s5  }
0xe: {  	[smem:$0x3FB2] =	sst s6  }
0xf: {  	[smem:$0x3FB3] =	sst s7  }
0x10: {  	[smem:$0x3FB4] =	sst s8  }
0x11: {  	[smem:$0x3FB5] =	sst s9;
	s0 =	simm.s32 @!p0 $0x0  }
0x12: {  	s1 =	sld [smem:$0x3F9B];
	s0 =	simm.s32 @p0 $0x1  }
0x13: {  	[smem:$0x3FB6] =	sst s0;
	s0 =	simm.s32 @!p1 $0x0  }
0x14: {  	s2 =	sld [smem:$0x3F9A];
	s0 =	simm.s32 @p1 $0x1  }
0x15: {  	[smem:$0x3FB7] =	sst s0;
	s0 =	simm.s32 @!p2 $0x0  }
0x16: {  	s3 =	sld [smem:$0x3FDB];
	s0 =	simm.s32 @p2 $0x1  }
0x17: {  	s4 =	simm.s32 $0x1BF5;
	[smem:$0x3FB9] =	sst s0  }
0x18: {  	s0 =	sld [smem:$0x3F9C];
	_ =	swait.ge [sflag:s4], $0x0  }
0x19: {  	s7 =	sld [smem:$0x3F9D]  }
0x1a: {  	s8 =	sadd.s32 $0xFFFFE003, lr  }
0x1b: {  	s9 =	sadd.s32 $0xFFFFFEF7, lr;
	s5 =	simm.s32 $0xFFFFFFFF;
	p2 =	slt.u32 s8, $0xFFFFF086  }
0x1c: {  	p1 =	slt.u32 s9, $0xF7A;
	s5 =	simm.s32 @!p2 $0x0  }
0x1d: {  	s5 =	simm.s32 @p1 $0x1;
	p0 =	seq.s32 s7, s2  }
0x1e: {  	s7 =	smul.u32 @!p0 $0xF7A, s2;
	p2 =	seq.s32 @!p0 s5, $0x0  }
0x1f: {  	s9 =	smul.u32 $0xF7A, s1;
	s8 =	simm.s32 @!p0 $0x1BF5;
	p2 =	por !p2, p0  }
0x20: {  	[sflag:s8] =	ssyncset.s32 @!p0 $0xFFFFF086;
	s6 =	sadd.s32 @!p0 s3, s7;
	s7 =	simm.s32 @!p0 $0x108  }
0x21: {  	s3 =	sadd.s32 s3, s9;
	s6 =	sadd.s32 @!p0 $0x88, s6;
	s7 =	simm.s32 @p2 $0x1082  }
0x22: {  	[simem:s7], [sflag:s8] =	dma.local @!p0 [hbm:s6], $0xF7A  }
0x23: {  	s9 =	sor.u32 $0xD0000000, s2;
	s6 =	simm.s32 $0x108;
	_ =	swait.ge @!p0 [sflag:s8], $0x0  }
0x24: {  	s3 =	sadd.s32 $0x88, s3;
	s6 =	simm.s32 @!p1 $0x1082;
	[sflag:s4] =	ssyncset.s32 $0xFFFFF086  }
0x25: {  	[simem:s6], [sflag:s4] =	dma.local [hbm:s3], $0xF7A  }
0x26: {  	[smem:$0x3F9D] =	sst s1;
	(tag) =	ssettag s2;
	_ =	strace s9  }
0x27: {  	s1 =	sld [smem:$0x3FAD]  }
0x28: {  	s2 =	sld [smem:$0x3FAE]  }
0x29: {  	s4 =	sld [smem:$0x3FB0]  }
0x2a: {  	p0 =	seq.s32 s5, $0x0;
	s5 =	sld [smem:$0x3FB1]  }
0x2b: {  	s6 =	sld [smem:$0x3FB2]  }
0x2c: {  	s7 =	sld [smem:$0x3FB3]  }
0x2d: {  	s3 =	simm.s32 $0x108;
	s8 =	sld [smem:$0x3FB4]  }
0x2e: {  	s3 =	simm.s32 @!p0 $0x1082;
	s9 =	sld [smem:$0x3FB5]  }
0x2f: {  	lr =	sadd.s32 s0, s3;
	s0 =	sld [smem:$0x3FAC]  }
0x30: {  	s3 =	sld [smem:$0x3FAF]  }
0x31: {  	[smem:$0x3FB8] =	sst s10  }
0x32: {  	s10 =	sld [smem:$0x3FB6];
	_ =	sdelay $0x3  }
0x33: {  	p0 =	seq.s32 s10, $0x1;
	s10 =	sld [smem:$0x3FB8];
	_ =	sdelay $0x3  }
0x34: {  	[smem:$0x3FB8] =	sst s10  }
0x35: {  	s10 =	sld [smem:$0x3FB7];
	_ =	sdelay $0x3  }
0x36: {  	p1 =	seq.s32 s10, $0x1;
	s10 =	sld [smem:$0x3FB8];
	_ =	sdelay $0x3  }
0x37: {  	[smem:$0x3FB8] =	sst s10  }
0x38: {  	s10 =	sld [smem:$0x3FB9]  }
0x39: {  	_ = 	snop;
	(pc) =	sbr.ind lr, $3  }
0x3a: {  	_ = 	snop  }
0x3b: {  	_ = 	snop  }
0x3c: {  	p2 =	seq.s32 s10, $0x1;
	s10 =	sld [smem:$0x3FB8]  }
0x3d: {  	_ =	shalt  }
0x3e: {  	_ =	shalt  }
0x3f: {  	_ =	shalt  }
0x40: {  	_ =	shalt  }
0x41: {  	_ =	shalt  }
0x42: {  	_ =	shalt  }
0x43: {  	_ =	shalt  }
0x44: {  	_ =	shalt  }
0x45: {  	_ =	shalt  }
0x46: {  	_ =	shalt  }
0x47: {  	_ =	shalt  }
0x48: {  	_ =	shalt  }
0x49: {  	_ =	shalt  }
0x4a: {  	_ =	shalt  }
0x4b: {  	_ =	shalt  }
0x4c: {  	_ =	shalt  }
0x4d: {  	_ =	shalt  }
0x4e: {  	_ =	shalt  }
0x4f: {  	_ =	shalt  }
0x50: {  	_ =	shalt  }
0x51: {  	_ =	shalt  }
0x52: {  	_ =	shalt  }
0x53: {  	_ =	shalt  }
0x54: {  	_ =	shalt  }
0x55: {  	_ =	shalt  }
0x56: {  	_ =	shalt  }
0x57: {  	_ =	shalt  }
0x58: {  	_ =	shalt  }
0x59: {  	_ =	shalt  }
0x5a: {  	_ =	shalt  }
0x5b: {  	_ =	shalt  }
0x5c: {  	_ =	shalt  }
0x5d: {  	_ =	shalt  }
0x5e: {  	_ =	shalt  }
0x5f: {  	_ =	shalt  }
0x60: {  	_ =	shalt  }
0x61: {  	_ =	shalt  }
0x62: {  	_ =	shalt  }
0x63: {  	_ =	shalt  }
0x64: {  	_ =	shalt  }
0x65: {  	_ =	shalt  }
0x66: {  	_ =	shalt  }
0x67: {  	_ =	shalt  }
0x68: {  	_ =	shalt  }
0x69: {  	_ =	shalt  }
0x6a: {  	_ =	shalt  }
0x6b: {  	_ =	shalt  }
0x6c: {  	_ =	shalt  }
0x6d: {  	_ =	shalt  }
0x6e: {  	_ =	shalt  }
0x6f: {  	_ =	shalt  }
0x70: {  	_ =	shalt  }
0x71: {  	_ =	shalt  }
0x72: {  	_ =	shalt  }
0x73: {  	_ =	shalt  }
0x74: {  	_ =	shalt  }
0x75: {  	_ =	shalt  }
0x76: {  	_ =	shalt  }
0x77: {  	_ =	shalt  }
0x78: {  	_ =	shalt  }
0x79: {  	_ =	shalt  }
0x7a: {  	_ =	shalt  }
0x7b: {  	_ =	shalt  }
0x7c: {  	_ =	shalt  }
0x7d: {  	_ =	shalt  }
0x7e: {  	_ =	shalt  }
0x7f: {  	_ =	shalt  }
0x80: {  	_ =	shalt  }
0x81: {  	_ =	shalt  }
0x82: {  	_ =	shalt  }
0x83: {  	_ =	shalt  }
0x84: {  	_ =	shalt  }
0x85: {  	_ =	shalt  }
0x86: {  	_ =	shalt  }
0x87: {  	_ =	shalt  }
.Lfunc_end0:
.L_simem_size_0:
called_computation.1_lowered:
.L_overlay_start_0:
0x88: {  	s2 =	sld [smem:$0x3FD9]  }
0x89: {  	s3 =	sld [smem:$0x3FFE];
	_ =	sdelay $0x1  }
0x8a: {  	s1 =	srdreg.scid  }
0x8b: {  	s0 =	sand.u32 $0x1, s1  }
0x8c: {  	s17 =	sshll.u32 s0, $0xA;
	s2 =	sadd.s32 s3, s2  }
0x8d: {  	s2 =	sadd.s32 s2, s17  }
0x8e: {  	[smem:$0x3FC4] =	sst s2  }
0x8f: {  	_ = 	snop  }
0x90: {  	s2 =	sld [smem:$0x3FC6]  }
0x91: {  	s18 =	sld [smem:$0x3FD0];
	(tm) =	ssettm $0x1  }
0x92: {  	s4 =	sld [smem:$0x3FFB];
	_ =	sdelay $0x3  }
0x93: {  	_ =	strace s4  }
0x94: {  	s4 =	sld [smem:$0x3FFC];
	_ =	sdelay $0x3  }
0x95: {  	_ =	strace s4  }
0x96: {  	s4 =	sld [smem:$0x3FFD];
	_ =	sdelay $0x3  }
0x97: {  	_ =	strace s4  }
0x98: {  	_ =	strace $0x8FFFFFFF  }
0x99: {  	s19 =	sld [smem:$0x3FDB];
	_ =	sdelay $0x1  }
0x9a: {  	s5 =	simm.s32 $_scs_section_size  }
0x9b: {  	s6 =	simm.s32 $_size__tile_overlayer_lowered;
	s7 =	simm.s32 $_tile_overlayer_lowered  }
0x9c: {  	s22 =	simm.s32 $0x1BFF;
	s21 =	sshll.u32 s7, $0x1;
	s4 =	sadd.s32 s5, s19  }
0x9d: {  	s8 =	simm.s32 $0x0;
	s20 =	sshll.u32 s6, $0x1;
	s6 =	sadd.s32 s21, s4  }
0x9e: {  	[timem:s8], [sflag:s22] =	dma.local [hbm:s6], s20  }
0x9f: {  	_ =	swait.ge [sflag:s22], s20  }
0xa0: {  	s5 =	ssub.s32 $0x0, s20;
	[sflag:s22] =	ssyncset.done $0x0  }
0xa1: {  	[sflag:s22] =	ssyncadd.s32 s5;
	_ =	sdelay $0x1  }
0xa2: {  	s23 =	simm.s32 $0x1B8B  }
0xa3: {  	_ =	swait.ge [sflag:s23], $0x1  }
0xa4: {  	[sflag:s23] =	ssyncset.done $0x0  }
0xa5: {  	s25 =	simm.s32 $0x1B8E;
	s24 =	sld [smem:$0x3FFE];
	[sflag:s23] =	ssyncadd.s32 $0xFFFFFFFF  }
0xa6: {  	s26 =	simm.s32 $execute0_lowered;
	[smem:$0x3FD2] =	sst s25  }
0xa7: {  	s6 =	sshll.u32 s26, $0x1;
	_ =	strace $0x80000049;
	[dreg:$0x1] =	wrdreg $0xFFFFFFFF  }
0xa8: {  	s28 =	simm.s32 $_size_execute0_lowered;
	s4 =	sadd.s32 s4, s6;
	[dreg:$0x0] =	wrdreg $0x0  }
0xa9: {  	s6 =	sshll.u32 s28, $0x1;
	[dreg:$0x2] =	wrdreg s4  }
0xaa: {  	[dreg:$0x3] =	wrdreg s6  }
0xab: {  	[dreg:$0x4] =	wrdreg $0xC0  }
0xac: {  	_ =	task [dreg:s8], $0x5FFFF  }
0xad: {  	[dreg:$0x1] =	wrdreg $0xFFFFFFFF  }
0xae: {  	[dreg:$0x0] =	wrdreg $0x60  }
0xaf: {  	[dreg:$0x2] =	wrdreg s24  }
0xb0: {  	[dreg:$0x3] =	wrdreg s18  }
0xb1: {  	[dreg:$0x4] =	wrdreg s2  }
0xb2: {  	[dreg:$0x5] =	wrdreg $0x9  }
0xb3: {  	_ =	task.clear_ibuf [dreg:s8], $0x6FFFF;
	_ =	strace $0x90000049  }
0xb4: {  	s29 =	simm.s32 $0x9;
	_ =	strace $0x8000004B  }
0xb5: {  	_ =	swait.ge [sflag:s29], $0x1  }
0xb6: {  	[sflag:s29] =	ssyncadd.s32 $0xFFFFFFFF  }
0xb7: {  	_ =	strace $0x9000004B  }
0xb8: {  	_ =	sfence  }
0xb9: {  	s30 =	sld [smem:$0x0];
	_ =	sdelay $0x2  }
0xba: {  	s31 =	sshll.u32 s1, $0xD;
	s1 =	sshrl.u32 s1, $0x2  }
0xbb: {  	s3 =	sand.u32 $0x4000, s31;
	s1 =	sadd.s32 s1, s30  }
0xbc: {  	s0 =	sor.u32 s3, s0;
	s1 =	sshll.u32 s1, $0x11  }
0xbd: {  	s0 =	sor.u32 s1, s0  }
0xbe: {  	s0 =	sadd.s32 $0x8F2B, s0  }
0xbf: {  	[sflag:s0] =	ssyncadd.remote.s32 $0x1  }
0xc0: {  	_ =	sfence.sel $0xFFFF  }
0xc1: {  	[dreg:$0x0] =	wrdreg $0xFFFFFFFF;
	(pc) =	sbr.abs _section_cstart, $3  }
0xc2: {  	[dreg:$0x1] =	wrdreg $0xFFFFFFFF  }
0xc3: {  	_ =	task.clear_ibuf [dreg:s8], $0x2FFFF;
	_ =	strace $0x9FFFFFFF  }
0xc4: {  	(tm) =	ssettm $0x7FFFFFFF  }
0xc5: {  	_ =	shalt  }
tec
execute0_lowered:
.L_overlay_start_1:
0x0: {  	(tag) =	ssettag $0x1  }
0x1: {  	s0 =	rddreg [dreg:$0x0]  }
0x2: {  	s1 =	rddreg [dreg:$0x1]  }
0x3: {  	s2 =	rddreg [dreg:$0x2]  }
0x4: {  	s3 =	srdreg.scid;
	s4 =	stileid.u32  }
0x5: {  	s10 =	simm.s32 $0x4;
	s12 =	simm.s32 $0x68;
	s15 =	simm.s32 $0x60  }
0x6: {  	s24 =	simm.s32 $0xC8;
	s25 =	simm.s32 $0x8AD0;
	s28 =	simm.s32 $0x8B38  }
0x7: {  	v0 =	vlaneseq.u32;
	s29 =	simm.s32 $0x1;
	s30 =	simm.s32 $0x8900;
	s31 =	simm.s32 $0x2  }
0x8: {  	s5 =	sand.u32 $0x1, s3;
	s3 =	simm.s32 $0x0;
	s4 =	sshll.u32 s4, $0x6;
	v0 =	vmul.u32 $0x10, v0  }
0x9: {  	s6 =	sshll.u32 s5, $0x5;
	[smem:$0x7FF] =	sst s3;
	s7 =	ssub.s32 $0x2, s5  }
0xa: {  	s5 =	sadd.s32 $0xF45000, s0;
	s4 =	sor.u32 s6, s4;
	_ =	strace $0x8000004A;
	v1 =	vor.u32 $0x1, v0;
	v2 =	vor.u32 $0x2, v0;
	v3 =	vor.u32 $0x3, v0  }
0xb: {  	s26 =	sshrl.u32 s7, $0x1;
	v4 =	vor.u32 $0x4, v0;
	v5 =	vor.u32 $0x5, v0;
	v14 =	vor.u32 $0xE, v0;
	s6 =	sshll.u32 s4, $0x3;
	s9 =	smul.u32 $0x19, s4  }
0xc: {  	v6 =	vor.u32 $0x6, v0;
	v7 =	vor.u32 $0x7, v0;
	v15 =	vor.u32 $0xF, v0;
	s8 =	sadd.s32 s6, s0;
	s6 =	sadd.s32 $0xC00, s0;
	s0 =	ssub.s32 s7, s26  }
0xd: {  	v8 =	vor.u32 $0x8, v0;
	v9 =	vor.u32 $0x9, v0;
	v10 =	vor.u32 $0xA, v0;
	s26 =	simm.s32 $0x130;
	s7 =	sadd.s32 s1, s9;
	s8 =	sadd.s32 $0xF43000, s8  }
0xe: {  	v11 =	vor.u32 $0xB, v0;
	v12 =	vor.u32 $0xC, v0;
	v13 =	vor.u32 $0xD, v0;
	s9 =	smax.u32 s0, $0x1;
	s0 =	simm.s32 $0x3;
	s1 =	simm.s32 $0x0  }
.LBB2_1:
0xf: {  	[tilespmem:s3], [sflag:$0x4] =	stream.linear.gather [hbm4b:s7+s3], $0x1900, $0x38;
	[tilespmem:$0xA740] =	vst v63  }
0x10: {  	_ =	swait.ge [sflag:s10], $0x1900  }
0x11: {  	[sflag:s10] =	ssyncset.done $0x0  }
0x12: {  	s11 =	simm.s32 $0x1900;
	[sflag:s10] =	ssyncadd.s32 $0xFFFFE700  }
0x13: {  	[tilespmem:s11], [sflag:$0x4] =	stream.linear.gather [hbm4b:s8+s3], $0x800, $0x38;
	[tilespmem:$0xA740] =	vst v63  }
0x14: {  	_ =	swait.ge [sflag:s10], $0x800  }
0x15: {  	[sflag:s10] =	ssyncset.done $0x0  }
0x16: {  	[sflag:s10] =	ssyncadd.s32 $0xFFFFF800  }
0x17: {  	v16 =	vld [tilespmem:$0x0]  }
0x18: {  	v17 =	vld [tilespmem:$0x10]  }
0x19: {  	v18 =	vld [tilespmem:$0x20]  }
0x1a: {  	v19 =	vld [tilespmem:$0x30]  }
0x1b: {  	v20 =	vld [tilespmem:$0x40]  }
0x1c: {  	v21 =	vld [tilespmem:$0x50];
	v16 =	vshll.u32 v16, $0x1  }
0x1d: {  	[tilespmem:$0xA5A0] =	vst v16;
	v16 =	vshll.u32 v17, $0x1;
	v17 =	vld [tilespmem:$0x60]  }
0x1e: {  	v50 =	vld [tilespmem:$0x70];
	[tilespmem:$0xA5B0] =	vst v16;
	v16 =	vshll.u32 v18, $0x1  }
0x1f: {  	v51 =	vld [tilespmem:$0x80];
	[tilespmem:$0xA5C0] =	vst v16;
	v16 =	vshll.u32 v19, $0x1  }
0x20: {  	v52 =	vld [tilespmem:$0x90];
	[tilespmem:$0xA5D0] =	vst v16;
	v16 =	vshll.u32 v20, $0x1  }
0x21: {  	v53 =	vld [tilespmem:$0xA0];
	[tilespmem:$0xA5E0] =	vst v16;
	v16 =	vshll.u32 v21, $0x1  }
0x22: {  	[tilespmem:$0xA5F0] =	vst v16;
	v16 =	vshll.u32 v17, $0x1;
	v17 =	vld [tilespmem:$0xB0]  }
0x23: {  	v54 =	vld [tilespmem:$0xB8];
	[tilespmem:$0xA600] =	vst v16;
	v16 =	vshll.u32 v50, $0x1  }
0x24: {  	[tilespmem:$0xA610] =	vst v16;
	v16 =	vshll.u32 v51, $0x1  }
0x25: {  	[tilespmem:$0xA620] =	vst v16;
	v16 =	vshll.u32 v52, $0x1  }
0x26: {  	[tilespmem:$0xA630] =	vst v16;
	v16 =	vshll.u32 v53, $0x1  }
0x27: {  	[tilespmem:$0xA640] =	vst v16;
	v16 =	vshll.u32 v17, $0x1  }
0x28: {  	[tilespmem:$0xA650] =	vst v16;
	v16 =	vshll.u32 v54, $0x1  }
0x29: {  	s14 =	simm.s32 $0xA5A0;
	s13 =	simm.s32 $0x2100;
	[tilespmem:$0xA658] =	vst v16  }
0x2a: {  	[tilespmem:s13], [sflag:$0x1] =	stream.indirect.gather [hbm4b:s5+s12], $0x40, s14, s12, $0xb8;
	[tilespmem:$0xA740] =	vst v63  }
0x2b: {  	s16 =	simm.s32 $0xA608;
	s17 =	simm.s32 $0x3B00  }
0x2c: {  	[tilespmem:s17], [sflag:$0x1] =	stream.indirect.gather [hbm4b:s5+s15], $0x40, s16, s15, $0xb8;
	[tilespmem:$0xA740] =	vst v63  }
0x2d: {  	s18 =	simm.s32 $0x8A00  }
0x2e: {  	[tilespmem:s18], [sflag:$0x1] =	stream.indirect.gather [hbm4b:s2+s12], $0x1, s3, s12, $0xb8;
	[tilespmem:$0xA740] =	vst v63  }
0x2f: {  	s19 =	simm.s32 $0x8A68  }
0x30: {  	[tilespmem:s19], [sflag:$0x1] =	stream.indirect.gather [hbm4b:s2+s15], $0x1, s12, s15, $0xb8;
	[tilespmem:$0xA740] =	vst v63  }
0x31: {  	v16 =	vld [tilespmem:$0xC8]  }
0x32: {  	v17 =	vld [tilespmem:$0xD8]  }
0x33: {  	v55 =	vld [tilespmem:$0xE8]  }
0x34: {  	v56 =	vld [tilespmem:$0xF8]  }
0x35: {  	v57 =	vld [tilespmem:$0x108]  }
0x36: {  	v58 =	vld [tilespmem:$0x118];
	v16 =	vshll.u32 v16, $0x1  }
0x37: {  	[tilespmem:$0xA670] =	vst v16;
	v16 =	vshll.u32 v17, $0x1;
	v17 =	vld [tilespmem:$0x128]  }
0x38: {  	v59 =	vld [tilespmem:$0x138];
	[tilespmem:$0xA680] =	vst v16;
	v16 =	vshll.u32 v55, $0x1  }
0x39: {  	v60 =	vld [tilespmem:$0x148];
	[tilespmem:$0xA690] =	vst v16;
	v16 =	vshll.u32 v56, $0x1  }
0x3a: {  	v61 =	vld [tilespmem:$0x158];
	[tilespmem:$0xA6A0] =	vst v16;
	v16 =	vshll.u32 v57, $0x1  }
0x3b: {  	v62 =	vld [tilespmem:$0x168];
	[tilespmem:$0xA6B0] =	vst v16;
	v16 =	vshll.u32 v58, $0x1  }
0x3c: {  	[tilespmem:$0xA6C0] =	vst v16;
	v16 =	vshll.u32 v17, $0x1;
	v17 =	vld [tilespmem:$0x178]  }
0x3d: {  	v63 =	vld [tilespmem:$0x180];
	[tilespmem:$0xA6D0] =	vst v16;
	v16 =	vshll.u32 v59, $0x1  }
0x3e: {  	[tilespmem:$0xA6E0] =	vst v16;
	v16 =	vshll.u32 v60, $0x1  }
0x3f: {  	[tilespmem:$0xA6F0] =	vst v16;
	v16 =	vshll.u32 v61, $0x1  }
0x40: {  	[tilespmem:$0xA700] =	vst v16;
	v16 =	vshll.u32 v62, $0x1  }
0x41: {  	[tilespmem:$0xA710] =	vst v16;
	v16 =	vshll.u32 v17, $0x1  }
0x42: {  	[tilespmem:$0xA720] =	vst v16;
	v16 =	vshll.u32 v63, $0x1  }
0x43: {  	s20 =	simm.s32 $0xA670;
	s21 =	simm.s32 $0x5500;
	[tilespmem:$0xA728] =	vst v16  }
0x44: {  	[tilespmem:s21], [sflag:$0x2] =	stream.indirect.gather [hbm4b:s5+s12], $0x40, s20, s12, $0xb8;
	[tilespmem:$0xA740] =	vst v63  }
0x45: {  	s22 =	simm.s32 $0xA6D8;
	s23 =	simm.s32 $0x6F00  }
0x46: {  	[tilespmem:s23], [sflag:$0x2] =	stream.indirect.gather [hbm4b:s5+s15], $0x40, s22, s15, $0xb8;
	[tilespmem:$0xA740] =	vst v63  }
0x47: {  	_ = 	snop  }
0x48: {  	[tilespmem:s25], [sflag:$0x2] =	stream.indirect.gather [hbm4b:s2+s12], $0x1, s24, s12, $0xb8;
	[tilespmem:$0xA740] =	vst v63  }
0x49: {  	s11 =	simm.s32 $0x8BA0;
	s13 =	simm.s32 $0x8C70;
	s14 =	simm.s32 $0x0  }
0x4a: {  	[tilespmem:s28], [sflag:$0x2] =	stream.indirect.gather [hbm4b:s2+s15], $0x1, s26, s15, $0xb8;
	[tilespmem:$0xA740] =	vst v63  }
.LBB2_2:
0x4b: {  	_ =	swait.ge [sflag:s29], $0x1A00  }
0x4c: {  	[sflag:s29] =	ssyncset.done $0x0  }
0x4d: {  	[sflag:s29] =	ssyncadd.s32 $0xFFFFE600  }
0x4e: {  	_ =	swait.ge [sflag:s29], $0x1800  }
0x4f: {  	[sflag:s29] =	ssyncset.done $0x0  }
0x50: {  	[sflag:s29] =	ssyncadd.s32 $0xFFFFE800  }
0x51: {  	_ =	swait.ge [sflag:s29], $0x68  }
0x52: {  	[sflag:s29] =	ssyncset.done $0x0  }
0x53: {  	[sflag:s29] =	ssyncadd.s32 $0xFFFFFF98  }
0x54: {  	_ =	swait.ge [sflag:s29], $0x60  }
0x55: {  	s16 =	sshll.u32 s14, $0x7;
	[sflag:s29] =	ssyncset.done $0x0  }
0x56: {  	s17 =	sand.u32 $0x3FFFFF80, s16;
	[sflag:s29] =	ssyncadd.s32 $0xFFFFFFA0  }
0x57: {  	v16 =	vld [tilespmem:s17+$0x1900]  }
0x58: {  	s16 =	simm.s32 $0x2300;
	v17 =	vld [tilespmem:s17+$0x1910]  }
0x59: {  	v20 =	vld [tilespmem:s16+$0xFFFFFE00]  }
0x5a: {  	v21 =	vld [tilespmem:s16+$0xFFFFFE10]  }
0x5b: {  	v18 =	vld [tilespmem:s17+$0x1920]  }
0x5c: {  	v22 =	vld [tilespmem:s16+$0xFFFFFE20]  }
0x5d: {  	v19 =	vld [tilespmem:s17+$0x1930]  }
0x5e: {  	v23 =	vld [tilespmem:s16+$0xFFFFFE30]  }
0x5f: {  	v20 =	vmul.f32 v20, v16;
	v21 =	vmul.f32 v21, v17;
	_ =	sdelay $0x1  }
0x60: {  	v20 =	vadd.f32 v21, v20;
	v21 =	vmul.f32 v22, v18;
	_ =	sdelay $0x1  }
0x61: {  	v22 =	vmul.f32 v23, v19;
	v20 =	vadd.f32 v21, v20;
	_ =	sdelay $0x1  }
0x62: {  	v20 =	vadd.f32 v22, v20;
	_ =	sdelay $0x1  }
0x63: {  	[tilespmem:$0x8900] =	vst v20  }
0x64: {  	v20 =	vld [tilespmem:s16+$0xFFFFFE40]  }
0x65: {  	v21 =	vld [tilespmem:s16+$0xFFFFFE50];
	_ =	sdelay $0x1  }
0x66: {  	v22 =	vld [tilespmem:s16+$0xFFFFFE60];
	_ =	sdelay $0x1  }
0x67: {  	v23 =	vld [tilespmem:s16+$0xFFFFFE70]  }
0x68: {  	v20 =	vmul.f32 v20, v16;
	v21 =	vmul.f32 v21, v17;
	_ =	sdelay $0x1  }
0x69: {  	v20 =	vadd.f32 v21, v20;
	v21 =	vmul.f32 v22, v18;
	_ =	sdelay $0x1  }
0x6a: {  	v20 =	vadd.f32 v21, v20;
	v21 =	vmul.f32 v23, v19;
	_ =	sdelay $0x1  }
0x6b: {  	v20 =	vadd.f32 v21, v20;
	_ =	sdelay $0x1  }
0x6c: {  	[tilespmem:$0x8910] =	vst v20  }
0x6d: {  	v20 =	vld [tilespmem:s16+$0xFFFFFE80]  }
0x6e: {  	v21 =	vld [tilespmem:s16+$0xFFFFFE90];
	_ =	sdelay $0x1  }
0x6f: {  	v22 =	vld [tilespmem:s16+$0xFFFFFEA0];
	_ =	sdelay $0x1  }
0x70: {  	v23 =	vld [tilespmem:s16+$0xFFFFFEB0]  }
0x71: {  	v20 =	vmul.f32 v20, v16;
	v21 =	vmul.f32 v21, v17;
	_ =	sdelay $0x1  }
0x72: {  	v20 =	vadd.f32 v21, v20;
	v21 =	vmul.f32 v22, v18;
	_ =	sdelay $0x1  }
0x73: {  	v20 =	vadd.f32 v21, v20;
	v21 =	vmul.f32 v23, v19;
	_ =	sdelay $0x1  }
0x74: {  	v20 =	vadd.f32 v21, v20;
	_ =	sdelay $0x1  }
0x75: {  	[tilespmem:$0x8920] =	vst v20  }
0x76: {  	v20 =	vld [tilespmem:s16+$0xFFFFFEC0]  }
0x77: {  	v21 =	vld [tilespmem:s16+$0xFFFFFED0];
	_ =	sdelay $0x1  }
0x78: {  	v22 =	vld [tilespmem:s16+$0xFFFFFEE0];
	_ =	sdelay $0x1  }
0x79: {  	v23 =	vld [tilespmem:s16+$0xFFFFFEF0]  }
0x7a: {  	v20 =	vmul.f32 v20, v16;
	v21 =	vmul.f32 v21, v17;
	_ =	sdelay $0x1  }
0x7b: {  	v20 =	vadd.f32 v21, v20;
	v21 =	vmul.f32 v22, v18;
	_ =	sdelay $0x1  }
0x7c: {  	v20 =	vadd.f32 v21, v20;
	v21 =	vmul.f32 v23, v19;
	_ =	sdelay $0x1  }
0x7d: {  	v20 =	vadd.f32 v21, v20;
	_ =	sdelay $0x1  }
0x7e: {  	[tilespmem:$0x8930] =	vst v20  }
0x7f: {  	v20 =	vld [tilespmem:s16+$0xFFFFFF00]  }
0x80: {  	v21 =	vld [tilespmem:s16+$0xFFFFFF10];
	_ =	sdelay $0x1  }
0x81: {  	v22 =	vld [tilespmem:s16+$0xFFFFFF20];
	_ =	sdelay $0x1  }
0x82: {  	v23 =	vld [tilespmem:s16+$0xFFFFFF30]  }
0x83: {  	v20 =	vmul.f32 v20, v16;
	v21 =	vmul.f32 v21, v17;
	_ =	sdelay $0x1  }
0x84: {  	v20 =	vadd.f32 v21, v20;
	v21 =	vmul.f32 v22, v18;
	_ =	sdelay $0x1  }
0x85: {  	v20 =	vadd.f32 v21, v20;
	v21 =	vmul.f32 v23, v19;
	_ =	sdelay $0x1  }
0x86: {  	v20 =	vadd.f32 v21, v20;
	_ =	sdelay $0x1  }
0x87: {  	[tilespmem:$0x8940] =	vst v20  }
0x88: {  	v20 =	vld [tilespmem:s16+$0xFFFFFF40]  }
0x89: {  	v21 =	vld [tilespmem:s16+$0xFFFFFF50];
	_ =	sdelay $0x1  }
0x8a: {  	v22 =	vld [tilespmem:s16+$0xFFFFFF60];
	_ =	sdelay $0x1  }
0x8b: {  	v23 =	vld [tilespmem:s16+$0xFFFFFF70]  }
0x8c: {  	v20 =	vmul.f32 v20, v16;
	v21 =	vmul.f32 v21, v17;
	_ =	sdelay $0x1  }
0x8d: {  	v20 =	vadd.f32 v21, v20;
	v21 =	vmul.f32 v22, v18;
	_ =	sdelay $0x1  }
0x8e: {  	v20 =	vadd.f32 v21, v20;
	v21 =	vmul.f32 v23, v19;
	_ =	sdelay $0x1  }
0x8f: {  	v20 =	vadd.f32 v21, v20;
	_ =	sdelay $0x1  }
0x90: {  	[tilespmem:$0x8950] =	vst v20  }
0x91: {  	v20 =	vld [tilespmem:s16+$0xFFFFFF80]  }
0x92: {  	v21 =	vld [tilespmem:s16+$0xFFFFFF90];
	_ =	sdelay $0x1  }
0x93: {  	v22 =	vld [tilespmem:s16+$0xFFFFFFA0];
	_ =	sdelay $0x1  }
0x94: {  	v23 =	vld [tilespmem:s16+$0xFFFFFFB0]  }
0x95: {  	v20 =	vmul.f32 v20, v16;
	v21 =	vmul.f32 v21, v17;
	_ =	sdelay $0x1  }
0x96: {  	v20 =	vadd.f32 v21, v20;
	v21 =	vmul.f32 v22, v18;
	_ =	sdelay $0x1  }
0x97: {  	v20 =	vadd.f32 v21, v20;
	v21 =	vmul.f32 v23, v19;
	_ =	sdelay $0x1  }
0x98: {  	v20 =	vadd.f32 v21, v20;
	_ =	sdelay $0x1  }
0x99: {  	[tilespmem:$0x8960] =	vst v20  }
0x9a: {  	v20 =	vld [tilespmem:s16+$0xFFFFFFC0]  }
0x9b: {  	v21 =	vld [tilespmem:s16+$0xFFFFFFD0];
	_ =	sdelay $0x1  }
0x9c: {  	v22 =	vld [tilespmem:s16+$0xFFFFFFE0];
	_ =	sdelay $0x1  }
0x9d: {  	v23 =	vld [tilespmem:s16+$0xFFFFFFF0]  }
0x9e: {  	v20 =	vmul.f32 v20, v16;
	v21 =	vmul.f32 v21, v17;
	_ =	sdelay $0x1  }
0x9f: {  	v20 =	vadd.f32 v21, v20;
	v21 =	vmul.f32 v22, v18;
	_ =	sdelay $0x1  }
0xa0: {  	v20 =	vadd.f32 v21, v20;
	v21 =	vmul.f32 v23, v19;
	_ =	sdelay $0x1  }
0xa1: {  	v20 =	vadd.f32 v21, v20;
	_ =	sdelay $0x1  }
0xa2: {  	[tilespmem:$0x8970] =	vst v20  }
0xa3: {  	v20 =	vld [tilespmem:s16+$0x0]  }
0xa4: {  	v21 =	vld [tilespmem:s16+$0x10];
	_ =	sdelay $0x1  }
0xa5: {  	v22 =	vld [tilespmem:s16+$0x20];
	_ =	sdelay $0x1  }
0xa6: {  	v23 =	vld [tilespmem:s16+$0x30]  }
0xa7: {  	v20 =	vmul.f32 v20, v16;
	v21 =	vmul.f32 v21, v17;
	_ =	sdelay $0x1  }
0xa8: {  	v20 =	vadd.f32 v21, v20;
	v21 =	vmul.f32 v22, v18;
	_ =	sdelay $0x1  }
0xa9: {  	v20 =	vadd.f32 v21, v20;
	v21 =	vmul.f32 v23, v19;
	_ =	sdelay $0x1  }
0xaa: {  	v20 =	vadd.f32 v21, v20;
	_ =	sdelay $0x1  }
0xab: {  	[tilespmem:$0x8980] =	vst v20  }
0xac: {  	v20 =	vld [tilespmem:s16+$0x40]  }
0xad: {  	v21 =	vld [tilespmem:s16+$0x50];
	_ =	sdelay $0x1  }
0xae: {  	v22 =	vld [tilespmem:s16+$0x60];
	_ =	sdelay $0x1  }
0xaf: {  	v23 =	vld [tilespmem:s16+$0x70]  }
0xb0: {  	v20 =	vmul.f32 v20, v16;
	v21 =	vmul.f32 v21, v17;
	_ =	sdelay $0x1  }
0xb1: {  	v20 =	vadd.f32 v21, v20;
	v21 =	vmul.f32 v22, v18;
	_ =	sdelay $0x1  }
0xb2: {  	v20 =	vadd.f32 v21, v20;
	v21 =	vmul.f32 v23, v19;
	_ =	sdelay $0x1  }
0xb3: {  	v20 =	vadd.f32 v21, v20;
	_ =	sdelay $0x1  }
0xb4: {  	[tilespmem:$0x8990] =	vst v20  }
0xb5: {  	v20 =	vld [tilespmem:s16+$0x80]  }
0xb6: {  	v21 =	vld [tilespmem:s16+$0x90];
	_ =	sdelay $0x1  }
0xb7: {  	v22 =	vld [tilespmem:s16+$0xA0];
	_ =	sdelay $0x1  }
0xb8: {  	v23 =	vld [tilespmem:s16+$0xB0]  }
0xb9: {  	v20 =	vmul.f32 v20, v16;
	v21 =	vmul.f32 v21, v17;
	_ =	sdelay $0x1  }
0xba: {  	v20 =	vadd.f32 v21, v20;
	v21 =	vmul.f32 v22, v18;
	_ =	sdelay $0x1  }
0xbb: {  	v20 =	vadd.f32 v21, v20;
	v21 =	vmul.f32 v23, v19;
	_ =	sdelay $0x1  }
0xbc: {  	v20 =	vadd.f32 v21, v20;
	_ =	sdelay $0x1  }
0xbd: {  	[tilespmem:$0x89A0] =	vst v20  }
0xbe: {  	v20 =	vld [tilespmem:s16+$0xC0]  }
0xbf: {  	v21 =	vld [tilespmem:s16+$0xD0];
	_ =	sdelay $0x1  }
0xc0: {  	v22 =	vld [tilespmem:s16+$0xE0];
	_ =	sdelay $0x1  }
0xc1: {  	v23 =	vld [tilespmem:s16+$0xF0]  }
0xc2: {  	v20 =	vmul.f32 v20, v16;
	v21 =	vmul.f32 v21, v17;
	_ =	sdelay $0x1  }
0xc3: {  	v20 =	vadd.f32 v21, v20;
	v21 =	vmul.f32 v22, v18;
	_ =	sdelay $0x1  }
0xc4: {  	v20 =	vadd.f32 v21, v20;
	v21 =	vmul.f32 v23, v19;
	_ =	sdelay $0x1  }
0xc5: {  	v20 =	vadd.f32 v21, v20;
	_ =	sdelay $0x1  }
0xc6: {  	[tilespmem:$0x89B0] =	vst v20  }
0xc7: {  	v20 =	vld [tilespmem:s16+$0x100]  }
0xc8: {  	v21 =	vld [tilespmem:s16+$0x110];
	_ =	sdelay $0x1  }
0xc9: {  	v22 =	vld [tilespmem:s16+$0x120];
	_ =	sdelay $0x1  }
0xca: {  	v23 =	vld [tilespmem:s16+$0x130]  }
0xcb: {  	v20 =	vmul.f32 v20, v16;
	v21 =	vmul.f32 v21, v17;
	_ =	sdelay $0x1  }
0xcc: {  	v20 =	vadd.f32 v21, v20;
	v21 =	vmul.f32 v22, v18;
	_ =	sdelay $0x1  }
0xcd: {  	v20 =	vadd.f32 v21, v20;
	v21 =	vmul.f32 v23, v19;
	_ =	sdelay $0x1  }
0xce: {  	v20 =	vadd.f32 v21, v20;
	_ =	sdelay $0x1  }
0xcf: {  	[tilespmem:$0x89C0] =	vst v20  }
0xd0: {  	v20 =	vld [tilespmem:s16+$0x140]  }
0xd1: {  	v21 =	vld [tilespmem:s16+$0x150];
	_ =	sdelay $0x1  }
0xd2: {  	v22 =	vld [tilespmem:s16+$0x160];
	_ =	sdelay $0x1  }
0xd3: {  	v23 =	vld [tilespmem:s16+$0x170]  }
0xd4: {  	v20 =	vmul.f32 v20, v16;
	v21 =	vmul.f32 v21, v17;
	_ =	sdelay $0x1  }
0xd5: {  	v20 =	vadd.f32 v21, v20;
	v21 =	vmul.f32 v22, v18;
	_ =	sdelay $0x1  }
0xd6: {  	v20 =	vadd.f32 v21, v20;
	v21 =	vmul.f32 v23, v19;
	_ =	sdelay $0x1  }
0xd7: {  	v20 =	vadd.f32 v21, v20;
	_ =	sdelay $0x1  }
0xd8: {  	[tilespmem:$0x89D0] =	vst v20  }
0xd9: {  	v20 =	vld [tilespmem:s16+$0x180]  }
0xda: {  	v21 =	vld [tilespmem:s16+$0x190];
	_ =	sdelay $0x1  }
0xdb: {  	v22 =	vld [tilespmem:s16+$0x1A0];
	_ =	sdelay $0x1  }
0xdc: {  	v23 =	vld [tilespmem:s16+$0x1B0]  }
0xdd: {  	v20 =	vmul.f32 v20, v16;
	v21 =	vmul.f32 v21, v17;
	_ =	sdelay $0x1  }
0xde: {  	v20 =	vadd.f32 v21, v20;
	v21 =	vmul.f32 v22, v18;
	_ =	sdelay $0x1  }
0xdf: {  	v20 =	vadd.f32 v21, v20;
	v21 =	vmul.f32 v23, v19;
	_ =	sdelay $0x1  }
0xe0: {  	v20 =	vadd.f32 v21, v20;
	_ =	sdelay $0x1  }
0xe1: {  	[tilespmem:$0x89E0] =	vst v20  }
0xe2: {  	v20 =	vld [tilespmem:s16+$0x1D0]  }
0xe3: {  	v21 =	vld [tilespmem:s16+$0x1C0];
	_ =	sdelay $0x1  }
0xe4: {  	v22 =	vld [tilespmem:s16+$0x1E0];
	_ =	sdelay $0x1  }
0xe5: {  	v23 =	vld [tilespmem:s16+$0x1F0]  }
0xe6: {  	v20 =	vmul.f32 v20, v17;
	v21 =	vmul.f32 v21, v16;
	_ =	sdelay $0x1  }
0xe7: {  	v20 =	vadd.f32 v20, v21;
	v21 =	vmul.f32 v22, v18;
	_ =	sdelay $0x1  }
0xe8: {  	v20 =	vadd.f32 v21, v20;
	v21 =	vmul.f32 v23, v19;
	_ =	sdelay $0x1  }
0xe9: {  	v20 =	vadd.f32 v21, v20;
	_ =	sdelay $0x1  }
0xea: {  	[tilespmem:$0x89F0] =	vst v20  }
0xeb: {  	v20 =	vld.idx.msk [tilespmem:v1+s30+$0x0], $0xffff  }
0xec: {  	v22 =	vld.idx.msk [tilespmem:v0+s30+$0x0], $0xffff  }
0xed: {  	v24 =	vld.idx.msk [tilespmem:v2+s30+$0x0], $0xffff  }
0xee: {  	v26 =	vld.idx.msk [tilespmem:v3+s30+$0x0], $0xffff  }
0xef: {  	v28 =	vld.idx.msk [tilespmem:v4+s30+$0x0], $0xffff  }
0xf0: {  	v29 =	vld.idx.msk [tilespmem:v5+s30+$0x0], $0xffff  }
0xf1: {  	v21 =	vld.idx.msk [tilespmem:v6+s30+$0x0], $0xffff  }
0xf2: {  	v23 =	vld.idx.msk [tilespmem:v7+s30+$0x0], $0xffff;
	v20 =	vadd.f32 v20, v22  }
0xf3: {  	v25 =	vld.idx.msk [tilespmem:v10+s30+$0x0], $0xffff  }
0xf4: {  	v27 =	vld.idx.msk [tilespmem:v11+s30+$0x0], $0xffff;
	v20 =	vadd.f32 v24, v20  }
0xf5: {  	s23 =	smul.u32 $0x680, s14;
	v22 =	vld.idx.msk [tilespmem:v8+s30+$0x0], $0xffff  }
0xf6: {  	v24 =	vld.idx.msk [tilespmem:v9+s30+$0x0], $0xffff;
	v30 =	vadd.f32 v26, v20  }
0xf7: {  	s17 =	sshra.s32 s23, $0x2;
	v26 =	vld.idx.msk [tilespmem:v12+s30+$0x0], $0xffff  }
0xf8: {  	s18 =	simm.s32 $0x0;
	s19 =	simm.s32 $0x40;
	s17 =	sadd.s32 $0x8BA0, s17;
	v20 =	vmov s11;
	v30 =	vadd.f32 v28, v30;
	v28 =	vld.idx.msk [tilespmem:v13+s30+$0x0], $0xffff  }
.LBB2_3:
0xf9: {  	p0 =	sne.s32 s19, $0x300  }
0xfa: {  	v31 =	vld.idx.msk [tilespmem:v14+s30+$0x0], $0xffff;
	s16 =	sadd.s32 $0x400, s16;
	s20 =	smov.u32 s19;
	s19 =	sadd.s32 $0x40, s19  }
0xfb: {  	s21 =	sshra.s32 s18, $0x2;
	v29 =	vadd.f32 v29, v30;
	v30 =	vld.idx.msk [tilespmem:v15+s30+$0x0], $0xffff;
	s18 =	smov.u32 s20  }
0xfc: {  	v32 =	vld [tilespmem:s21+$0x8A00]  }
0xfd: {  	v21 =	vadd.f32 v21, v29;
	_ =	sdelay $0x1  }
0xfe: {  	v21 =	vadd.f32 v23, v21;
	_ =	sdelay $0x1  }
0xff: {  	v21 =	vadd.f32 v22, v21;
	_ =	sdelay $0x1  }
0x100: {  	v21 =	vadd.f32 v24, v21;
	_ =	sdelay $0x1  }
0x101: {  	v21 =	vadd.f32 v25, v21;
	_ =	sdelay $0x1  }
0x102: {  	v21 =	vadd.f32 v27, v21;
	_ =	sdelay $0x1  }
0x103: {  	v21 =	vadd.f32 v26, v21;
	_ =	sdelay $0x1  }
0x104: {  	v21 =	vadd.f32 v28, v21;
	_ =	sdelay $0x1  }
0x105: {  	v21 =	vadd.f32 v31, v21;
	_ =	sdelay $0x1  }
0x106: {  	v21 =	vadd.f32 v30, v21;
	_ =	sdelay $0x1  }
0x107: {  	v21 =	vadd.f32 v32, v21;
	_ =	sdelay $0x1  }
0x108: {  	[tilespmem:v20+s21+$0x0 ss:$0x1] =	vst.idx.msk $0xffff, v21  }
0x109: {  	v21 =	vld [tilespmem:s16+$0xFFFFFE00]  }
0x10a: {  	v22 =	vld [tilespmem:s16+$0xFFFFFE10]  }
0x10b: {  	v23 =	vld [tilespmem:s16+$0xFFFFFE20]  }
0x10c: {  	v24 =	vld [tilespmem:s16+$0xFFFFFE30];
	_ =	sdelay $0x1  }
0x10d: {  	v21 =	vmul.f32 v21, v16  }
0x10e: {  	v22 =	vmul.f32 v22, v17;
	_ =	sdelay $0x1  }
0x10f: {  	v21 =	vadd.f32 v22, v21;
	v22 =	vmul.f32 v23, v18;
	v23 =	vmul.f32 v24, v19;
	_ =	sdelay $0x1  }
0x110: {  	v21 =	vadd.f32 v22, v21;
	_ =	sdelay $0x1  }
0x111: {  	v21 =	vadd.f32 v23, v21;
	_ =	sdelay $0x1  }
0x112: {  	[tilespmem:$0x8900] =	vst v21  }
0x113: {  	v21 =	vld [tilespmem:s16+$0xFFFFFE40]  }
0x114: {  	v22 =	vld [tilespmem:s16+$0xFFFFFE50];
	_ =	sdelay $0x1  }
0x115: {  	v23 =	vld [tilespmem:s16+$0xFFFFFE60];
	_ =	sdelay $0x1  }
0x116: {  	v24 =	vld [tilespmem:s16+$0xFFFFFE70]  }
0x117: {  	v21 =	vmul.f32 v21, v16;
	v22 =	vmul.f32 v22, v17;
	_ =	sdelay $0x1  }
0x118: {  	v21 =	vadd.f32 v22, v21;
	v22 =	vmul.f32 v23, v18;
	_ =	sdelay $0x1  }
0x119: {  	v21 =	vadd.f32 v22, v21;
	v22 =	vmul.f32 v24, v19;
	_ =	sdelay $0x1  }
0x11a: {  	v21 =	vadd.f32 v22, v21;
	_ =	sdelay $0x1  }
0x11b: {  	[tilespmem:$0x8910] =	vst v21  }
0x11c: {  	v21 =	vld [tilespmem:s16+$0xFFFFFE80]  }
0x11d: {  	v22 =	vld [tilespmem:s16+$0xFFFFFE90];
	_ =	sdelay $0x1  }
0x11e: {  	v23 =	vld [tilespmem:s16+$0xFFFFFEA0];
	_ =	sdelay $0x1  }
0x11f: {  	v21 =	vmul.f32 v21, v16;
	v24 =	vld [tilespmem:s16+$0xFFFFFEB0]  }
0x120: {  	v22 =	vmul.f32 v22, v17;
	_ =	sdelay $0x1  }
0x121: {  	v21 =	vadd.f32 v22, v21;
	v22 =	vmul.f32 v23, v18;
	_ =	sdelay $0x1  }
0x122: {  	v21 =	vadd.f32 v22, v21;
	v22 =	vmul.f32 v24, v19;
	_ =	sdelay $0x1  }
0x123: {  	v21 =	vadd.f32 v22, v21;
	_ =	sdelay $0x1  }
0x124: {  	[tilespmem:$0x8920] =	vst v21  }
0x125: {  	v21 =	vld [tilespmem:s16+$0xFFFFFEC0]  }
0x126: {  	v22 =	vld [tilespmem:s16+$0xFFFFFED0];
	_ =	sdelay $0x1  }
0x127: {  	v23 =	vld [tilespmem:s16+$0xFFFFFEE0];
	_ =	sdelay $0x1  }
0x128: {  	v24 =	vld [tilespmem:s16+$0xFFFFFEF0]  }
0x129: {  	v21 =	vmul.f32 v21, v16;
	v22 =	vmul.f32 v22, v17;
	_ =	sdelay $0x1  }
0x12a: {  	v21 =	vadd.f32 v22, v21;
	v22 =	vmul.f32 v23, v18;
	_ =	sdelay $0x1  }
0x12b: {  	v21 =	vadd.f32 v22, v21;
	v22 =	vmul.f32 v24, v19;
	_ =	sdelay $0x1  }
0x12c: {  	v21 =	vadd.f32 v22, v21;
	_ =	sdelay $0x1  }
0x12d: {  	[tilespmem:$0x8930] =	vst v21  }
0x12e: {  	v21 =	vld [tilespmem:s16+$0xFFFFFF00]  }
0x12f: {  	v22 =	vld [tilespmem:s16+$0xFFFFFF10]  }
0x130: {  	v23 =	vld [tilespmem:s16+$0xFFFFFF20]  }
0x131: {  	v24 =	vld [tilespmem:s16+$0xFFFFFF30];
	_ =	sdelay $0x1  }
0x132: {  	v21 =	vmul.f32 v21, v16  }
0x133: {  	v22 =	vmul.f32 v22, v17;
	_ =	sdelay $0x1  }
0x134: {  	v21 =	vadd.f32 v22, v21;
	v22 =	vmul.f32 v23, v18;
	_ =	sdelay $0x1  }
0x135: {  	v21 =	vadd.f32 v22, v21;
	v22 =	vmul.f32 v24, v19;
	_ =	sdelay $0x1  }
0x136: {  	v21 =	vadd.f32 v22, v21;
	_ =	sdelay $0x1  }
0x137: {  	[tilespmem:$0x8940] =	vst v21  }
0x138: {  	v21 =	vld [tilespmem:s16+$0xFFFFFF40]  }
0x139: {  	v22 =	vld [tilespmem:s16+$0xFFFFFF50]  }
0x13a: {  	v23 =	vld [tilespmem:s16+$0xFFFFFF60]  }
0x13b: {  	v24 =	vld [tilespmem:s16+$0xFFFFFF70];
	_ =	sdelay $0x1  }
0x13c: {  	v21 =	vmul.f32 v21, v16  }
0x13d: {  	v22 =	vmul.f32 v22, v17;
	_ =	sdelay $0x1  }
0x13e: {  	v21 =	vadd.f32 v22, v21;
	v22 =	vmul.f32 v23, v18;
	_ =	sdelay $0x1  }
0x13f: {  	v21 =	vadd.f32 v22, v21;
	v22 =	vmul.f32 v24, v19;
	_ =	sdelay $0x1  }
0x140: {  	v21 =	vadd.f32 v22, v21;
	_ =	sdelay $0x1  }
0x141: {  	[tilespmem:$0x8950] =	vst v21  }
0x142: {  	v21 =	vld [tilespmem:s16+$0xFFFFFF80]  }
0x143: {  	v22 =	vld [tilespmem:s16+$0xFFFFFF90]  }
0x144: {  	v23 =	vld [tilespmem:s16+$0xFFFFFFA0]  }
0x145: {  	v24 =	vld [tilespmem:s16+$0xFFFFFFB0];
	_ =	sdelay $0x1  }
0x146: {  	v21 =	vmul.f32 v21, v16  }
0x147: {  	v22 =	vmul.f32 v22, v17;
	_ =	sdelay $0x1  }
0x148: {  	v21 =	vadd.f32 v22, v21;
	v22 =	vmul.f32 v23, v18;
	_ =	sdelay $0x1  }
0x149: {  	v21 =	vadd.f32 v22, v21;
	v22 =	vmul.f32 v24, v19;
	_ =	sdelay $0x1  }
0x14a: {  	v21 =	vadd.f32 v22, v21;
	_ =	sdelay $0x1  }
0x14b: {  	[tilespmem:$0x8960] =	vst v21  }
0x14c: {  	v21 =	vld [tilespmem:s16+$0xFFFFFFC0]  }
0x14d: {  	v22 =	vld [tilespmem:s16+$0xFFFFFFD0]  }
0x14e: {  	v23 =	vld [tilespmem:s16+$0xFFFFFFE0]  }
0x14f: {  	v24 =	vld [tilespmem:s16+$0xFFFFFFF0];
	_ =	sdelay $0x2  }
0x150: {  	v21 =	vmul.f32 v21, v16;
	v22 =	vmul.f32 v22, v17;
	_ =	sdelay $0x1  }
0x151: {  	v21 =	vadd.f32 v22, v21;
	v22 =	vmul.f32 v23, v18;
	_ =	sdelay $0x1  }
0x152: {  	v21 =	vadd.f32 v22, v21;
	v22 =	vmul.f32 v24, v19;
	_ =	sdelay $0x1  }
0x153: {  	v21 =	vadd.f32 v22, v21;
	_ =	sdelay $0x1  }
0x154: {  	[tilespmem:$0x8970] =	vst v21  }
0x155: {  	v21 =	vld [tilespmem:s16+$0x0]  }
0x156: {  	v22 =	vld [tilespmem:s16+$0x10]  }
0x157: {  	v23 =	vld [tilespmem:s16+$0x20]  }
0x158: {  	v24 =	vld [tilespmem:s16+$0x30];
	_ =	sdelay $0x1  }
0x159: {  	v21 =	vmul.f32 v21, v16  }
0x15a: {  	v22 =	vmul.f32 v22, v17;
	_ =	sdelay $0x1  }
0x15b: {  	v21 =	vadd.f32 v22, v21;
	v22 =	vmul.f32 v23, v18;
	_ =	sdelay $0x1  }
0x15c: {  	v21 =	vadd.f32 v22, v21;
	v22 =	vmul.f32 v24, v19;
	_ =	sdelay $0x1  }
0x15d: {  	v21 =	vadd.f32 v22, v21;
	_ =	sdelay $0x1  }
0x15e: {  	[tilespmem:$0x8980] =	vst v21  }
0x15f: {  	v21 =	vld [tilespmem:s16+$0x40]  }
0x160: {  	v22 =	vld [tilespmem:s16+$0x50]  }
0x161: {  	v23 =	vld [tilespmem:s16+$0x60]  }
0x162: {  	v24 =	vld [tilespmem:s16+$0x70];
	_ =	sdelay $0x2  }
0x163: {  	v21 =	vmul.f32 v21, v16;
	v22 =	vmul.f32 v22, v17;
	_ =	sdelay $0x1  }
0x164: {  	v21 =	vadd.f32 v22, v21;
	v22 =	vmul.f32 v23, v18;
	_ =	sdelay $0x1  }
0x165: {  	v21 =	vadd.f32 v22, v21;
	v22 =	vmul.f32 v24, v19;
	_ =	sdelay $0x1  }
0x166: {  	v21 =	vadd.f32 v22, v21;
	_ =	sdelay $0x1  }
0x167: {  	[tilespmem:$0x8990] =	vst v21  }
0x168: {  	v21 =	vld [tilespmem:s16+$0x80]  }
0x169: {  	v22 =	vld [tilespmem:s16+$0x90]  }
0x16a: {  	v23 =	vld [tilespmem:s16+$0xA0]  }
0x16b: {  	v24 =	vld [tilespmem:s16+$0xB0];
	_ =	sdelay $0x2  }
0x16c: {  	v21 =	vmul.f32 v21, v16;
	v22 =	vmul.f32 v22, v17;
	_ =	sdelay $0x1  }
0x16d: {  	v21 =	vadd.f32 v22, v21;
	v22 =	vmul.f32 v23, v18;
	_ =	sdelay $0x1  }
0x16e: {  	v21 =	vadd.f32 v22, v21;
	v22 =	vmul.f32 v24, v19;
	_ =	sdelay $0x1  }
0x16f: {  	v21 =	vadd.f32 v22, v21;
	_ =	sdelay $0x1  }
0x170: {  	[tilespmem:$0x89A0] =	vst v21  }
0x171: {  	v21 =	vld [tilespmem:s16+$0xC0]  }
0x172: {  	v22 =	vld [tilespmem:s16+$0xD0]  }
0x173: {  	v23 =	vld [tilespmem:s16+$0xE0]  }
0x174: {  	v24 =	vld [tilespmem:s16+$0xF0];
	_ =	sdelay $0x1  }
0x175: {  	v21 =	vmul.f32 v21, v16  }
0x176: {  	v22 =	vmul.f32 v22, v17;
	_ =	sdelay $0x1  }
0x177: {  	v21 =	vadd.f32 v22, v21;
	v22 =	vmul.f32 v23, v18;
	_ =	sdelay $0x1  }
0x178: {  	v21 =	vadd.f32 v22, v21;
	v22 =	vmul.f32 v24, v19;
	_ =	sdelay $0x1  }
0x179: {  	v21 =	vadd.f32 v22, v21;
	_ =	sdelay $0x1  }
0x17a: {  	[tilespmem:$0x89B0] =	vst v21  }
0x17b: {  	v21 =	vld [tilespmem:s16+$0x100]  }
0x17c: {  	v22 =	vld [tilespmem:s16+$0x110]  }
0x17d: {  	v23 =	vld [tilespmem:s16+$0x120]  }
0x17e: {  	v24 =	vld [tilespmem:s16+$0x130];
	_ =	sdelay $0x2  }
0x17f: {  	v21 =	vmul.f32 v21, v16;
	v22 =	vmul.f32 v22, v17;
	_ =	sdelay $0x1  }
0x180: {  	v21 =	vadd.f32 v22, v21;
	v22 =	vmul.f32 v23, v18;
	_ =	sdelay $0x1  }
0x181: {  	v21 =	vadd.f32 v22, v21;
	v22 =	vmul.f32 v24, v19;
	_ =	sdelay $0x1  }
0x182: {  	v21 =	vadd.f32 v22, v21;
	_ =	sdelay $0x1  }
0x183: {  	[tilespmem:$0x89C0] =	vst v21  }
0x184: {  	v21 =	vld [tilespmem:s16+$0x140]  }
0x185: {  	v22 =	vld [tilespmem:s16+$0x150]  }
0x186: {  	v23 =	vld [tilespmem:s16+$0x160]  }
0x187: {  	v24 =	vld [tilespmem:s16+$0x170];
	_ =	sdelay $0x2  }
0x188: {  	v21 =	vmul.f32 v21, v16;
	v22 =	vmul.f32 v22, v17;
	_ =	sdelay $0x1  }
0x189: {  	v21 =	vadd.f32 v22, v21;
	v22 =	vmul.f32 v23, v18;
	_ =	sdelay $0x1  }
0x18a: {  	v21 =	vadd.f32 v22, v21;
	v22 =	vmul.f32 v24, v19;
	_ =	sdelay $0x1  }
0x18b: {  	v21 =	vadd.f32 v22, v21;
	_ =	sdelay $0x1  }
0x18c: {  	[tilespmem:$0x89D0] =	vst v21  }
0x18d: {  	v21 =	vld [tilespmem:s16+$0x180]  }
0x18e: {  	v22 =	vld [tilespmem:s16+$0x190]  }
0x18f: {  	v23 =	vld [tilespmem:s16+$0x1A0]  }
0x190: {  	v24 =	vld [tilespmem:s16+$0x1B0];
	_ =	sdelay $0x1  }
0x191: {  	v21 =	vmul.f32 v21, v16  }
0x192: {  	v22 =	vmul.f32 v22, v17;
	_ =	sdelay $0x1  }
0x193: {  	v21 =	vadd.f32 v22, v21;
	v22 =	vmul.f32 v23, v18;
	_ =	sdelay $0x1  }
0x194: {  	v21 =	vadd.f32 v22, v21;
	v22 =	vmul.f32 v24, v19;
	_ =	sdelay $0x1  }
0x195: {  	v21 =	vadd.f32 v22, v21;
	_ =	sdelay $0x1  }
0x196: {  	[tilespmem:$0x89E0] =	vst v21  }
0x197: {  	v21 =	vld [tilespmem:s16+$0x1D0]  }
0x198: {  	v22 =	vld [tilespmem:s16+$0x1C0]  }
0x199: {  	v23 =	vld [tilespmem:s16+$0x1E0]  }
0x19a: {  	v24 =	vld [tilespmem:s16+$0x1F0];
	_ =	sdelay $0x1  }
0x19b: {  	v21 =	vmul.f32 v21, v17  }
0x19c: {  	v22 =	vmul.f32 v22, v16;
	_ =	sdelay $0x1  }
0x19d: {  	v21 =	vadd.f32 v21, v22;
	v22 =	vmul.f32 v23, v18;
	_ =	sdelay $0x1  }
0x19e: {  	v21 =	vadd.f32 v22, v21;
	v22 =	vmul.f32 v24, v19;
	_ =	sdelay $0x1  }
0x19f: {  	v21 =	vadd.f32 v22, v21;
	_ =	sdelay $0x1  }
0x1a0: {  	[tilespmem:$0x89F0] =	vst v21  }
0x1a1: {  	v22 =	vld.idx.msk [tilespmem:v1+s30+$0x0], $0xffff  }
0x1a2: {  	v23 =	vld.idx.msk [tilespmem:v0+s30+$0x0], $0xffff  }
0x1a3: {  	v24 =	vld.idx.msk [tilespmem:v2+s30+$0x0], $0xffff  }
0x1a4: {  	v26 =	vld.idx.msk [tilespmem:v3+s30+$0x0], $0xffff  }
0x1a5: {  	v28 =	vld.idx.msk [tilespmem:v4+s30+$0x0], $0xffff  }
0x1a6: {  	v29 =	vld.idx.msk [tilespmem:v5+s30+$0x0], $0xffff  }
0x1a7: {  	v21 =	vld.idx.msk [tilespmem:v6+s30+$0x0], $0xffff  }
0x1a8: {  	v25 =	vadd.f32 v22, v23;
	v23 =	vld.idx.msk [tilespmem:v7+s30+$0x0], $0xffff  }
0x1a9: {  	v22 =	vld.idx.msk [tilespmem:v8+s30+$0x0], $0xffff  }
.Ltmp0:
0x1aa: {  	v27 =	vadd.f32 v24, v25;
	v24 =	vld.idx.msk [tilespmem:v9+s30+$0x0], $0xffff;
	(pc) =	sbr.rel @p0 .LBB2_3-.Ltmp0, $4  }
0x1ab: {  	v25 =	vld.idx.msk [tilespmem:v10+s30+$0x0], $0xffff  }
0x1ac: {  	v30 =	vadd.f32 v26, v27;
	v27 =	vld.idx.msk [tilespmem:v11+s30+$0x0], $0xffff  }
0x1ad: {  	v26 =	vld.idx.msk [tilespmem:v12+s30+$0x0], $0xffff  }
0x1ae: {  	v30 =	vadd.f32 v28, v30;
	v28 =	vld.idx.msk [tilespmem:v13+s30+$0x0], $0xffff  }
0x1af: {  	_ = 	snop  }
0x1b0: {  	v16 =	vadd.f32 v29, v30;
	_ =	sdelay $0x1  }
0x1b1: {  	v16 =	vadd.f32 v21, v16;
	_ =	sdelay $0x1  }
0x1b2: {  	v16 =	vadd.f32 v23, v16;
	_ =	sdelay $0x1  }
0x1b3: {  	v16 =	vadd.f32 v22, v16;
	_ =	sdelay $0x1  }
0x1b4: {  	v16 =	vadd.f32 v24, v16;
	_ =	sdelay $0x1  }
0x1b5: {  	v16 =	vadd.f32 v25, v16;
	_ =	sdelay $0x1  }
0x1b6: {  	v16 =	vadd.f32 v27, v16  }
0x1b7: {  	v17 =	vld.idx.msk [tilespmem:v14+s30+$0x0], $0xffff  }
0x1b8: {  	v16 =	vadd.f32 v26, v16  }
0x1b9: {  	v18 =	vld.idx.msk [tilespmem:v15+s30+$0x0], $0xffff  }
0x1ba: {  	s16 =	sshra.s32 s18, $0x2;
	v16 =	vadd.f32 v28, v16  }
0x1bb: {  	v19 =	vld [tilespmem:s16+$0x8A00]  }
0x1bc: {  	v16 =	vadd.f32 v17, v16;
	_ =	sdelay $0x1  }
0x1bd: {  	v16 =	vadd.f32 v18, v16  }
0x1be: {  	p0 =	seq.s32 s14, $0xF  }
0x1bf: {  	s18 =	smul.u32 @!p0 $0x640, s14;
	v16 =	vadd.f32 v19, v16;
	_ =	sdelay $0x1  }
0x1c0: {  	[tilespmem:v20+s16+$0x0 ss:$0x1] =	vst.idx.msk $0xffff, v16;
	s16 =	sshra.s32 @!p0 s18, $0x2  }
0x1c1: {  	v16 =	vld @!p0 [tilespmem:s16+$0x190];
	_ =	sdelay $0x4  }
0x1c2: {  	v16 =	vshll.u32 @!p0 v16, $0x1  }
0x1c3: {  	[tilespmem:$0xA5A0] =	vst @!p0 v16  }
0x1c4: {  	v16 =	vld @!p0 [tilespmem:s16+$0x1A0];
	_ =	sdelay $0x4  }
0x1c5: {  	v16 =	vshll.u32 @!p0 v16, $0x1  }
0x1c6: {  	[tilespmem:$0xA5B0] =	vst @!p0 v16  }
0x1c7: {  	v16 =	vld @!p0 [tilespmem:s16+$0x1B0];
	_ =	sdelay $0x4  }
0x1c8: {  	v16 =	vshll.u32 @!p0 v16, $0x1  }
0x1c9: {  	[tilespmem:$0xA5C0] =	vst @!p0 v16  }
0x1ca: {  	v16 =	vld @!p0 [tilespmem:s16+$0x1C0];
	_ =	sdelay $0x4  }
0x1cb: {  	v16 =	vshll.u32 @!p0 v16, $0x1  }
0x1cc: {  	[tilespmem:$0xA5D0] =	vst @!p0 v16  }
0x1cd: {  	v16 =	vld @!p0 [tilespmem:s16+$0x1D0];
	_ =	sdelay $0x4  }
0x1ce: {  	v16 =	vshll.u32 @!p0 v16, $0x1  }
0x1cf: {  	[tilespmem:$0xA5E0] =	vst @!p0 v16  }
0x1d0: {  	v16 =	vld @!p0 [tilespmem:s16+$0x1E0];
	_ =	sdelay $0x4  }
0x1d1: {  	v16 =	vshll.u32 @!p0 v16, $0x1  }
0x1d2: {  	[tilespmem:$0xA5F0] =	vst @!p0 v16  }
0x1d3: {  	v16 =	vld @!p0 [tilespmem:s16+$0x1F0];
	_ =	sdelay $0x4  }
0x1d4: {  	v16 =	vshll.u32 @!p0 v16, $0x1  }
0x1d5: {  	[tilespmem:$0xA600] =	vst @!p0 v16  }
0x1d6: {  	v16 =	vld @!p0 [tilespmem:s16+$0x200];
	_ =	sdelay $0x4  }
0x1d7: {  	v16 =	vshll.u32 @!p0 v16, $0x1  }
0x1d8: {  	[tilespmem:$0xA610] =	vst @!p0 v16  }
0x1d9: {  	v16 =	vld @!p0 [tilespmem:s16+$0x210];
	_ =	sdelay $0x4  }
0x1da: {  	v16 =	vshll.u32 @!p0 v16, $0x1  }
0x1db: {  	[tilespmem:$0xA620] =	vst @!p0 v16  }
0x1dc: {  	v16 =	vld @!p0 [tilespmem:s16+$0x220];
	_ =	sdelay $0x4  }
0x1dd: {  	v16 =	vshll.u32 @!p0 v16, $0x1  }
0x1de: {  	[tilespmem:$0xA630] =	vst @!p0 v16  }
0x1df: {  	v16 =	vld @!p0 [tilespmem:s16+$0x230];
	_ =	sdelay $0x4  }
0x1e0: {  	v16 =	vshll.u32 @!p0 v16, $0x1  }
0x1e1: {  	[tilespmem:$0xA640] =	vst @!p0 v16  }
0x1e2: {  	v16 =	vld @!p0 [tilespmem:s16+$0x240];
	_ =	sdelay $0x4  }
0x1e3: {  	v16 =	vshll.u32 @!p0 v16, $0x1  }
0x1e4: {  	[tilespmem:$0xA650] =	vst @!p0 v16  }
0x1e5: {  	v16 =	vld @!p0 [tilespmem:s16+$0x248];
	_ =	sdelay $0x4  }
0x1e6: {  	v16 =	vshll.u32 @!p0 v16, $0x1  }
0x1e7: {  	s19 =	simm.s32 @!p0 $0xA5A0;
	s20 =	simm.s32 @!p0 $0x2100;
	s18 =	simm.s32 @!p0 $0x68;
	[tilespmem:$0xA658] =	vst @!p0 v16  }
0x1e8: {  	[tilespmem:s20], [sflag:$0x1] =	stream.indirect.gather @!p0 [hbm4b:s5+s18], $0x40, s19, s18, $0xb8;
	[tilespmem:$0xA740] =	vst v63  }
0x1e9: {  	s21 =	simm.s32 @!p0 $0x3B00;
	s19 =	simm.s32 @!p0 $0x60;
	s20 =	simm.s32 @!p0 $0xA608  }
0x1ea: {  	[tilespmem:s21], [sflag:$0x1] =	stream.indirect.gather @!p0 [hbm4b:s5+s19], $0x40, s20, s19, $0xb8;
	[tilespmem:$0xA740] =	vst v63  }
0x1eb: {  	s20 =	sshll.u32 s14, $0x1  }
0x1ec: {  	s22 =	simm.s32 @!p0 $0x8A00;
	s21 =	sadd.s32 @!p0 $0x190, s16;
	s23 =	sadd.s32 s4, s20  }
0x1ed: {  	[tilespmem:s22], [sflag:$0x1] =	stream.indirect.gather @!p0 [hbm4b:s2+s18], $0x1, s21, s18, $0xb8;
	[tilespmem:$0xA740] =	vst v63  }
0x1ee: {  	s21 =	sadd.s32 @!p0 $0x1F8, s16;
	s22 =	simm.s32 @!p0 $0x8A68;
	s18 =	smul.u32 $0x19, s23  }
0x1ef: {  	[tilespmem:s22], [sflag:$0x1] =	stream.indirect.gather @!p0 [hbm4b:s2+s19], $0x1, s21, s19, $0xb8;
	[tilespmem:$0xA740] =	vst v63  }
0x1f0: {  	s23 =	sadd.s32 s6, s18;
	s18 =	simm.s32 $0x0  }
0x1f1: {  	[hbm4b:s23+s18] =	stream.linear.scatter [tilespmem:s17], [sflag:$0x3], $0xC8, $0x38;
	[tilespmem:$0xA740] =	vst v63  }
0x1f2: {  	_ =	swait.ge [sflag:s31], $0x1A00  }
0x1f3: {  	[sflag:s31] =	ssyncset.done $0x0  }
0x1f4: {  	[sflag:s31] =	ssyncadd.s32 $0xFFFFE600  }
0x1f5: {  	_ =	swait.ge [sflag:s31], $0x1800  }
0x1f6: {  	[sflag:s31] =	ssyncset.done $0x0  }
0x1f7: {  	[sflag:s31] =	ssyncadd.s32 $0xFFFFE800  }
0x1f8: {  	_ =	swait.ge [sflag:s31], $0x68  }
0x1f9: {  	[sflag:s31] =	ssyncset.done $0x0  }
0x1fa: {  	[sflag:s31] =	ssyncadd.s32 $0xFFFFFF98  }
0x1fb: {  	s17 =	sor.u32 $0x1, s20;
	_ =	swait.ge [sflag:s31], $0x60  }
0x1fc: {  	s21 =	sshll.u32 s17, $0x6;
	[sflag:s31] =	ssyncset.done $0x0  }
0x1fd: {  	s22 =	sand.u32 $0x3FFFFFC0, s21;
	[sflag:s31] =	ssyncadd.s32 $0xFFFFFFA0  }
0x1fe: {  	v16 =	vld [tilespmem:s22+$0x1900]  }
0x1ff: {  	s19 =	simm.s32 $0x58F0;
	v17 =	vld [tilespmem:s22+$0x1910]  }
0x200: {  	v20 =	vld [tilespmem:s19+$0xFFFFFC10]  }
0x201: {  	v21 =	vld [tilespmem:s19+$0xFFFFFC20]  }
0x202: {  	v18 =	vld [tilespmem:s22+$0x1920]  }
0x203: {  	v22 =	vld [tilespmem:s19+$0xFFFFFC30]  }
0x204: {  	v19 =	vld [tilespmem:s22+$0x1930]  }
0x205: {  	v23 =	vld [tilespmem:s19+$0xFFFFFC40]  }
0x206: {  	v20 =	vmul.f32 v20, v16;
	v21 =	vmul.f32 v21, v17;
	_ =	sdelay $0x1  }
0x207: {  	v20 =	vadd.f32 v21, v20;
	v21 =	vmul.f32 v22, v18;
	_ =	sdelay $0x1  }
0x208: {  	v22 =	vmul.f32 v23, v19;
	v20 =	vadd.f32 v21, v20;
	_ =	sdelay $0x1  }
0x209: {  	v20 =	vadd.f32 v22, v20;
	_ =	sdelay $0x1  }
0x20a: {  	[tilespmem:$0x8900] =	vst v20  }
0x20b: {  	v20 =	vld [tilespmem:s19+$0xFFFFFC50]  }
0x20c: {  	v21 =	vld [tilespmem:s19+$0xFFFFFC60];
	_ =	sdelay $0x1  }
0x20d: {  	v22 =	vld [tilespmem:s19+$0xFFFFFC70];
	_ =	sdelay $0x1  }
0x20e: {  	v23 =	vld [tilespmem:s19+$0xFFFFFC80]  }
0x20f: {  	v20 =	vmul.f32 v20, v16;
	v21 =	vmul.f32 v21, v17;
	_ =	sdelay $0x1  }
0x210: {  	v20 =	vadd.f32 v21, v20;
	v21 =	vmul.f32 v22, v18;
	_ =	sdelay $0x1  }
0x211: {  	v20 =	vadd.f32 v21, v20;
	v21 =	vmul.f32 v23, v19;
	_ =	sdelay $0x1  }
0x212: {  	v20 =	vadd.f32 v21, v20;
	_ =	sdelay $0x1  }
0x213: {  	[tilespmem:$0x8910] =	vst v20  }
0x214: {  	v20 =	vld [tilespmem:s19+$0xFFFFFC90]  }
0x215: {  	v21 =	vld [tilespmem:s19+$0xFFFFFCA0];
	_ =	sdelay $0x1  }
0x216: {  	v22 =	vld [tilespmem:s19+$0xFFFFFCB0];
	_ =	sdelay $0x1  }
0x217: {  	v23 =	vld [tilespmem:s19+$0xFFFFFCC0]  }
0x218: {  	v20 =	vmul.f32 v20, v16;
	v21 =	vmul.f32 v21, v17;
	_ =	sdelay $0x1  }
0x219: {  	v20 =	vadd.f32 v21, v20;
	v21 =	vmul.f32 v22, v18;
	_ =	sdelay $0x1  }
0x21a: {  	v20 =	vadd.f32 v21, v20;
	v21 =	vmul.f32 v23, v19;
	_ =	sdelay $0x1  }
0x21b: {  	v20 =	vadd.f32 v21, v20;
	_ =	sdelay $0x1  }
0x21c: {  	[tilespmem:$0x8920] =	vst v20  }
0x21d: {  	v20 =	vld [tilespmem:s19+$0xFFFFFCD0]  }
0x21e: {  	v21 =	vld [tilespmem:s19+$0xFFFFFCE0];
	_ =	sdelay $0x1  }
0x21f: {  	v22 =	vld [tilespmem:s19+$0xFFFFFCF0];
	_ =	sdelay $0x1  }
0x220: {  	v23 =	vld [tilespmem:s19+$0xFFFFFD00]  }
0x221: {  	v20 =	vmul.f32 v20, v16;
	v21 =	vmul.f32 v21, v17;
	_ =	sdelay $0x1  }
0x222: {  	v20 =	vadd.f32 v21, v20;
	v21 =	vmul.f32 v22, v18;
	_ =	sdelay $0x1  }
0x223: {  	v20 =	vadd.f32 v21, v20;
	v21 =	vmul.f32 v23, v19;
	_ =	sdelay $0x1  }
0x224: {  	v20 =	vadd.f32 v21, v20;
	_ =	sdelay $0x1  }
0x225: {  	[tilespmem:$0x8930] =	vst v20  }
0x226: {  	v20 =	vld [tilespmem:s19+$0xFFFFFD10]  }
0x227: {  	v21 =	vld [tilespmem:s19+$0xFFFFFD20];
	_ =	sdelay $0x1  }
0x228: {  	v22 =	vld [tilespmem:s19+$0xFFFFFD30];
	_ =	sdelay $0x1  }
0x229: {  	v23 =	vld [tilespmem:s19+$0xFFFFFD40]  }
0x22a: {  	v20 =	vmul.f32 v20, v16;
	v21 =	vmul.f32 v21, v17;
	_ =	sdelay $0x1  }
0x22b: {  	v20 =	vadd.f32 v21, v20;
	v21 =	vmul.f32 v22, v18;
	_ =	sdelay $0x1  }
0x22c: {  	v20 =	vadd.f32 v21, v20;
	v21 =	vmul.f32 v23, v19;
	_ =	sdelay $0x1  }
0x22d: {  	v20 =	vadd.f32 v21, v20;
	_ =	sdelay $0x1  }
0x22e: {  	[tilespmem:$0x8940] =	vst v20  }
0x22f: {  	v20 =	vld [tilespmem:s19+$0xFFFFFD50]  }
0x230: {  	v21 =	vld [tilespmem:s19+$0xFFFFFD60];
	_ =	sdelay $0x1  }
0x231: {  	v22 =	vld [tilespmem:s19+$0xFFFFFD70];
	_ =	sdelay $0x1  }
0x232: {  	v23 =	vld [tilespmem:s19+$0xFFFFFD80]  }
0x233: {  	v20 =	vmul.f32 v20, v16;
	v21 =	vmul.f32 v21, v17;
	_ =	sdelay $0x1  }
0x234: {  	v20 =	vadd.f32 v21, v20;
	v21 =	vmul.f32 v22, v18;
	_ =	sdelay $0x1  }
0x235: {  	v20 =	vadd.f32 v21, v20;
	v21 =	vmul.f32 v23, v19;
	_ =	sdelay $0x1  }
0x236: {  	v20 =	vadd.f32 v21, v20;
	_ =	sdelay $0x1  }
0x237: {  	[tilespmem:$0x8950] =	vst v20  }
0x238: {  	v20 =	vld [tilespmem:s19+$0xFFFFFD90]  }
0x239: {  	v21 =	vld [tilespmem:s19+$0xFFFFFDA0];
	_ =	sdelay $0x1  }
0x23a: {  	v22 =	vld [tilespmem:s19+$0xFFFFFDB0];
	_ =	sdelay $0x1  }
0x23b: {  	v23 =	vld [tilespmem:s19+$0xFFFFFDC0]  }
0x23c: {  	v20 =	vmul.f32 v20, v16;
	v21 =	vmul.f32 v21, v17;
	_ =	sdelay $0x1  }
0x23d: {  	v20 =	vadd.f32 v21, v20;
	v21 =	vmul.f32 v22, v18;
	_ =	sdelay $0x1  }
0x23e: {  	v20 =	vadd.f32 v21, v20;
	v21 =	vmul.f32 v23, v19;
	_ =	sdelay $0x1  }
0x23f: {  	v20 =	vadd.f32 v21, v20;
	_ =	sdelay $0x1  }
0x240: {  	[tilespmem:$0x8960] =	vst v20  }
0x241: {  	v20 =	vld [tilespmem:s19+$0xFFFFFDD0]  }
0x242: {  	v21 =	vld [tilespmem:s19+$0xFFFFFDE0];
	_ =	sdelay $0x1  }
0x243: {  	v22 =	vld [tilespmem:s19+$0xFFFFFDF0];
	_ =	sdelay $0x1  }
0x244: {  	v23 =	vld [tilespmem:s19+$0xFFFFFE00]  }
0x245: {  	v20 =	vmul.f32 v20, v16;
	v21 =	vmul.f32 v21, v17;
	_ =	sdelay $0x1  }
0x246: {  	v20 =	vadd.f32 v21, v20;
	v21 =	vmul.f32 v22, v18;
	_ =	sdelay $0x1  }
0x247: {  	v20 =	vadd.f32 v21, v20;
	v21 =	vmul.f32 v23, v19;
	_ =	sdelay $0x1  }
0x248: {  	v20 =	vadd.f32 v21, v20;
	_ =	sdelay $0x1  }
0x249: {  	[tilespmem:$0x8970] =	vst v20  }
0x24a: {  	v20 =	vld [tilespmem:s19+$0xFFFFFE10]  }
0x24b: {  	v21 =	vld [tilespmem:s19+$0xFFFFFE20];
	_ =	sdelay $0x1  }
0x24c: {  	v22 =	vld [tilespmem:s19+$0xFFFFFE30];
	_ =	sdelay $0x1  }
0x24d: {  	v23 =	vld [tilespmem:s19+$0xFFFFFE40]  }
0x24e: {  	v20 =	vmul.f32 v20, v16;
	v21 =	vmul.f32 v21, v17;
	_ =	sdelay $0x1  }
0x24f: {  	v20 =	vadd.f32 v21, v20;
	v21 =	vmul.f32 v22, v18;
	_ =	sdelay $0x1  }
0x250: {  	v20 =	vadd.f32 v21, v20;
	v21 =	vmul.f32 v23, v19;
	_ =	sdelay $0x1  }
0x251: {  	v20 =	vadd.f32 v21, v20;
	_ =	sdelay $0x1  }
0x252: {  	[tilespmem:$0x8980] =	vst v20  }
0x253: {  	v20 =	vld [tilespmem:s19+$0xFFFFFE50]  }
0x254: {  	v21 =	vld [tilespmem:s19+$0xFFFFFE60];
	_ =	sdelay $0x1  }
0x255: {  	v22 =	vld [tilespmem:s19+$0xFFFFFE70];
	_ =	sdelay $0x1  }
0x256: {  	v23 =	vld [tilespmem:s19+$0xFFFFFE80]  }
0x257: {  	v20 =	vmul.f32 v20, v16;
	v21 =	vmul.f32 v21, v17;
	_ =	sdelay $0x1  }
0x258: {  	v20 =	vadd.f32 v21, v20;
	v21 =	vmul.f32 v22, v18;
	_ =	sdelay $0x1  }
0x259: {  	v20 =	vadd.f32 v21, v20;
	v21 =	vmul.f32 v23, v19;
	_ =	sdelay $0x1  }
0x25a: {  	v20 =	vadd.f32 v21, v20;
	_ =	sdelay $0x1  }
0x25b: {  	[tilespmem:$0x8990] =	vst v20  }
0x25c: {  	v20 =	vld [tilespmem:s19+$0xFFFFFE90]  }
0x25d: {  	v21 =	vld [tilespmem:s19+$0xFFFFFEA0];
	_ =	sdelay $0x1  }
0x25e: {  	v22 =	vld [tilespmem:s19+$0xFFFFFEB0];
	_ =	sdelay $0x1  }
0x25f: {  	v23 =	vld [tilespmem:s19+$0xFFFFFEC0]  }
0x260: {  	v20 =	vmul.f32 v20, v16;
	v21 =	vmul.f32 v21, v17;
	_ =	sdelay $0x1  }
0x261: {  	v20 =	vadd.f32 v21, v20;
	v21 =	vmul.f32 v22, v18;
	_ =	sdelay $0x1  }
0x262: {  	v20 =	vadd.f32 v21, v20;
	v21 =	vmul.f32 v23, v19;
	_ =	sdelay $0x1  }
0x263: {  	v20 =	vadd.f32 v21, v20;
	_ =	sdelay $0x1  }
0x264: {  	[tilespmem:$0x89A0] =	vst v20  }
0x265: {  	v20 =	vld [tilespmem:s19+$0xFFFFFED0]  }
0x266: {  	v21 =	vld [tilespmem:s19+$0xFFFFFEE0];
	_ =	sdelay $0x1  }
0x267: {  	v22 =	vld [tilespmem:s19+$0xFFFFFEF0];
	_ =	sdelay $0x1  }
0x268: {  	v23 =	vld [tilespmem:s19+$0xFFFFFF00]  }
0x269: {  	v20 =	vmul.f32 v20, v16;
	v21 =	vmul.f32 v21, v17;
	_ =	sdelay $0x1  }
0x26a: {  	v20 =	vadd.f32 v21, v20;
	v21 =	vmul.f32 v22, v18;
	_ =	sdelay $0x1  }
0x26b: {  	v20 =	vadd.f32 v21, v20;
	v21 =	vmul.f32 v23, v19;
	_ =	sdelay $0x1  }
0x26c: {  	v20 =	vadd.f32 v21, v20;
	_ =	sdelay $0x1  }
0x26d: {  	[tilespmem:$0x89B0] =	vst v20  }
0x26e: {  	v20 =	vld [tilespmem:s19+$0xFFFFFF10]  }
0x26f: {  	v21 =	vld [tilespmem:s19+$0xFFFFFF20];
	_ =	sdelay $0x1  }
0x270: {  	v22 =	vld [tilespmem:s19+$0xFFFFFF30];
	_ =	sdelay $0x1  }
0x271: {  	v23 =	vld [tilespmem:s19+$0xFFFFFF40]  }
0x272: {  	v20 =	vmul.f32 v20, v16;
	v21 =	vmul.f32 v21, v17;
	_ =	sdelay $0x1  }
0x273: {  	v20 =	vadd.f32 v21, v20;
	v21 =	vmul.f32 v22, v18;
	_ =	sdelay $0x1  }
0x274: {  	v20 =	vadd.f32 v21, v20;
	v21 =	vmul.f32 v23, v19;
	_ =	sdelay $0x1  }
0x275: {  	v20 =	vadd.f32 v21, v20;
	_ =	sdelay $0x1  }
0x276: {  	[tilespmem:$0x89C0] =	vst v20  }
0x277: {  	v20 =	vld [tilespmem:s19+$0xFFFFFF50]  }
0x278: {  	v21 =	vld [tilespmem:s19+$0xFFFFFF60];
	_ =	sdelay $0x1  }
0x279: {  	v22 =	vld [tilespmem:s19+$0xFFFFFF70];
	_ =	sdelay $0x1  }
0x27a: {  	v23 =	vld [tilespmem:s19+$0xFFFFFF80]  }
0x27b: {  	v20 =	vmul.f32 v20, v16;
	v21 =	vmul.f32 v21, v17;
	_ =	sdelay $0x1  }
0x27c: {  	v20 =	vadd.f32 v21, v20;
	v21 =	vmul.f32 v22, v18;
	_ =	sdelay $0x1  }
0x27d: {  	v20 =	vadd.f32 v21, v20;
	v21 =	vmul.f32 v23, v19;
	_ =	sdelay $0x1  }
0x27e: {  	v20 =	vadd.f32 v21, v20;
	_ =	sdelay $0x1  }
0x27f: {  	[tilespmem:$0x89D0] =	vst v20  }
0x280: {  	v20 =	vld [tilespmem:s19+$0xFFFFFF90]  }
0x281: {  	v21 =	vld [tilespmem:s19+$0xFFFFFFA0];
	_ =	sdelay $0x1  }
0x282: {  	v22 =	vld [tilespmem:s19+$0xFFFFFFB0];
	_ =	sdelay $0x1  }
0x283: {  	v23 =	vld [tilespmem:s19+$0xFFFFFFC0]  }
0x284: {  	v20 =	vmul.f32 v20, v16;
	v21 =	vmul.f32 v21, v17;
	_ =	sdelay $0x1  }
0x285: {  	v20 =	vadd.f32 v21, v20;
	v21 =	vmul.f32 v22, v18;
	_ =	sdelay $0x1  }
0x286: {  	v20 =	vadd.f32 v21, v20;
	v21 =	vmul.f32 v23, v19;
	_ =	sdelay $0x1  }
0x287: {  	v20 =	vadd.f32 v21, v20;
	_ =	sdelay $0x1  }
0x288: {  	[tilespmem:$0x89E0] =	vst v20  }
0x289: {  	v20 =	vld [tilespmem:s19+$0xFFFFFFE0]  }
0x28a: {  	v21 =	vld [tilespmem:s19+$0xFFFFFFD0];
	_ =	sdelay $0x1  }
0x28b: {  	v22 =	vld [tilespmem:s19+$0xFFFFFFF0];
	_ =	sdelay $0x1  }
0x28c: {  	v23 =	vld [tilespmem:s19+$0x0]  }
0x28d: {  	v20 =	vmul.f32 v20, v17;
	v21 =	vmul.f32 v21, v16;
	_ =	sdelay $0x1  }
0x28e: {  	v20 =	vadd.f32 v20, v21;
	v21 =	vmul.f32 v22, v18;
	_ =	sdelay $0x1  }
0x28f: {  	v20 =	vadd.f32 v21, v20;
	v21 =	vmul.f32 v23, v19;
	_ =	sdelay $0x1  }
0x290: {  	v20 =	vadd.f32 v21, v20;
	_ =	sdelay $0x1  }
0x291: {  	[tilespmem:$0x89F0] =	vst v20  }
0x292: {  	v20 =	vld.idx.msk [tilespmem:v1+s30+$0x0], $0xffff  }
0x293: {  	v22 =	vld.idx.msk [tilespmem:v0+s30+$0x0], $0xffff  }
0x294: {  	v24 =	vld.idx.msk [tilespmem:v2+s30+$0x0], $0xffff  }
0x295: {  	v26 =	vld.idx.msk [tilespmem:v3+s30+$0x0], $0xffff  }
0x296: {  	v28 =	vld.idx.msk [tilespmem:v4+s30+$0x0], $0xffff  }
0x297: {  	v29 =	vld.idx.msk [tilespmem:v5+s30+$0x0], $0xffff  }
0x298: {  	v21 =	vld.idx.msk [tilespmem:v6+s30+$0x0], $0xffff  }
0x299: {  	v23 =	vld.idx.msk [tilespmem:v7+s30+$0x0], $0xffff;
	v20 =	vadd.f32 v20, v22  }
0x29a: {  	v25 =	vld.idx.msk [tilespmem:v10+s30+$0x0], $0xffff  }
0x29b: {  	v27 =	vld.idx.msk [tilespmem:v11+s30+$0x0], $0xffff;
	v20 =	vadd.f32 v24, v20  }
0x29c: {  	s23 =	smul.u32 $0x340, s17;
	v22 =	vld.idx.msk [tilespmem:v8+s30+$0x0], $0xffff  }
0x29d: {  	v24 =	vld.idx.msk [tilespmem:v9+s30+$0x0], $0xffff;
	v30 =	vadd.f32 v26, v20  }
0x29e: {  	s20 =	sshra.s32 s23, $0x2;
	v26 =	vld.idx.msk [tilespmem:v12+s30+$0x0], $0xffff  }
0x29f: {  	s21 =	simm.s32 $0x40;
	s20 =	sadd.s32 $0x8BA0, s20;
	v20 =	vmov s13;
	v30 =	vadd.f32 v28, v30;
	v28 =	vld.idx.msk [tilespmem:v13+s30+$0x0], $0xffff  }
.LBB2_5:
0x2a0: {  	p1 =	sne.s32 s21, $0x300  }
0x2a1: {  	v31 =	vld.idx.msk [tilespmem:v14+s30+$0x0], $0xffff;
	s19 =	sadd.s32 $0x400, s19;
	s22 =	smov.u32 s21;
	s21 =	sadd.s32 $0x40, s21  }
0x2a2: {  	s23 =	sshra.s32 s18, $0x2;
	v29 =	vadd.f32 v29, v30;
	v30 =	vld.idx.msk [tilespmem:v15+s30+$0x0], $0xffff;
	s18 =	smov.u32 s22  }
0x2a3: {  	v32 =	vld [tilespmem:s23+$0x8AD0]  }
0x2a4: {  	v21 =	vadd.f32 v21, v29;
	_ =	sdelay $0x1  }
0x2a5: {  	v21 =	vadd.f32 v23, v21;
	_ =	sdelay $0x1  }
0x2a6: {  	v21 =	vadd.f32 v22, v21;
	_ =	sdelay $0x1  }
0x2a7: {  	v21 =	vadd.f32 v24, v21;
	_ =	sdelay $0x1  }
0x2a8: {  	v21 =	vadd.f32 v25, v21;
	_ =	sdelay $0x1  }
0x2a9: {  	v21 =	vadd.f32 v27, v21;
	_ =	sdelay $0x1  }
0x2aa: {  	v21 =	vadd.f32 v26, v21;
	_ =	sdelay $0x1  }
0x2ab: {  	v21 =	vadd.f32 v28, v21;
	_ =	sdelay $0x1  }
0x2ac: {  	v21 =	vadd.f32 v31, v21;
	_ =	sdelay $0x1  }
0x2ad: {  	v21 =	vadd.f32 v30, v21;
	_ =	sdelay $0x1  }
0x2ae: {  	v21 =	vadd.f32 v32, v21;
	_ =	sdelay $0x1  }
0x2af: {  	[tilespmem:v20+s23+$0x0 ss:$0x1] =	vst.idx.msk $0xffff, v21  }
0x2b0: {  	v21 =	vld [tilespmem:s19+$0xFFFFFC10]  }
0x2b1: {  	v22 =	vld [tilespmem:s19+$0xFFFFFC20]  }
0x2b2: {  	v23 =	vld [tilespmem:s19+$0xFFFFFC30]  }
0x2b3: {  	v24 =	vld [tilespmem:s19+$0xFFFFFC40];
	_ =	sdelay $0x1  }
0x2b4: {  	v21 =	vmul.f32 v21, v16  }
0x2b5: {  	v22 =	vmul.f32 v22, v17;
	_ =	sdelay $0x1  }
0x2b6: {  	v21 =	vadd.f32 v22, v21;
	v22 =	vmul.f32 v23, v18;
	v23 =	vmul.f32 v24, v19;
	_ =	sdelay $0x1  }
0x2b7: {  	v21 =	vadd.f32 v22, v21;
	_ =	sdelay $0x1  }
0x2b8: {  	v21 =	vadd.f32 v23, v21;
	_ =	sdelay $0x1  }
0x2b9: {  	[tilespmem:$0x8900] =	vst v21  }
0x2ba: {  	v21 =	vld [tilespmem:s19+$0xFFFFFC50]  }
0x2bb: {  	v22 =	vld [tilespmem:s19+$0xFFFFFC60];
	_ =	sdelay $0x1  }
0x2bc: {  	v23 =	vld [tilespmem:s19+$0xFFFFFC70];
	_ =	sdelay $0x1  }
0x2bd: {  	v24 =	vld [tilespmem:s19+$0xFFFFFC80]  }
0x2be: {  	v21 =	vmul.f32 v21, v16;
	v22 =	vmul.f32 v22, v17;
	_ =	sdelay $0x1  }
0x2bf: {  	v21 =	vadd.f32 v22, v21;
	v22 =	vmul.f32 v23, v18;
	_ =	sdelay $0x1  }
0x2c0: {  	v21 =	vadd.f32 v22, v21;
	v22 =	vmul.f32 v24, v19;
	_ =	sdelay $0x1  }
0x2c1: {  	v21 =	vadd.f32 v22, v21;
	_ =	sdelay $0x1  }
0x2c2: {  	[tilespmem:$0x8910] =	vst v21  }
0x2c3: {  	v21 =	vld [tilespmem:s19+$0xFFFFFC90]  }
0x2c4: {  	v22 =	vld [tilespmem:s19+$0xFFFFFCA0];
	_ =	sdelay $0x1  }
0x2c5: {  	v23 =	vld [tilespmem:s19+$0xFFFFFCB0];
	_ =	sdelay $0x1  }
0x2c6: {  	v21 =	vmul.f32 v21, v16;
	v24 =	vld [tilespmem:s19+$0xFFFFFCC0]  }
0x2c7: {  	v22 =	vmul.f32 v22, v17;
	_ =	sdelay $0x1  }
0x2c8: {  	v21 =	vadd.f32 v22, v21;
	v22 =	vmul.f32 v23, v18;
	_ =	sdelay $0x1  }
0x2c9: {  	v21 =	vadd.f32 v22, v21;
	v22 =	vmul.f32 v24, v19;
	_ =	sdelay $0x1  }
0x2ca: {  	v21 =	vadd.f32 v22, v21;
	_ =	sdelay $0x1  }
0x2cb: {  	[tilespmem:$0x8920] =	vst v21  }
0x2cc: {  	v21 =	vld [tilespmem:s19+$0xFFFFFCD0]  }
0x2cd: {  	v22 =	vld [tilespmem:s19+$0xFFFFFCE0];
	_ =	sdelay $0x1  }
0x2ce: {  	v23 =	vld [tilespmem:s19+$0xFFFFFCF0];
	_ =	sdelay $0x1  }
0x2cf: {  	v24 =	vld [tilespmem:s19+$0xFFFFFD00]  }
0x2d0: {  	v21 =	vmul.f32 v21, v16;
	v22 =	vmul.f32 v22, v17;
	_ =	sdelay $0x1  }
0x2d1: {  	v21 =	vadd.f32 v22, v21;
	v22 =	vmul.f32 v23, v18;
	_ =	sdelay $0x1  }
0x2d2: {  	v21 =	vadd.f32 v22, v21;
	v22 =	vmul.f32 v24, v19;
	_ =	sdelay $0x1  }
0x2d3: {  	v21 =	vadd.f32 v22, v21;
	_ =	sdelay $0x1  }
0x2d4: {  	[tilespmem:$0x8930] =	vst v21  }
0x2d5: {  	v21 =	vld [tilespmem:s19+$0xFFFFFD10]  }
0x2d6: {  	v22 =	vld [tilespmem:s19+$0xFFFFFD20]  }
0x2d7: {  	v23 =	vld [tilespmem:s19+$0xFFFFFD30]  }
0x2d8: {  	v24 =	vld [tilespmem:s19+$0xFFFFFD40];
	_ =	sdelay $0x1  }
0x2d9: {  	v21 =	vmul.f32 v21, v16  }
0x2da: {  	v22 =	vmul.f32 v22, v17;
	_ =	sdelay $0x1  }
0x2db: {  	v21 =	vadd.f32 v22, v21;
	v22 =	vmul.f32 v23, v18;
	_ =	sdelay $0x1  }
0x2dc: {  	v21 =	vadd.f32 v22, v21;
	v22 =	vmul.f32 v24, v19;
	_ =	sdelay $0x1  }
0x2dd: {  	v21 =	vadd.f32 v22, v21;
	_ =	sdelay $0x1  }
0x2de: {  	[tilespmem:$0x8940] =	vst v21  }
0x2df: {  	v21 =	vld [tilespmem:s19+$0xFFFFFD50]  }
0x2e0: {  	v22 =	vld [tilespmem:s19+$0xFFFFFD60]  }
0x2e1: {  	v23 =	vld [tilespmem:s19+$0xFFFFFD70]  }
0x2e2: {  	v24 =	vld [tilespmem:s19+$0xFFFFFD80];
	_ =	sdelay $0x1  }
0x2e3: {  	v21 =	vmul.f32 v21, v16  }
0x2e4: {  	v22 =	vmul.f32 v22, v17;
	_ =	sdelay $0x1  }
0x2e5: {  	v21 =	vadd.f32 v22, v21;
	v22 =	vmul.f32 v23, v18;
	_ =	sdelay $0x1  }
0x2e6: {  	v21 =	vadd.f32 v22, v21;
	v22 =	vmul.f32 v24, v19;
	_ =	sdelay $0x1  }
0x2e7: {  	v21 =	vadd.f32 v22, v21;
	_ =	sdelay $0x1  }
0x2e8: {  	[tilespmem:$0x8950] =	vst v21  }
0x2e9: {  	v21 =	vld [tilespmem:s19+$0xFFFFFD90]  }
0x2ea: {  	v22 =	vld [tilespmem:s19+$0xFFFFFDA0]  }
0x2eb: {  	v23 =	vld [tilespmem:s19+$0xFFFFFDB0]  }
0x2ec: {  	v24 =	vld [tilespmem:s19+$0xFFFFFDC0];
	_ =	sdelay $0x1  }
0x2ed: {  	v21 =	vmul.f32 v21, v16  }
0x2ee: {  	v22 =	vmul.f32 v22, v17;
	_ =	sdelay $0x1  }
0x2ef: {  	v21 =	vadd.f32 v22, v21;
	v22 =	vmul.f32 v23, v18;
	_ =	sdelay $0x1  }
0x2f0: {  	v21 =	vadd.f32 v22, v21;
	v22 =	vmul.f32 v24, v19;
	_ =	sdelay $0x1  }
0x2f1: {  	v21 =	vadd.f32 v22, v21;
	_ =	sdelay $0x1  }
0x2f2: {  	[tilespmem:$0x8960] =	vst v21  }
0x2f3: {  	v21 =	vld [tilespmem:s19+$0xFFFFFDD0]  }
0x2f4: {  	v22 =	vld [tilespmem:s19+$0xFFFFFDE0]  }
0x2f5: {  	v23 =	vld [tilespmem:s19+$0xFFFFFDF0]  }
0x2f6: {  	v24 =	vld [tilespmem:s19+$0xFFFFFE00];
	_ =	sdelay $0x2  }
0x2f7: {  	v21 =	vmul.f32 v21, v16;
	v22 =	vmul.f32 v22, v17;
	_ =	sdelay $0x1  }
0x2f8: {  	v21 =	vadd.f32 v22, v21;
	v22 =	vmul.f32 v23, v18;
	_ =	sdelay $0x1  }
0x2f9: {  	v21 =	vadd.f32 v22, v21;
	v22 =	vmul.f32 v24, v19;
	_ =	sdelay $0x1  }
0x2fa: {  	v21 =	vadd.f32 v22, v21;
	_ =	sdelay $0x1  }
0x2fb: {  	[tilespmem:$0x8970] =	vst v21  }
0x2fc: {  	v21 =	vld [tilespmem:s19+$0xFFFFFE10]  }
0x2fd: {  	v22 =	vld [tilespmem:s19+$0xFFFFFE20]  }
0x2fe: {  	v23 =	vld [tilespmem:s19+$0xFFFFFE30]  }
0x2ff: {  	v24 =	vld [tilespmem:s19+$0xFFFFFE40];
	_ =	sdelay $0x1  }
0x300: {  	v21 =	vmul.f32 v21, v16  }
0x301: {  	v22 =	vmul.f32 v22, v17;
	_ =	sdelay $0x1  }
0x302: {  	v21 =	vadd.f32 v22, v21;
	v22 =	vmul.f32 v23, v18;
	_ =	sdelay $0x1  }
0x303: {  	v21 =	vadd.f32 v22, v21;
	v22 =	vmul.f32 v24, v19;
	_ =	sdelay $0x1  }
0x304: {  	v21 =	vadd.f32 v22, v21;
	_ =	sdelay $0x1  }
0x305: {  	[tilespmem:$0x8980] =	vst v21  }
0x306: {  	v21 =	vld [tilespmem:s19+$0xFFFFFE50]  }
0x307: {  	v22 =	vld [tilespmem:s19+$0xFFFFFE60]  }
0x308: {  	v23 =	vld [tilespmem:s19+$0xFFFFFE70]  }
0x309: {  	v24 =	vld [tilespmem:s19+$0xFFFFFE80];
	_ =	sdelay $0x2  }
0x30a: {  	v21 =	vmul.f32 v21, v16;
	v22 =	vmul.f32 v22, v17;
	_ =	sdelay $0x1  }
0x30b: {  	v21 =	vadd.f32 v22, v21;
	v22 =	vmul.f32 v23, v18;
	_ =	sdelay $0x1  }
0x30c: {  	v21 =	vadd.f32 v22, v21;
	v22 =	vmul.f32 v24, v19;
	_ =	sdelay $0x1  }
0x30d: {  	v21 =	vadd.f32 v22, v21;
	_ =	sdelay $0x1  }
0x30e: {  	[tilespmem:$0x8990] =	vst v21  }
0x30f: {  	v21 =	vld [tilespmem:s19+$0xFFFFFE90]  }
0x310: {  	v22 =	vld [tilespmem:s19+$0xFFFFFEA0]  }
0x311: {  	v23 =	vld [tilespmem:s19+$0xFFFFFEB0]  }
0x312: {  	v24 =	vld [tilespmem:s19+$0xFFFFFEC0];
	_ =	sdelay $0x2  }
0x313: {  	v21 =	vmul.f32 v21, v16;
	v22 =	vmul.f32 v22, v17;
	_ =	sdelay $0x1  }
0x314: {  	v21 =	vadd.f32 v22, v21;
	v22 =	vmul.f32 v23, v18;
	_ =	sdelay $0x1  }
0x315: {  	v21 =	vadd.f32 v22, v21;
	v22 =	vmul.f32 v24, v19;
	_ =	sdelay $0x1  }
0x316: {  	v21 =	vadd.f32 v22, v21;
	_ =	sdelay $0x1  }
0x317: {  	[tilespmem:$0x89A0] =	vst v21  }
0x318: {  	v21 =	vld [tilespmem:s19+$0xFFFFFED0]  }
0x319: {  	v22 =	vld [tilespmem:s19+$0xFFFFFEE0]  }
0x31a: {  	v23 =	vld [tilespmem:s19+$0xFFFFFEF0]  }
0x31b: {  	v24 =	vld [tilespmem:s19+$0xFFFFFF00];
	_ =	sdelay $0x1  }
0x31c: {  	v21 =	vmul.f32 v21, v16  }
0x31d: {  	v22 =	vmul.f32 v22, v17;
	_ =	sdelay $0x1  }
0x31e: {  	v21 =	vadd.f32 v22, v21;
	v22 =	vmul.f32 v23, v18;
	_ =	sdelay $0x1  }
0x31f: {  	v21 =	vadd.f32 v22, v21;
	v22 =	vmul.f32 v24, v19;
	_ =	sdelay $0x1  }
0x320: {  	v21 =	vadd.f32 v22, v21;
	_ =	sdelay $0x1  }
0x321: {  	[tilespmem:$0x89B0] =	vst v21  }
0x322: {  	v21 =	vld [tilespmem:s19+$0xFFFFFF10]  }
0x323: {  	v22 =	vld [tilespmem:s19+$0xFFFFFF20]  }
0x324: {  	v23 =	vld [tilespmem:s19+$0xFFFFFF30]  }
0x325: {  	v24 =	vld [tilespmem:s19+$0xFFFFFF40];
	_ =	sdelay $0x2  }
0x326: {  	v21 =	vmul.f32 v21, v16;
	v22 =	vmul.f32 v22, v17;
	_ =	sdelay $0x1  }
0x327: {  	v21 =	vadd.f32 v22, v21;
	v22 =	vmul.f32 v23, v18;
	_ =	sdelay $0x1  }
0x328: {  	v21 =	vadd.f32 v22, v21;
	v22 =	vmul.f32 v24, v19;
	_ =	sdelay $0x1  }
0x329: {  	v21 =	vadd.f32 v22, v21;
	_ =	sdelay $0x1  }
0x32a: {  	[tilespmem:$0x89C0] =	vst v21  }
0x32b: {  	v21 =	vld [tilespmem:s19+$0xFFFFFF50]  }
0x32c: {  	v22 =	vld [tilespmem:s19+$0xFFFFFF60]  }
0x32d: {  	v23 =	vld [tilespmem:s19+$0xFFFFFF70]  }
0x32e: {  	v24 =	vld [tilespmem:s19+$0xFFFFFF80];
	_ =	sdelay $0x2  }
0x32f: {  	v21 =	vmul.f32 v21, v16;
	v22 =	vmul.f32 v22, v17;
	_ =	sdelay $0x1  }
0x330: {  	v21 =	vadd.f32 v22, v21;
	v22 =	vmul.f32 v23, v18;
	_ =	sdelay $0x1  }
0x331: {  	v21 =	vadd.f32 v22, v21;
	v22 =	vmul.f32 v24, v19;
	_ =	sdelay $0x1  }
0x332: {  	v21 =	vadd.f32 v22, v21;
	_ =	sdelay $0x1  }
0x333: {  	[tilespmem:$0x89D0] =	vst v21  }
0x334: {  	v21 =	vld [tilespmem:s19+$0xFFFFFF90]  }
0x335: {  	v22 =	vld [tilespmem:s19+$0xFFFFFFA0]  }
0x336: {  	v23 =	vld [tilespmem:s19+$0xFFFFFFB0]  }
0x337: {  	v24 =	vld [tilespmem:s19+$0xFFFFFFC0];
	_ =	sdelay $0x1  }
0x338: {  	v21 =	vmul.f32 v21, v16  }
0x339: {  	v22 =	vmul.f32 v22, v17;
	_ =	sdelay $0x1  }
0x33a: {  	v21 =	vadd.f32 v22, v21;
	v22 =	vmul.f32 v23, v18;
	_ =	sdelay $0x1  }
0x33b: {  	v21 =	vadd.f32 v22, v21;
	v22 =	vmul.f32 v24, v19;
	_ =	sdelay $0x1  }
0x33c: {  	v21 =	vadd.f32 v22, v21;
	_ =	sdelay $0x1  }
0x33d: {  	[tilespmem:$0x89E0] =	vst v21  }
0x33e: {  	v21 =	vld [tilespmem:s19+$0xFFFFFFE0]  }
0x33f: {  	v22 =	vld [tilespmem:s19+$0xFFFFFFD0]  }
0x340: {  	v23 =	vld [tilespmem:s19+$0xFFFFFFF0]  }
0x341: {  	v24 =	vld [tilespmem:s19+$0x0];
	_ =	sdelay $0x1  }
0x342: {  	v21 =	vmul.f32 v21, v17  }
0x343: {  	v22 =	vmul.f32 v22, v16;
	_ =	sdelay $0x1  }
0x344: {  	v21 =	vadd.f32 v21, v22;
	v22 =	vmul.f32 v23, v18;
	_ =	sdelay $0x1  }
0x345: {  	v21 =	vadd.f32 v22, v21;
	v22 =	vmul.f32 v24, v19;
	_ =	sdelay $0x1  }
0x346: {  	v21 =	vadd.f32 v22, v21;
	_ =	sdelay $0x1  }
0x347: {  	[tilespmem:$0x89F0] =	vst v21  }
0x348: {  	v22 =	vld.idx.msk [tilespmem:v1+s30+$0x0], $0xffff  }
0x349: {  	v23 =	vld.idx.msk [tilespmem:v0+s30+$0x0], $0xffff  }
0x34a: {  	v24 =	vld.idx.msk [tilespmem:v2+s30+$0x0], $0xffff  }
0x34b: {  	v26 =	vld.idx.msk [tilespmem:v3+s30+$0x0], $0xffff  }
0x34c: {  	v28 =	vld.idx.msk [tilespmem:v4+s30+$0x0], $0xffff  }
0x34d: {  	v29 =	vld.idx.msk [tilespmem:v5+s30+$0x0], $0xffff  }
0x34e: {  	v21 =	vld.idx.msk [tilespmem:v6+s30+$0x0], $0xffff  }
0x34f: {  	v25 =	vadd.f32 v22, v23;
	v23 =	vld.idx.msk [tilespmem:v7+s30+$0x0], $0xffff  }
0x350: {  	v22 =	vld.idx.msk [tilespmem:v8+s30+$0x0], $0xffff  }
.Ltmp1:
0x351: {  	v27 =	vadd.f32 v24, v25;
	v24 =	vld.idx.msk [tilespmem:v9+s30+$0x0], $0xffff;
	(pc) =	sbr.rel @p1 .LBB2_5-.Ltmp1, $4  }
0x352: {  	v25 =	vld.idx.msk [tilespmem:v10+s30+$0x0], $0xffff  }
0x353: {  	v30 =	vadd.f32 v26, v27;
	v27 =	vld.idx.msk [tilespmem:v11+s30+$0x0], $0xffff  }
0x354: {  	v26 =	vld.idx.msk [tilespmem:v12+s30+$0x0], $0xffff  }
0x355: {  	v30 =	vadd.f32 v28, v30;
	v28 =	vld.idx.msk [tilespmem:v13+s30+$0x0], $0xffff  }
0x356: {  	_ = 	snop  }
0x357: {  	v16 =	vadd.f32 v29, v30;
	_ =	sdelay $0x1  }
0x358: {  	v16 =	vadd.f32 v21, v16;
	_ =	sdelay $0x1  }
0x359: {  	v16 =	vadd.f32 v23, v16;
	_ =	sdelay $0x1  }
0x35a: {  	v16 =	vadd.f32 v22, v16;
	_ =	sdelay $0x1  }
0x35b: {  	v16 =	vadd.f32 v24, v16;
	_ =	sdelay $0x1  }
0x35c: {  	v16 =	vadd.f32 v25, v16;
	_ =	sdelay $0x1  }
0x35d: {  	v16 =	vadd.f32 v27, v16  }
0x35e: {  	v17 =	vld.idx.msk [tilespmem:v14+s30+$0x0], $0xffff  }
0x35f: {  	v16 =	vadd.f32 v26, v16  }
0x360: {  	v18 =	vld.idx.msk [tilespmem:v15+s30+$0x0], $0xffff  }
0x361: {  	s18 =	sshra.s32 s18, $0x2;
	v16 =	vadd.f32 v28, v16  }
0x362: {  	v19 =	vld [tilespmem:s18+$0x8AD0]  }
0x363: {  	v16 =	vadd.f32 v17, v16;
	_ =	sdelay $0x1  }
0x364: {  	v16 =	vadd.f32 v18, v16;
	_ =	sdelay $0x1  }
0x365: {  	v16 =	vadd.f32 v19, v16;
	_ =	sdelay $0x1  }
0x366: {  	[tilespmem:v20+s18+$0x0 ss:$0x1] =	vst.idx.msk $0xffff, v16  }
0x367: {  	v16 =	vld @!p0 [tilespmem:s16+$0x258];
	_ =	sdelay $0x4  }
0x368: {  	v16 =	vshll.u32 @!p0 v16, $0x1  }
0x369: {  	[tilespmem:$0xA670] =	vst @!p0 v16  }
0x36a: {  	v16 =	vld @!p0 [tilespmem:s16+$0x268];
	_ =	sdelay $0x4  }
0x36b: {  	v16 =	vshll.u32 @!p0 v16, $0x1  }
0x36c: {  	[tilespmem:$0xA680] =	vst @!p0 v16  }
0x36d: {  	v16 =	vld @!p0 [tilespmem:s16+$0x278];
	_ =	sdelay $0x4  }
0x36e: {  	v16 =	vshll.u32 @!p0 v16, $0x1  }
0x36f: {  	[tilespmem:$0xA690] =	vst @!p0 v16  }
0x370: {  	v16 =	vld @!p0 [tilespmem:s16+$0x288];
	_ =	sdelay $0x4  }
0x371: {  	v16 =	vshll.u32 @!p0 v16, $0x1  }
0x372: {  	[tilespmem:$0xA6A0] =	vst @!p0 v16  }
0x373: {  	v16 =	vld @!p0 [tilespmem:s16+$0x298];
	_ =	sdelay $0x4  }
0x374: {  	v16 =	vshll.u32 @!p0 v16, $0x1  }
0x375: {  	[tilespmem:$0xA6B0] =	vst @!p0 v16  }
0x376: {  	v16 =	vld @!p0 [tilespmem:s16+$0x2A8];
	_ =	sdelay $0x4  }
0x377: {  	v16 =	vshll.u32 @!p0 v16, $0x1  }
0x378: {  	[tilespmem:$0xA6C0] =	vst @!p0 v16  }
0x379: {  	v16 =	vld @!p0 [tilespmem:s16+$0x2B8];
	_ =	sdelay $0x4  }
0x37a: {  	v16 =	vshll.u32 @!p0 v16, $0x1  }
0x37b: {  	[tilespmem:$0xA6D0] =	vst @!p0 v16  }
0x37c: {  	v16 =	vld @!p0 [tilespmem:s16+$0x2C8];
	_ =	sdelay $0x4  }
0x37d: {  	v16 =	vshll.u32 @!p0 v16, $0x1  }
0x37e: {  	[tilespmem:$0xA6E0] =	vst @!p0 v16  }
0x37f: {  	v16 =	vld @!p0 [tilespmem:s16+$0x2D8];
	_ =	sdelay $0x4  }
0x380: {  	v16 =	vshll.u32 @!p0 v16, $0x1  }
0x381: {  	[tilespmem:$0xA6F0] =	vst @!p0 v16  }
0x382: {  	v16 =	vld @!p0 [tilespmem:s16+$0x2E8];
	_ =	sdelay $0x4  }
0x383: {  	v16 =	vshll.u32 @!p0 v16, $0x1  }
0x384: {  	[tilespmem:$0xA700] =	vst @!p0 v16  }
0x385: {  	v16 =	vld @!p0 [tilespmem:s16+$0x2F8];
	_ =	sdelay $0x4  }
0x386: {  	v16 =	vshll.u32 @!p0 v16, $0x1  }
0x387: {  	[tilespmem:$0xA710] =	vst @!p0 v16  }
0x388: {  	v16 =	vld @!p0 [tilespmem:s16+$0x308];
	_ =	sdelay $0x4  }
0x389: {  	v16 =	vshll.u32 @!p0 v16, $0x1  }
0x38a: {  	[tilespmem:$0xA720] =	vst @!p0 v16  }
0x38b: {  	v16 =	vld @!p0 [tilespmem:s16+$0x310];
	_ =	sdelay $0x4  }
0x38c: {  	v16 =	vshll.u32 @!p0 v16, $0x1  }
0x38d: {  	s19 =	simm.s32 @!p0 $0xA670;
	s21 =	simm.s32 @!p0 $0x5500;
	s18 =	simm.s32 @!p0 $0x68;
	[tilespmem:$0xA728] =	vst @!p0 v16  }
0x38e: {  	[tilespmem:s21], [sflag:$0x2] =	stream.indirect.gather @!p0 [hbm4b:s5+s18], $0x40, s19, s18, $0xb8;
	[tilespmem:$0xA740] =	vst v63  }
0x38f: {  	s22 =	simm.s32 @!p0 $0x6F00;
	s19 =	simm.s32 @!p0 $0x60;
	s21 =	simm.s32 @!p0 $0xA6D8  }
0x390: {  	[tilespmem:s22], [sflag:$0x2] =	stream.indirect.gather @!p0 [hbm4b:s5+s19], $0x40, s21, s19, $0xb8;
	[tilespmem:$0xA740] =	vst v63  }
0x391: {  	s21 =	sadd.s32 @!p0 $0x258, s16;
	s22 =	simm.s32 @!p0 $0x8AD0  }
0x392: {  	[tilespmem:s22], [sflag:$0x2] =	stream.indirect.gather @!p0 [hbm4b:s2+s18], $0x1, s21, s18, $0xb8;
	[tilespmem:$0xA740] =	vst v63  }
0x393: {  	s14 =	sadd.s32 $0x1, s14;
	s16 =	sadd.s32 @!p0 $0x2C0, s16;
	s18 =	simm.s32 @!p0 $0x8B38  }
0x394: {  	[tilespmem:s18], [sflag:$0x2] =	stream.indirect.gather @!p0 [hbm4b:s2+s19], $0x1, s16, s19, $0xb8;
	[tilespmem:$0xA740] =	vst v63  }
0x395: {  	p0 =	sne.s32 s14, $0x10  }
.Ltmp2:
0x396: {  	s17 =	sadd.s32 s4, s17;
	(pc) =	sbr.rel @p0 .LBB2_2-.Ltmp2, $3  }
0x397: {  	s17 =	smul.u32 $0x19, s17;
	_ =	sdelay $0x1  }
0x398: {  	s11 =	sadd.s32 $0x1A0, s11;
	s13 =	sadd.s32 $0x1A0, s13;
	s23 =	sadd.s32 s6, s17  }
0x399: {  	[hbm4b:s23+s3] =	stream.linear.scatter [tilespmem:s20], [sflag:$0x3], $0xC8, $0x38;
	[tilespmem:$0xA740] =	vst v63  }
0x39a: {  	_ =	swait.ge [sflag:s0], $0xC8  }
0x39b: {  	[sflag:s0] =	ssyncset.done $0x0  }
0x39c: {  	[sflag:s0] =	ssyncadd.s32 $0xFFFFFF38  }
0x39d: {  	_ =	swait.ge [sflag:s0], $0xC8  }
0x39e: {  	[sflag:s0] =	ssyncset.done $0x0  }
0x39f: {  	[sflag:s0] =	ssyncadd.s32 $0xFFFFFF38  }
0x3a0: {  	_ =	swait.ge [sflag:s0], $0xC8  }
0x3a1: {  	[sflag:s0] =	ssyncset.done $0x0  }
0x3a2: {  	[sflag:s0] =	ssyncadd.s32 $0xFFFFFF38  }
0x3a3: {  	_ =	swait.ge [sflag:s0], $0xC8  }
0x3a4: {  	[sflag:s0] =	ssyncset.done $0x0  }
0x3a5: {  	[sflag:s0] =	ssyncadd.s32 $0xFFFFFF38  }
0x3a6: {  	_ =	swait.ge [sflag:s0], $0xC8  }
0x3a7: {  	[sflag:s0] =	ssyncset.done $0x0  }
0x3a8: {  	[sflag:s0] =	ssyncadd.s32 $0xFFFFFF38  }
0x3a9: {  	_ =	swait.ge [sflag:s0], $0xC8  }
0x3aa: {  	[sflag:s0] =	ssyncset.done $0x0  }
0x3ab: {  	[sflag:s0] =	ssyncadd.s32 $0xFFFFFF38  }
0x3ac: {  	_ =	swait.ge [sflag:s0], $0xC8  }
0x3ad: {  	[sflag:s0] =	ssyncset.done $0x0  }
0x3ae: {  	[sflag:s0] =	ssyncadd.s32 $0xFFFFFF38  }
0x3af: {  	_ =	swait.ge [sflag:s0], $0xC8  }
0x3b0: {  	[sflag:s0] =	ssyncset.done $0x0  }
0x3b1: {  	[sflag:s0] =	ssyncadd.s32 $0xFFFFFF38  }
0x3b2: {  	_ =	swait.ge [sflag:s0], $0xC8  }
0x3b3: {  	[sflag:s0] =	ssyncset.done $0x0  }
0x3b4: {  	[sflag:s0] =	ssyncadd.s32 $0xFFFFFF38  }
0x3b5: {  	_ =	swait.ge [sflag:s0], $0xC8  }
0x3b6: {  	[sflag:s0] =	ssyncset.done $0x0  }
0x3b7: {  	[sflag:s0] =	ssyncadd.s32 $0xFFFFFF38  }
0x3b8: {  	_ =	swait.ge [sflag:s0], $0xC8  }
0x3b9: {  	[sflag:s0] =	ssyncset.done $0x0  }
0x3ba: {  	[sflag:s0] =	ssyncadd.s32 $0xFFFFFF38  }
0x3bb: {  	_ =	swait.ge [sflag:s0], $0xC8  }
0x3bc: {  	[sflag:s0] =	ssyncset.done $0x0  }
0x3bd: {  	[sflag:s0] =	ssyncadd.s32 $0xFFFFFF38  }
0x3be: {  	_ =	swait.ge [sflag:s0], $0xC8  }
0x3bf: {  	[sflag:s0] =	ssyncset.done $0x0  }
0x3c0: {  	[sflag:s0] =	ssyncadd.s32 $0xFFFFFF38  }
0x3c1: {  	_ =	swait.ge [sflag:s0], $0xC8  }
0x3c2: {  	[sflag:s0] =	ssyncset.done $0x0  }
0x3c3: {  	[sflag:s0] =	ssyncadd.s32 $0xFFFFFF38  }
0x3c4: {  	_ =	swait.ge [sflag:s0], $0xC8  }
0x3c5: {  	[sflag:s0] =	ssyncset.done $0x0  }
0x3c6: {  	[sflag:s0] =	ssyncadd.s32 $0xFFFFFF38  }
0x3c7: {  	_ =	swait.ge [sflag:s0], $0xC8  }
0x3c8: {  	[sflag:s0] =	ssyncset.done $0x0  }
0x3c9: {  	[sflag:s0] =	ssyncadd.s32 $0xFFFFFF38  }
0x3ca: {  	_ =	swait.ge [sflag:s0], $0xC8  }
0x3cb: {  	[sflag:s0] =	ssyncset.done $0x0  }
0x3cc: {  	[sflag:s0] =	ssyncadd.s32 $0xFFFFFF38  }
0x3cd: {  	_ =	swait.ge [sflag:s0], $0xC8  }
0x3ce: {  	[sflag:s0] =	ssyncset.done $0x0  }
0x3cf: {  	[sflag:s0] =	ssyncadd.s32 $0xFFFFFF38  }
0x3d0: {  	_ =	swait.ge [sflag:s0], $0xC8  }
0x3d1: {  	[sflag:s0] =	ssyncset.done $0x0  }
0x3d2: {  	[sflag:s0] =	ssyncadd.s32 $0xFFFFFF38  }
0x3d3: {  	_ =	swait.ge [sflag:s0], $0xC8  }
0x3d4: {  	[sflag:s0] =	ssyncset.done $0x0  }
0x3d5: {  	[sflag:s0] =	ssyncadd.s32 $0xFFFFFF38  }
0x3d6: {  	_ =	swait.ge [sflag:s0], $0xC8  }
0x3d7: {  	[sflag:s0] =	ssyncset.done $0x0  }
0x3d8: {  	[sflag:s0] =	ssyncadd.s32 $0xFFFFFF38  }
0x3d9: {  	_ =	swait.ge [sflag:s0], $0xC8  }
0x3da: {  	[sflag:s0] =	ssyncset.done $0x0  }
0x3db: {  	[sflag:s0] =	ssyncadd.s32 $0xFFFFFF38  }
0x3dc: {  	_ =	swait.ge [sflag:s0], $0xC8  }
0x3dd: {  	[sflag:s0] =	ssyncset.done $0x0  }
0x3de: {  	[sflag:s0] =	ssyncadd.s32 $0xFFFFFF38  }
0x3df: {  	_ =	swait.ge [sflag:s0], $0xC8  }
0x3e0: {  	[sflag:s0] =	ssyncset.done $0x0  }
0x3e1: {  	[sflag:s0] =	ssyncadd.s32 $0xFFFFFF38  }
0x3e2: {  	_ =	swait.ge [sflag:s0], $0xC8  }
0x3e3: {  	[sflag:s0] =	ssyncset.done $0x0  }
0x3e4: {  	[sflag:s0] =	ssyncadd.s32 $0xFFFFFF38  }
0x3e5: {  	_ =	swait.ge [sflag:s0], $0xC8  }
0x3e6: {  	[sflag:s0] =	ssyncset.done $0x0  }
0x3e7: {  	[sflag:s0] =	ssyncadd.s32 $0xFFFFFF38  }
0x3e8: {  	_ =	swait.ge [sflag:s0], $0xC8  }
0x3e9: {  	[sflag:s0] =	ssyncset.done $0x0  }
0x3ea: {  	[sflag:s0] =	ssyncadd.s32 $0xFFFFFF38  }
0x3eb: {  	_ =	swait.ge [sflag:s0], $0xC8  }
0x3ec: {  	[sflag:s0] =	ssyncset.done $0x0  }
0x3ed: {  	[sflag:s0] =	ssyncadd.s32 $0xFFFFFF38  }
0x3ee: {  	_ =	swait.ge [sflag:s0], $0xC8  }
0x3ef: {  	[sflag:s0] =	ssyncset.done $0x0  }
0x3f0: {  	[sflag:s0] =	ssyncadd.s32 $0xFFFFFF38  }
0x3f1: {  	_ =	swait.ge [sflag:s0], $0xC8  }
0x3f2: {  	[sflag:s0] =	ssyncset.done $0x0  }
0x3f3: {  	s1 =	sadd.s32 $0x1, s1;
	[sflag:s0] =	ssyncadd.s32 $0xFFFFFF38  }
0x3f4: {  	p0 =	sne.s32 s1, s9;
	_ =	swait.ge [sflag:s0], $0xC8  }
.Ltmp3:
0x3f5: {  	[sflag:s0] =	ssyncset.done $0x0;
	(pc) =	sbr.rel @p0 .LBB2_1-.Ltmp3, $4  }
0x3f6: {  	[sflag:s0] =	ssyncadd.s32 $0xFFFFFF38  }
0x3f7: {  	_ =	swait.ge [sflag:s0], $0xC8  }
0x3f8: {  	[sflag:s0] =	ssyncset.done $0x0  }
0x3f9: {  	[sflag:s0] =	ssyncadd.s32 $0xFFFFFF38  }
0x3fa: {  	_ =	sfence.sel $0x180000  }
0x3fb: {  	[bflag:$0x0] =	sbarrier.arrive $0xFFFF  }
0x3fc: {  	_ =	strace $0x9000004A  }
0x3fd: {  	s0 =	stileid.u32;
	[bflag:$0x2] =	sbarrier.arrive $0xFFFF  }
0x3fe: {  	p0 =	sne.s32 s0, $0x0;
	s0 =	rddreg [dreg:$0x3]  }
0x3ff: {  	s0 =	sadd.s32 @!p0 $0x100000, s0  }
0x400: {  	[sflag:s0] =	ssyncadd.tile.s32 @!p0 $0x1;
	_ =	shalt  }
.Lfunc_end2:
_tile_overlayer_lowered:
.L_overlay_start_2:
0x401: {  	(tag) =	ssettag $0x2  }
0x402: {  	s0 =	rddreg [dreg:$0x0];
	s2 =	stileid.u32  }
0x403: {  	s1 =	rddreg [dreg:$0x1];
	p0 =	sne.s32 s2, $0x0  }
0x404: {  	s3 =	rddreg [dreg:$0x2];
	[bflag:$0x3] =	sbarrier.arrive $0xFFFF;
	s2 =	simm.s32 @!p0 $0x1C04  }
0x405: {  	[timem:s3], [sflag:s2] =	dma.local @!p0 [hbm:s0], s1  }
0x406: {  	s0 =	simm.s32 @!p0 $0x4  }
0x407: {  	_ =	swait.ge @!p0 [sflag:s0], s1  }
0x408: {  	s1 =	ssub.s32 @!p0 $0x0, s1;
	[sflag:s0] =	ssyncset.done @!p0 $0x0  }
0x409: {  	[sflag:s0] =	ssyncadd.s32 @!p0 s1  }
0x40a: {  	[bflag:$0x3] =	sbarrier.arrive $0xFFFF  }
0x40b: {  	_ =	shalt  }

// kernel: sparse-core-data-format-call.cloned.1.call-start
scs
called_computation_lowered:
.L_overlay_start_0:
0x0: {  	s2 =	sld [smem:$0x3FD9]  }
0x1: {  	s3 =	sld [smem:$0x3FFE];
	_ =	sdelay $0x1  }
0x2: {  	s1 =	srdreg.scid  }
0x3: {  	s0 =	sand.u32 $0x1, s1  }
0x4: {  	s18 =	sshll.u32 s0, $0xA;
	s2 =	sadd.s32 s3, s2  }
0x5: {  	s2 =	sadd.s32 s2, s18  }
0x6: {  	[smem:$0x3FC4] =	sst s2  }
0x7: {  	_ = 	snop  }
0x8: {  	s2 =	sld [smem:$0x3FC7];
	(tm) =	ssettm $0x1  }
0x9: {  	s19 =	sld [smem:$0x3FFB];
	_ =	sdelay $0x3  }
0xa: {  	_ =	strace s19  }
0xb: {  	s3 =	sld [smem:$0x3FFC];
	_ =	sdelay $0x3  }
0xc: {  	_ =	strace s3  }
0xd: {  	s3 =	sld [smem:$0x3FFD];
	_ =	sdelay $0x3  }
0xe: {  	_ =	strace s3  }
0xf: {  	_ =	strace $0x8FFFFFFF  }
0x10: {  	s20 =	sld [smem:$0x3FDB];
	_ =	sdelay $0x1  }
0x11: {  	s4 =	simm.s32 $_scs_section_size  }
0x12: {  	s5 =	simm.s32 $_size__tile_overlayer_lowered;
	s6 =	simm.s32 $_tile_overlayer_lowered  }
0x13: {  	s23 =	simm.s32 $0x1BFF;
	s22 =	sshll.u32 s6, $0x1;
	s3 =	sadd.s32 s4, s20  }
0x14: {  	s7 =	simm.s32 $0x0;
	s21 =	sshll.u32 s5, $0x1;
	s5 =	sadd.s32 s22, s3  }
0x15: {  	[timem:s7], [sflag:s23] =	dma.local [hbm:s5], s21  }
0x16: {  	_ =	swait.ge [sflag:s23], s21  }
0x17: {  	s4 =	ssub.s32 $0x0, s21;
	[sflag:s23] =	ssyncset.done $0x0  }
0x18: {  	[sflag:s23] =	ssyncadd.s32 s4;
	_ =	sdelay $0x1  }
0x19: {  	s24 =	simm.s32 $0x1B8B  }
0x1a: {  	_ =	swait.ge [sflag:s24], $0x1  }
0x1b: {  	[sflag:s24] =	ssyncset.done $0x0  }
0x1c: {  	s26 =	simm.s32 $0x1B8E;
	s25 =	sld [smem:$0x3FFE];
	[sflag:s24] =	ssyncadd.s32 $0xFFFFFFFF  }
0x1d: {  	s27 =	simm.s32 $execute0_lowered;
	[smem:$0x3FD2] =	sst s26  }
0x1e: {  	s5 =	sshll.u32 s27, $0x1;
	_ =	strace $0x80000046;
	[dreg:$0x1] =	wrdreg $0xFFFFFFFF  }
0x1f: {  	s28 =	simm.s32 $_size_execute0_lowered;
	s3 =	sadd.s32 s3, s5;
	[dreg:$0x0] =	wrdreg $0x0  }
0x20: {  	s5 =	sshll.u32 s28, $0x1;
	[dreg:$0x2] =	wrdreg s3  }
0x21: {  	[dreg:$0x3] =	wrdreg s5  }
0x22: {  	[dreg:$0x4] =	wrdreg $0xC0  }
0x23: {  	_ =	task [dreg:s7], $0x5FFFF  }
0x24: {  	[dreg:$0x1] =	wrdreg $0xFFFFFFFF  }
0x25: {  	[dreg:$0x0] =	wrdreg $0x60  }
0x26: {  	[dreg:$0x2] =	wrdreg s2  }
0x27: {  	[dreg:$0x3] =	wrdreg s25  }
0x28: {  	[dreg:$0x4] =	wrdreg $0x9  }
0x29: {  	_ =	task.clear_ibuf [dreg:s7], $0x5FFFF;
	_ =	strace $0x90000046  }
0x2a: {  	s29 =	simm.s32 $0x9;
	_ =	strace $0x80000048  }
0x2b: {  	_ =	swait.ge [sflag:s29], $0x1  }
0x2c: {  	[sflag:s29] =	ssyncadd.s32 $0xFFFFFFFF  }
0x2d: {  	_ =	strace $0x90000048  }
0x2e: {  	_ =	sfence  }
0x2f: {  	s30 =	sld [smem:$0x0];
	_ =	sdelay $0x2  }
0x30: {  	s31 =	sshll.u32 s1, $0xD;
	s1 =	sshrl.u32 s1, $0x2  }
0x31: {  	s3 =	sand.u32 $0x4000, s31;
	s1 =	sadd.s32 s1, s30  }
0x32: {  	s0 =	sor.u32 s3, s0;
	s1 =	sshll.u32 s1, $0x11  }
0x33: {  	s0 =	sor.u32 s1, s0  }
0x34: {  	s0 =	sadd.s32 $0x8F2B, s0  }
0x35: {  	[sflag:s0] =	ssyncadd.remote.s32 $0x1  }
0x36: {  	_ =	sfence.sel $0xFFFF  }
0x37: {  	[dreg:$0x0] =	wrdreg $0xFFFFFFFF;
	(pc) =	sbr.abs _section_cstart, $3  }
0x38: {  	[dreg:$0x1] =	wrdreg $0xFFFFFFFF  }
0x39: {  	_ =	task.clear_ibuf [dreg:s7], $0x2FFFF;
	_ =	strace $0x9FFFFFFF  }
0x3a: {  	(tm) =	ssettm $0x7FFFFFFF  }
0x3b: {  	_ =	shalt  }
tec
execute0_lowered:
.L_overlay_start_1:
0x0: {  	(tag) =	ssettag $0x1  }
0x1: {  	s0 =	srdreg.scid;
	s2 =	rddreg [dreg:$0x0]  }
0x2: {  	s5 =	rddreg [dreg:$0x1];
	s1 =	stileid.u32  }
0x3: {  	s4 =	simm.s32 $0x1;
	s6 =	simm.s32 $0x2;
	s15 =	simm.s32 $0x0  }
0x4: {  	p0 =	por $0x0, $0x0;
	s8 =	simm.s32 $0x80;
	s0 =	sshll.u32 s0, $0x4  }
0x5: {  	s14 =	simm.s32 $0x0;
	s9 =	simm.s32 $0x0;
	s3 =	sand.u32 $0x10, s0  }
.Ltmp0:
0x6: {  	s10 =	simm.s32 $0x0;
	s3 =	sor.u32 s1, s3;
	(pc) =	sbr.rel .LBB1_1-.Ltmp0, $4  }
0x7: {  	s0 =	rddreg [dreg:$0x2];
	_ =	strace $0x80000047;
	s3 =	sshll.u32 s3, $0x7  }
0x8: {  	s12 =	simm.s32 $0x0;
	[sflag:s4] =	ssyncpa.u1 $0x0;
	s7 =	ssub.s32 $0xF4200, s3  }
0x9: {  	s13 =	simm.s32 $0x0;
	[sflag:s6] =	ssyncpa.u1 $0x0;
	s6 =	sshrl.u32 s7, $0xC  }
0xa: {  	s5 =	sadd.s32 $0xC00, s5;
	s11 =	smov.u32 s3;
	s7 =	sadd.s32 $0x2, s6  }
.LBB1_5:
0xb: {  	p1 =	slt.u32 s13, $0x2  }
0xc: {  	s17 =	smov.u32 s15;
	p2 =	sgt.s32 @!p1 s15, $0xF41C0;
	s16 =	sshra.s32 @!p1 s15, $0x1F  }
0xd: {  	p3 =	sgt.s32 @!p1 s14, $0x40;
	s18 =	sshra.s32 @!p1 s14, $0x1F;
	p2 =	por !p2, p1  }
0xe: {  	s15 =	sand.u32 @!p1 s16, s15;
	p3 =	por !p3, p1;
	s16 =	smov.u32 s14  }
0xf: {  	s14 =	sand.u32 @!p1 s18, s14;
	s17 =	simm.s32 @p2 $0xF41C0;
	s16 =	simm.s32 @p3 $0x40  }
0x10: {  	s15 =	ssub.s32 @!p1 s17, s15;
	s14 =	ssub.s32 @!p1 s16, s14  }
0x11: {  	s18 =	smov.u32 s12;
	s16 =	sadd.s32 @!p1 $0xFFF0BE40, s15;
	s17 =	sadd.s32 @!p1 $0xFFFFFFC0, s14  }
0x12: {  	s15 =	ssub.s32 @!p1 $0xF4240, s15;
	p2 =	sgt.s32 @!p1 s16, $0x7F;
	p3 =	sgt.s32 @!p1 s17, $0x3F  }
0x13: {  	s14 =	ssub.s32 @!p1 $0x80, s14;
	p2 =	por !p2, p1;
	p3 =	por !p3, p1  }
0x14: {  	s16 =	sadd.s32 $0x1000, s11;
	s15 =	simm.s32 @!p2 $0x0;
	s14 =	simm.s32 @!p3 $0x0  }
0x15: {  	p2 =	sgt.s32 s16, $0xF423F;
	s14 =	smul.u32 @!p1 s14, s15;
	s15 =	sadd.s32 $0x40, s12  }
0x16: {  	s18 =	smov.u32 @p2 s15  }
0x17: {  	s16 =	smov.u32 @p2 s3;
	p2 =	sgt.s32 s18, $0x3F  }
0x18: {  	s18 =	simm.s32 @p2 $0x0;
	p2 =	sne.s32 s13, s7  }
.Ltmp1:
0x19: {  	p0 =	por !p0, !p0;
	s17 =	simm.s32 @!p1 $0x2;
	(pc) =	sbr.rel @!p2 .LBB1_6-.Ltmp1, $4  }
0x1a: {  	s15 =	smov.u32 s9;
	s9 =	smov.u32 s11;
	s14 =	sand.u32 @!p1 $0x3FFFFFFF, s14  }
0x1b: {  	s11 =	smov.u32 s16;
	_ =	swait.ge @!p1 [sflag:s17], s14;
	s19 =	ssub.s32 @!p1 $0x0, s14  }
0x1c: {  	s14 =	smov.u32 s10;
	s13 =	sadd.s32 $0x1, s13;
	[sflag:s17] =	ssyncset.done @!p1 $0x0  }
0x1d: {  	s10 =	smov.u32 s12;
	s12 =	smov.u32 s18;
	[sflag:s17] =	ssyncadd.s32 @!p1 s19  }
.LBB1_1:
0x1e: {  	p1 =	sgt.u32 s13, s6  }
0x1f: {  	s16 =	sshrl.u32 @!p1 s12, $0x3  }
0x20: {  	s17 =	sshll.u32 @!p1 s11, $0x3;
	s16 =	smul.u32 @!p1 $0x7A1400, s16  }
0x21: {  	s18 =	sshll.u32 @!p1 s12, $0x7;
	s17 =	sand.u32 @!p1 $0xFFFFFC00, s17  }
0x22: {  	s16 =	sadd.s32 @!p1 s16, s17;
	s17 =	sand.u32 @!p1 $0x380, s18  }
0x23: {  	s18 =	sand.u32 @!p1 $0x7F, s11;
	s16 =	sor.u32 @!p1 s17, s16  }
0x24: {  	s17 =	sor.u32 @!p1 s18, s16  }
0x25: {  	s18 =	smulhi.u32 @!p1 $0x218D6287, s17;
	_ =	sdelay $0x1  }
0x26: {  	s16 =	smulhi.u32 @!p1 $0x218D6287, s16;
	s18 =	sshrl.u32 @!p1 s18, $0x11  }
0x27: {  	s18 =	smul.u32 @!p1 $0xF4280, s18  }
0x28: {  	s19 =	sxor.u32 @!p1 $0xFFFFFFFF, s13;
	s16 =	sshrl.u32 @!p1 s16, $0x11  }
0x29: {  	s19 =	sshll.u32 @!p1 s19, $0xD;
	s16 =	sand.u32 @!p1 $0x3F, s16;
	s17 =	ssub.s32 @!p1 s17, s18  }
0x2a: {  	s16 =	smul.u32 @!p1 $0x1E850, s16;
	s18 =	sshrl.u32 @!p1 s17, $0x3;
	s17 =	sand.u32 @!p1 $0x7, s17  }
0x2b: {  	s19 =	sand.u32 @!p1 $0x2000, s19;
	s18 =	sadd.s32 @!p1 s2, s18;
	s17 =	sshll.u32 @!p1 s17, $0x12  }
0x2c: {  	s16 =	sadd.s32 @!p1 s16, s18;
	s17 =	sor.u32 @!p1 $0x400, s17;
	s18 =	simm.s32 @!p1 $0x7A1400  }
0x2d: {  	[tilespmem:s19], [sflag:$0x1] =	stream.strided.gather @!p1 [hbm4b:s16+s17], $0x2000, s18, s17, $0x38;
	[tilespmem:$0x8100] =	vst v63  }
0x2e: {  	p1 =	seq.s32 s13, $0x0  }
0x2f: {  	p2 =	sge.u32 @!p1 s13, s7  }
0x30: {  	p1 =	por p1, p2  }
.Ltmp2:
0x31: {  	_ = 	snop;
	(pc) =	sbr.rel @p1 .LBB1_5-.Ltmp2, $1  }
0x32: {  	_ =	sdelay $0x3  }
0x33: {  	s16 =	simm.s32 $0x1  }
0x34: {  	_ =	swait.ge [sflag:s4], $0x2000;
	s16 =	simm.s32 @!p0 $0x0  }
0x35: {  	[sflag:s4] =	ssyncset.done $0x0;
	s17 =	sshll.u32 s16, $0xD  }
0x36: {  	[sflag:s4] =	ssyncadd.s32 $0xFFFFE000;
	s17 =	sor.u32 $0x40, s17  }
0x37: {  	s16 =	smul.u32 $0x8200, s16;
	v0 =	vld [tilespmem:s17+$0x30]  }
0x38: {  	v1 =	vld [tilespmem:s17+$0xFFFFFFD0]  }
0x39: {  	s16 =	sshrl.u32 s16, $0x2;
	v5 =	vld [tilespmem:s17+$0xFFFFFFE0]  }
0x3a: {  	v6 =	vld [tilespmem:s17+$0xFFFFFFF0];
	s19 =	sor.u32 $0x4000, s16  }
0x3b: {  	s31 =	sand.u32 $0x1, s13;
	v4 =	vld [tilespmem:s17+$0x0];
	s18 =	sadd.s32 $0x0, s19  }
0x3c: {  	v3 =	vld [tilespmem:s17+$0x10];
	s16 =	smul.u32 $0x8200, s31;
	[tilespmem:s18+$0x1C70 ss:$0x41] =	vst.msk $0xffff, v0  }
0x3d: {  	v2 =	vld [tilespmem:s17+$0x20];
	[tilespmem:s18+$0x410 ss:$0x41] =	vst.msk $0xffff, v1  }
0x3e: {  	s16 =	sshrl.u32 s16, $0x2;
	v1 =	vld [tilespmem:s17+$0xFFFFFFC0];
	[tilespmem:s18+$0x820 ss:$0x41] =	vst.msk $0xffff, v5;
	s17 =	sadd.s32 $0x80, s17  }
0x3f: {  	s20 =	simm.s32 $0x4;
	s21 =	simm.s32 $0x8;
	s16 =	sor.u32 $0x4000, s16;
	[tilespmem:s18+$0xC30 ss:$0x41] =	vst.msk $0xffff, v6;
	v0 =	vld [tilespmem:s17+$0x30]  }
.LBB1_3:
0x40: {  	p1 =	sne.s32 s21, $0xFC;
	v5 =	vld [tilespmem:s17+$0xFFFFFFD0];
	[tilespmem:s18+$0x1040 ss:$0x41] =	vst.msk $0xffff, v4  }
0x41: {  	v6 =	vld [tilespmem:s17+$0xFFFFFFE0];
	[tilespmem:s18+$0x1450 ss:$0x41] =	vst.msk $0xffff, v3  }
0x42: {  	s22 =	sshra.s32 s20, $0x2;
	s20 =	smov.u32 s21;
	v7 =	vld [tilespmem:s17+$0xFFFFFFF0];
	[tilespmem:s18+$0x1860 ss:$0x41] =	vst.msk $0xffff, v2  }
.Ltmp3:
0x43: {  	v4 =	vld [tilespmem:s17+$0x0];
	[tilespmem:s18+$0x0 ss:$0x41] =	vst.msk $0xffff, v1;
	s18 =	sadd.s32 s22, s19;
	(pc) =	sbr.rel @p1 .LBB1_3-.Ltmp3, $4  }
0x44: {  	v3 =	vld [tilespmem:s17+$0x10];
	[tilespmem:s18+$0x1C70 ss:$0x41] =	vst.msk $0xffff, v0  }
0x45: {  	[tilespmem:s18+$0x410 ss:$0x41] =	vst.msk $0xffff, v5;
	v2 =	vld [tilespmem:s17+$0x20]  }
0x46: {  	v1 =	vld [tilespmem:s17+$0xFFFFFFC0];
	[tilespmem:s18+$0x820 ss:$0x41] =	vst.msk $0xffff, v6;
	s17 =	sadd.s32 $0x80, s17  }
0x47: {  	s21 =	sadd.s32 $0x4, s21;
	v0 =	vld [tilespmem:s17+$0x30];
	[tilespmem:s18+$0xC30 ss:$0x41] =	vst.msk $0xffff, v7  }
0x48: {  	s21 =	sshll.u32 s9, $0x7;
	s22 =	sshll.u32 s10, $0x3;
	s20 =	sshra.s32 s20, $0x2  }
0x49: {  	p1 =	sgt.s32 s9, $0xF41C0;
	s30 =	sshra.s32 s9, $0x1F;
	s25 =	sshra.s32 s10, $0x1F  }
0x4a: {  	v5 =	vld [tilespmem:s17+$0xFFFFFFD0];
	s28 =	sshrl.u32 s10, $0x3;
	s23 =	sand.u32 $0xFFFFFC00, s21;
	s22 =	sand.u32 $0xFFFFFC00, s22  }
0x4b: {  	[tilespmem:s18+$0x1040 ss:$0x41] =	vst.msk $0xffff, v4;
	v58 =	vld [tilespmem:s17+$0xFFFFFFE0];
	s21 =	sand.u32 $0x380, s21;
	s19 =	sadd.s32 s20, s19;
	s22 =	sadd.s32 s22, s23  }
0x4c: {  	v59 =	vld [tilespmem:s17+$0xFFFFFFF0];
	[tilespmem:s18+$0x1450 ss:$0x41] =	vst.msk $0xffff, v3;
	s29 =	sor.u32 s21, s22;
	s21 =	smov.u32 s9;
	s22 =	sand.u32 s30, s9  }
0x4d: {  	v60 =	vld [tilespmem:s17+$0x0];
	[tilespmem:s18+$0x1860 ss:$0x41] =	vst.msk $0xffff, v2;
	s30 =	sand.u32 $0x7, s10;
	s20 =	sshrl.u32 s29, $0x7;
	s21 =	simm.s32 @!p1 $0xF41C0  }
0x4e: {  	v61 =	vld [tilespmem:s17+$0x10];
	[tilespmem:s18+$0x0 ss:$0x41] =	vst.msk $0xffff, v1;
	p1 =	sgt.s32 s10, $0x40;
	s24 =	ssub.s32 s21, s22;
	s21 =	smov.u32 s10  }
0x4f: {  	v62 =	vld [tilespmem:s17+$0x20];
	[tilespmem:s19+$0x1C70 ss:$0x41] =	vst.msk $0xffff, v0;
	s31 =	smulhi.u32 $0x218DEF5, s20;
	s22 =	sand.u32 s25, s10;
	s21 =	simm.s32 @!p1 $0x40  }
0x50: {  	v63 =	vld [tilespmem:s17+$0xFFFFFFC0];
	[tilespmem:s19+$0x410 ss:$0x41] =	vst.msk $0xffff, v5;
	s26 =	sadd.s32 $0xFFF0BE40, s24;
	s17 =	ssub.s32 $0xF4240, s24;
	s21 =	ssub.s32 s21, s22  }
0x51: {  	[tilespmem:s19+$0x820 ss:$0x41] =	vst.msk $0xffff, v58;
	s23 =	sshrl.u32 s31, $0xD;
	p1 =	sgt.s32 s26, $0x7F;
	s27 =	sadd.s32 $0xFFFFFFC0, s21  }
0x52: {  	[tilespmem:s19+$0xC30 ss:$0x41] =	vst.msk $0xffff, v59;
	s23 =	smul.u32 $0xF4240, s23;
	s18 =	ssub.s32 $0x80, s21;
	p2 =	sgt.s32 s27, $0x3F  }
.Ltmp4:
0x53: {  	[tilespmem:s19+$0x1040 ss:$0x41] =	vst.msk $0xffff, v60;
	s17 =	simm.s32 @p1 $0x0;
	s18 =	simm.s32 @p2 $0x0;
	(pc) =	sbr.rel .LBB1_5-.Ltmp4, $4  }
0x54: {  	s29 =	sand.u32 $0xF, s28;
	[tilespmem:s19+$0x1450 ss:$0x41] =	vst.msk $0xffff, v61;
	s20 =	ssub.s32 s20, s23;
	s17 =	smul.u32 s18, s17  }
0x55: {  	[tilespmem:s19+$0x1860 ss:$0x41] =	vst.msk $0xffff, v62;
	s21 =	sshll.u32 s30, $0x12;
	s20 =	sshll.u32 s20, $0x4;
	s18 =	sadd.s32 s5, s29  }
0x56: {  	[tilespmem:s19+$0x0 ss:$0x41] =	vst.msk $0xffff, v63;
	s31 =	sor.u32 $0x40, s21;
	s18 =	sadd.s32 s20, s18;
	s17 =	sand.u32 $0x3FFFFFFF, s17  }
0x57: {  	[hbm4b:s18+s31] =	stream.strided.scatter [tilespmem:s16], [sflag:$0x2], s17, s8, s31, $0x18;
	[tilespmem:$0x8100] =	vst v63  }
.LBB1_6:
0x58: {  	_ =	sfence.sel $0x180000  }
0x59: {  	s2 =	simm.s32 $0x1;
	[bflag:$0x0] =	sbarrier.arrive $0xFFFF  }
0x5a: {  	s31 =	simm.s32 $0x2;
	[sflag:s2] =	ssyncpa.u1 $0x1  }
0x5b: {  	[sflag:s31] =	ssyncpa.u1 $0x1  }
0x5c: {  	p0 =	sne.s32 s1, $0x0;
	_ =	strace $0x90000047  }
0x5d: {  	s0 =	sadd.s32 @!p0 $0x100000, s0;
	[bflag:$0x2] =	sbarrier.arrive $0xFFFF  }
0x5e: {  	[sflag:s0] =	ssyncadd.tile.s32 @!p0 $0x1;
	_ =	shalt  }
.Lfunc_end1:
_tile_overlayer_lowered:
.L_overlay_start_2:
0x5f: {  	(tag) =	ssettag $0x2  }
0x60: {  	s0 =	rddreg [dreg:$0x0];
	s2 =	stileid.u32  }
0x61: {  	s1 =	rddreg [dreg:$0x1];
	p0 =	sne.s32 s2, $0x0  }
0x62: {  	s3 =	rddreg [dreg:$0x2];
	[bflag:$0x3] =	sbarrier.arrive $0xFFFF;
	s2 =	simm.s32 @!p0 $0x1C01  }
0x63: {  	[timem:s3], [sflag:s2] =	dma.local @!p0 [hbm:s0], s1  }
0x64: {  	s0 =	simm.s32 @!p0 $0x1  }
0x65: {  	_ =	swait.ge @!p0 [sflag:s0], s1  }
0x66: {  	s1 =	ssub.s32 @!p0 $0x0, s1;
	[sflag:s0] =	ssyncset.done @!p0 $0x0  }
0x67: {  	[sflag:s0] =	ssyncadd.s32 @!p0 s1  }
0x68: {  	[bflag:$0x3] =	sbarrier.arrive $0xFFFF  }
0x69: {  	_ =	shalt  }

</sc_bundles>
